<compile_context>
chip_gen: v7x
topology: tpu7x:2x2x1
jax: 0.10.2.dev20260603
libtpu: 0.0.44.dev20260713+nightly
codegen_flags: <defaults>
</compile_context>

<pallas_src>
import functools

import jax
import jax.numpy as jnp
from jax import lax
from jax.experimental import pallas as pl
from jax.experimental.pallas import tpu as pltpu
from jax.experimental.pallas import tpu_sc as plsc

GRID = 8
NMS_SIZE = 4
DET_THRESH = 0.015
TOP_K = 300
K_CAND = 1024
H = W = 64
HW = H * W
CIN = 128
CMID = 256
COUT = 65
HEAT = H * GRID
NPIX = HEAT * HEAT

NB = 4096
CAP = 1664
PCAP = 1664 + 64
NTILE_IMG = 8
CHUNK = NPIX // NTILE_IMG
NV = CHUNK // 16


def _head_body(xp_ref, wa_ref, ba_ref, wb_ref, bb_ref, logits_ref, prob_ref,
               xcol_ref):
    for t in range(9):
        dy, dx = t // 3, t % 3
        xcol_ref[:, t * CIN:(t + 1) * CIN] = (
            xp_ref[0, dy:dy + H, dx:dx + W, :].reshape(HW, CIN))
    acc = jax.lax.dot(xcol_ref[...], wa_ref[...],
                      preferred_element_type=jnp.float32)
    h = jnp.maximum(acc + ba_ref[...], 0.0)
    lg = jax.lax.dot(h, wb_ref[...],
                     preferred_element_type=jnp.float32) + bb_ref[...]
    logits_ref[0] = lg
    m = jnp.max(lg, axis=1, keepdims=True)
    e = jnp.exp(lg - m)
    s = jnp.sum(e, axis=1, keepdims=True)
    prob_ref[0] = (e / s)[:, :GRID * GRID]


def _conv_softmax(xp, wa, ba, wb, bb):
    B = xp.shape[0]
    return pl.pallas_call(
        _head_body,
        grid=(B,),
        in_specs=[
            pl.BlockSpec((1, H + 8, W + 8, CIN), lambda b: (b, 0, 0, 0)),
            pl.BlockSpec((9 * CIN, CMID), lambda b: (0, 0)),
            pl.BlockSpec((1, CMID), lambda b: (0, 0)),
            pl.BlockSpec((CMID, COUT), lambda b: (0, 0)),
            pl.BlockSpec((1, COUT), lambda b: (0, 0)),
        ],
        out_specs=[
            pl.BlockSpec((1, HW, COUT), lambda b: (b, 0, 0)),
            pl.BlockSpec((1, HW, GRID * GRID), lambda b: (b, 0, 0)),
        ],
        out_shape=[
            jax.ShapeDtypeStruct((B, HW, COUT), jnp.float32),
            jax.ShapeDtypeStruct((B, HW, GRID * GRID), jnp.float32),
        ],
        scratch_shapes=[pltpu.VMEM((HW, 9 * CIN), jnp.float32)],
    )(xp, wa, ba, wb, bb)


def _hist_body(heat_hbm, hist_hbm, chunk_v, hist_v):
    c = lax.axis_index("c")
    s = lax.axis_index("s")
    wid = c * 16 + s
    b = wid // NTILE_IMG
    p = wid % NTILE_IMG

    off = b * NPIX + p * CHUNK
    pltpu.sync_copy(heat_hbm.at[pl.ds(off, CHUNK)], chunk_v)

    zeros16 = jnp.zeros((16,), jnp.int32)

    def zero_step(i, carry):
        hist_v[pl.ds(i * 16, 16)] = zeros16
        return carry

    lax.fori_loop(0, NB // 16, zero_step, 0)
    ones16 = jnp.ones((16,), jnp.int32)

    def hist_step(i, carry):
        v = chunk_v[pl.ds(i * 16, 16)]
        bn = jnp.minimum((v * float(NB)).astype(jnp.int32), NB - 1)
        plsc.addupdate_scatter(hist_v, [bn], ones16)
        return carry

    lax.fori_loop(0, NV, hist_step, 0)
    pltpu.sync_copy(hist_v, hist_hbm.at[b, p])


def _compact_body(heat_hbm, hist_hbm, out_score, out_idx,
                  chunk_v, stage_v, cs_v, ci_v):
    c = lax.axis_index("c")
    s = lax.axis_index("s")
    wid = c * 16 + s
    b = wid // NTILE_IMG
    p = wid % NTILE_IMG

    off = b * NPIX + p * CHUNK
    pltpu.sync_copy(heat_hbm.at[pl.ds(off, CHUNK)], chunk_v)
    pltpu.sync_copy(hist_hbm.at[b], stage_v)

    def scan_tbin(jj, carry):
        suffix, tbin, found = carry
        j = NB // 16 - 1 - jj
        vec = jnp.zeros((16,), jnp.int32)
        for r in range(NTILE_IMG):
            vec = vec + stage_v[r, pl.ds(j * 16, 16)]
        rc = plsc.cumsum(lax.rev(vec, (0,)))
        tot = rc + suffix
        cond = tot >= K_CAND
        npc = jnp.sum(cond.astype(jnp.int32))
        t_j = j * 16 + npc - 1
        hit = jnp.logical_and(npc > 0, jnp.logical_not(found))
        tbin = jnp.where(hit, t_j, tbin)
        found = jnp.logical_or(found, npc > 0)
        suffix = suffix + jnp.sum(vec)
        return suffix, tbin, found

    _, tbin, _ = lax.fori_loop(
        0, NB // 16, scan_tbin,
        (jnp.int32(0), jnp.int32(0), jnp.bool_(False)))

    lane = lax.iota(jnp.int32, 16)
    j_lo = tbin // 16

    def cnt_step(j, pcnt):
        sel = (lane + j * 16) >= tbin
        active = j >= j_lo
        out = []
        for r in range(NTILE_IMG):
            rv = stage_v[r, pl.ds(j * 16, 16)]
            out.append(pcnt[r] + jnp.where(
                active, jnp.sum(jnp.where(sel, rv, 0)), 0))
        return tuple(out)

    pcnt = lax.fori_loop(0, NB // 16, cnt_step,
                         tuple(jnp.int32(0) for _ in range(NTILE_IMG)))

    def pad64(x):
        return jnp.minimum((x + 63) // 64 * 64, PCAP)

    offset = jnp.int32(0)
    my_cnt = jnp.int32(0)
    total64 = jnp.int32(0)
    for r in range(NTILE_IMG):
        offset = offset + jnp.where(jnp.int32(r) < p, pad64(pcnt[r]), 0)
        my_cnt = jnp.where(jnp.int32(r) == p, pcnt[r], my_cnt)
        total64 = total64 + pad64(pcnt[r])
    my_pad = pad64(my_cnt)
    offset = pl.multiple_of(offset, 64)

    tvec = jnp.full((16,), 1, jnp.int32) * tbin
    base_in_img = p * CHUNK

    def compact_step(i, cnt):
        v = chunk_v[pl.ds(i * 16, 16)]
        bn = jnp.minimum((v * float(NB)).astype(jnp.int32), NB - 1)
        m = bn >= tvec
        npc = jnp.sum(m.astype(jnp.int32))

        @pl.when(jnp.logical_and(npc > 0, cnt <= PCAP - 16))
        def _store():
            idxv = base_in_img + i * 16 + lane
            plsc.store_compressed(cs_v.at[pl.ds(cnt, 16)], v, mask=m)
            plsc.store_compressed(ci_v.at[pl.ds(cnt, 16)], idxv, mask=m)

        return jnp.minimum(cnt + npc, PCAP)

    cnt = lax.fori_loop(0, NV, compact_step, jnp.int32(0))

    neg16f = jnp.full((16,), -1.0, jnp.float32)
    zeros16i = jnp.zeros((16,), jnp.int32)

    def pad_step(k, carry):
        pos = cnt + k * 16

        @pl.when(pos < my_pad)
        def _pad():
            cs_v[pl.ds(pos, 16)] = neg16f
            ci_v[pl.ds(pos, 16)] = zeros16i

        return carry

    lax.fori_loop(0, 4, pad_step, 0)

    def write_step(k, carry):
        @pl.when(jnp.logical_and(k * 64 < my_pad,
                                 offset + k * 64 <= CAP - 64))
        def _wr():
            dst = pl.multiple_of(b * CAP + offset + k * 64, 64)
            pltpu.sync_copy(cs_v.at[pl.ds(k * 64, 64)],
                            out_score.at[pl.ds(dst, 64)])
            pltpu.sync_copy(ci_v.at[pl.ds(k * 64, 64)],
                            out_idx.at[pl.ds(dst, 64)])

        return carry

    lax.fori_loop(0, PCAP // 64, write_step, 0)

    @pl.when(p == 0)
    def _tail():
        def sent_step(k, carry):
            cs_v[pl.ds(k * 16, 16)] = neg16f
            return carry

        lax.fori_loop(0, 4, sent_step, 0)

        def tail_step(k, carry):
            dst = total64 + k * 64

            @pl.when(dst <= CAP - 64)
            def _wr():
                d2 = pl.multiple_of(b * CAP + dst, 64)
                pltpu.sync_copy(cs_v.at[pl.ds(0, 64)],
                                out_score.at[pl.ds(d2, 64)])

            return carry

        lax.fori_loop(0, CAP // 64, tail_step, 0)


def _sc_select(heat_flat):
    B = heat_flat.shape[0] // NPIX
    mesh = plsc.VectorSubcoreMesh(core_axis_name="c", subcore_axis_name="s")
    params = pltpu.CompilerParams(needs_layout_passes=False)
    (hist,) = pl.kernel(
        _hist_body,
        mesh=mesh,
        compiler_params=params,
        out_type=[jax.ShapeDtypeStruct((B, NTILE_IMG, NB), jnp.int32)],
        scratch_types=[
            pltpu.VMEM((CHUNK,), jnp.float32),
            pltpu.VMEM((NB,), jnp.int32),
        ],
    )(heat_flat)
    return pl.kernel(
        _compact_body,
        mesh=mesh,
        compiler_params=params,
        out_type=[
            jax.ShapeDtypeStruct((B * CAP,), jnp.float32),
            jax.ShapeDtypeStruct((B * CAP,), jnp.int32),
        ],
        scratch_types=[
            pltpu.VMEM((CHUNK,), jnp.float32),
            pltpu.VMEM((NTILE_IMG, NB), jnp.int32),
            pltpu.VMEM((PCAP,), jnp.float32),
            pltpu.VMEM((PCAP,), jnp.int32),
        ],
    )(heat_flat, hist)


def _nms_body(sr_ref, sc_ref, yr_ref, yc_ref, xr_ref, xc_ref,
              ir_ref, ic_ref, out_ref, o_ref, p_ref):
    BL = 208
    s_r = sr_ref[0]
    y_r = yr_ref[0]
    x_r = xr_ref[0]
    i_r = ir_ref[0]
    for jb in range(CAP // BL):
        sl = slice(jb * BL, (jb + 1) * BL)
        s_c = sc_ref[0, sl, :]
        dy = jnp.abs(yc_ref[0, sl, :] - y_r)
        dx = jnp.abs(xc_ref[0, sl, :] - x_r)
        inter = jnp.maximum(4.0 - dy, 0.0) * jnp.maximum(4.0 - dx, 0.0)
        ov = inter >= 3.0
        prec = (s_c > s_r) | ((s_c == s_r) & (ic_ref[0, sl, :] < i_r))
        p_ref[sl, :] = prec.astype(jnp.bfloat16)
        o_ref[sl, :] = (ov & prec).astype(jnp.bfloat16)

    pmat = p_ref[...]
    rank = jnp.sum(pmat.astype(jnp.float32), axis=0, keepdims=True)
    valid = ((rank < float(K_CAND)) & (s_r >= DET_THRESH)).astype(jnp.float32)
    omat = o_ref[...]

    def cond(st):
        return st[2] > 0

    def body(st):
        kept, undec, _ = st
        lhs = jnp.concatenate([kept, undec], axis=0).astype(jnp.bfloat16)
        au = jax.lax.dot_general(lhs, omat, (((1,), (0,)), ((), ())),
                                 preferred_element_type=jnp.float32)
        a_k = au[0:1]
        a_u = au[1:2]
        newly_sup = undec * (a_k > 0)
        newly_kept = undec * (a_k == 0) * (a_u == 0)
        kept = kept + newly_kept
        undec = undec - newly_sup - newly_kept
        return kept, undec, jnp.sum(undec)

    kept, _, _ = lax.while_loop(
        cond, body,
        (jnp.zeros_like(valid), valid, jnp.sum(valid)))
    kr = jax.lax.dot_general(kept.astype(jnp.bfloat16), pmat,
                             (((1,), (0,)), ((), ())),
                             preferred_element_type=jnp.float32)
    final = kept * (kr < float(TOP_K))
    out_ref[0] = jnp.where(final > 0, s_r, 0.0)


def _nms_kernel(scores, idx):
    B = scores.shape[0]
    ys = (idx // HEAT).astype(jnp.float32)
    xs = (idx % HEAT).astype(jnp.float32)
    row = lambda a: a[:, None, :]
    col = lambda a: a[:, :, None]
    rspec = pl.BlockSpec((1, 1, CAP), lambda b: (b, 0, 0))
    cspec = pl.BlockSpec((1, CAP, 1), lambda b: (b, 0, 0))
    return pl.pallas_call(
        _nms_body,
        grid=(B,),
        in_specs=[rspec, cspec, rspec, cspec, rspec, cspec, rspec, cspec],
        out_specs=pl.BlockSpec((1, 1, CAP), lambda b: (b, 0, 0)),
        out_shape=jax.ShapeDtypeStruct((B, 1, CAP), jnp.float32),
        scratch_shapes=[
            pltpu.VMEM((CAP, CAP), jnp.bfloat16),
            pltpu.VMEM((CAP, CAP), jnp.bfloat16),
        ],
    )(row(scores), col(scores), row(ys), col(ys),
      row(xs), col(xs), row(idx), col(idx)).reshape(B, CAP)


def _scatter_tail(kept_scores, idx):
    B = kept_scores.shape[0]
    idx = jnp.where(kept_scores > 0.0, idx, 0)
    gidx = (jnp.arange(B)[:, None] * NPIX + idx).reshape(-1)
    out = jnp.zeros((B * NPIX,), jnp.float32).at[gidx].add(
        kept_scores.reshape(-1))
    heat_nms = out.reshape(B, HEAT, HEAT)
    pred = (heat_nms >= DET_THRESH).astype(jnp.int32)
    return heat_nms, pred


@jax.jit
def kernel(x, Wa, ba, Wb, bb):
    B = x.shape[0]
    xt = jnp.transpose(x, (0, 2, 3, 1))
    xp = jnp.pad(xt, ((0, 0), (1, 7), (1, 7), (0, 0)))
    wa = jnp.transpose(Wa, (2, 3, 1, 0)).reshape(9 * CIN, CMID)
    wb = jnp.transpose(Wb.reshape(COUT, CMID), (1, 0))
    logits_f, prob_f = _conv_softmax(xp, wa, ba.reshape(1, CMID),
                                     wb, bb.reshape(1, COUT))
    logits = jnp.transpose(logits_f.reshape(B, H, W, COUT), (0, 3, 1, 2))
    heat = jnp.transpose(
        prob_f.reshape(B, H, W, GRID, GRID),
        (0, 1, 3, 2, 4)).reshape(B, HEAT, HEAT)
    sc_scores, sc_idx = _sc_select(heat.reshape(B * NPIX))
    sc_scores = sc_scores.reshape(B, CAP)
    sc_idx = jnp.where(sc_scores > 0.0, sc_idx.reshape(B, CAP), 0)
    kept_scores = _nms_kernel(sc_scores, sc_idx)
    heat_nms, pred = _scatter_tail(kept_scores, sc_idx)
    return logits, heat, heat_nms, pred

# --- scband reference (transcript-rebuilt; emitter-appended) ---
"""Pipeline reference for scband-detector-head-70858370450040 (READ-ONLY COPY).

The authoritative reference and input builder live on the scoring server;
editing this copy changes nothing except your own understanding.
"""

import jax, jax.numpy as jnp
import numpy as np

GRID = 8
NMS_SIZE = 4
DET_THRESH = 0.015
TOP_K = 300
IOU_THRESH = 0.1
K_CAND = 1024


def conv2d(x, w, b, pad):
    out = jax.lax.conv_general_dilated(
        x, w, window_strides=(1, 1), padding=[(pad, pad), (pad, pad)],
        dimension_numbers=('NCHW', 'OIHW', 'NCHW'))
    return out + b[None, :, None, None]


def pixel_shuffle_to_heatmap(x, r):
    # torch: pixel_shuffle([B, r*r, H, W], r) -> [B, 1, H*r, W*r]; then squeeze(1)
    B, C, H, W = x.shape
    x = x.reshape(B, r, r, H, W)
    x = x.transpose(0, 3, 1, 4, 2)
    return x.reshape(B, H * r, W * r)


def box_nms_single(prob):
    # SuperPoint-style box_nms: boxes of side NMS_SIZE centered at each candidate
    # pixel, greedy NMS (iou=0.1), drop prob < min_prob, keep top_k, rebuild map.
    H, W = prob.shape
    flat = prob.reshape(-1)
    scores, idx = jax.lax.top_k(flat, K_CAND)  # sorted descending, unique idx
    sg = jax.lax.stop_gradient(scores)
    valid = sg >= DET_THRESH
    ys = (idx // W).astype(jnp.float32)
    xs = (idx % W).astype(jnp.float32)
    half = NMS_SIZE / 2.0
    x1 = xs - half; y1 = ys - half; x2 = xs + half; y2 = ys + half
    areas = (x2 - x1) * (y2 - y1)
    ar = jnp.arange(K_CAND)

    def step(suppressed, i):
        cur = jnp.logical_and(jnp.logical_not(suppressed[i]), valid[i])
        xx1 = jnp.maximum(x1[i], x1); yy1 = jnp.maximum(y1[i], y1)
        xx2 = jnp.minimum(x2[i], x2); yy2 = jnp.minimum(y2[i], y2)
        inter = jnp.clip(xx2 - xx1, 0.0) * jnp.clip(yy2 - yy1, 0.0)
        iou = inter / (areas[i] + areas - inter + 1e-9)
        sup = jnp.logical_or(
            suppressed,
            jnp.logical_and(cur, jnp.logical_and(iou > IOU_THRESH, ar > i)))
        return sup, cur

    _, keep = jax.lax.scan(step, jnp.zeros((K_CAND,), bool), jnp.arange(K_CAND))
    keep = jnp.logical_and(keep, jnp.cumsum(keep.astype(jnp.int32)) <= TOP_K)
    out = jnp.zeros((H * W,), prob.dtype).at[idx].add(jnp.where(keep, scores, 0.0))
    return out.reshape(H, W)


def setup_inputs(seed: int = 0):
    key = jax.random.key(seed)
    k1, k2, k3 = jax.random.split(key, 3)
    x = jax.random.normal(k1, (4, 128, 64, 64), jnp.float32)
    Wa = jax.random.normal(k2, (256, 128, 3, 3), jnp.float32) * 0.03
    ba = jnp.zeros((256,), jnp.float32)
    Wb = jax.random.normal(k3, (65, 256, 1, 1), jnp.float32) * 0.05
    bb = jnp.zeros((65,), jnp.float32)
    return {"x": x, "Wa": Wa, "ba": ba, "Wb": Wb, "bb": bb}


def reference(x, Wa, ba, Wb, bb):
    h = jax.nn.relu(conv2d(x, Wa, ba, 1))          # convPa (VGG block, 3x3, ReLU)
    logits = conv2d(h, Wb, bb, 0)                   # convPb (1x1, no activation)
    prob = jax.nn.softmax(logits, axis=1)[:, :-1, :, :]
    heat = pixel_shuffle_to_heatmap(prob, GRID)     # [B, 512, 512]
    heat_nms = jax.vmap(box_nms_single)(heat)
    pred = (heat_nms >= DET_THRESH).astype(jnp.int32)
    return logits, heat, heat_nms, pred

if __name__ == "__main__":
    import jax
    _d = setup_inputs()
    print(jax.jit(kernel)(*tuple(_d.values())))

</pallas_src>

<mosaic_0001>
#map = affine_map<(d0, d1) -> (0)>
#map1 = affine_map<(d0, d1) -> (0, 0, 0)>
module attributes {stable_mosaic.version = 14 : i64} {
  func.func @_compact_body(%arg0: i32, %arg1: i32, %arg2: memref<1048576xf32, #tpu.memory_space<hbm>>, %arg3: memref<4x8x4096xi32, #tpu.memory_space<hbm>>, %arg4: memref<6656xf32, #tpu.memory_space<hbm>>, %arg5: memref<6656xi32, #tpu.memory_space<hbm>>, %arg6: memref<32768xf32, #tpu.memory_space<vmem>>, %arg7: memref<8x4096xi32, #tpu.memory_space<vmem>>, %arg8: memref<1728xf32, #tpu.memory_space<vmem>>, %arg9: memref<1728xi32, #tpu.memory_space<vmem>>) attributes {dimension_semantics = [#tpu.dimension_semantics<core_parallel>, #tpu.dimension_semantics<subcore_parallel>], iteration_bounds = array<i64: 2, 16>, scalar_prefetch = 0 : i64, scratch_operands = 4 : i64, tpu.core_type = #tpu.core_type<sc_vector_subcore>, window_params = [{transform_indices = #map}, {transform_indices = #map1}, {transform_indices = #map}, {transform_indices = #map}]} {
    %mul3A = arith.constant 16 : i32
    %mul3A_0 = arith.muli %arg0, %mul3A : i32
    %add3A = arith.addi %mul3A_0, %arg1 : i32
    %jit3A = arith.constant 8 : i32
    %div3A = arith.divsi %add3A, %jit3A : i32
    %sign3A = arith.constant 0 : i32
    %sign3A_1 = arith.cmpi sgt, %add3A, %sign3A : i32
    %sign3A_2 = arith.extui %sign3A_1 : i1 to i32
    %sign3A_3 = arith.constant 0 : i32
    %sign3A_4 = arith.cmpi slt, %add3A, %sign3A_3 : i32
    %sign3A_5 = arith.extui %sign3A_4 : i1 to i32
    %sign3A_6 = arith.subi %sign3A_2, %sign3A_5 : i32
    %sign3A_7 = arith.constant 0 : i32
    %sign3A_8 = arith.cmpi sgt, %jit3A, %sign3A_7 : i32
    %sign3A_9 = arith.extui %sign3A_8 : i1 to i32
    %sign3A_10 = arith.constant 0 : i32
    %sign3A_11 = arith.cmpi slt, %jit3A, %sign3A_10 : i32
    %sign3A_12 = arith.extui %sign3A_11 : i1 to i32
    %sign3A_13 = arith.subi %sign3A_9, %sign3A_12 : i32
    %ne3A = arith.cmpi ne, %sign3A_6, %sign3A_13 : i32
    %rem3A = arith.remsi %add3A, %jit3A : i32
    %ne3A_14 = arith.constant 0 : i32
    %ne3A_15 = arith.cmpi ne, %rem3A, %ne3A_14 : i32
    %and3A = arith.andi %ne3A, %ne3A_15 : i1
    %sub3A = arith.constant 1 : i32
    %sub3A_16 = arith.subi %div3A, %sub3A : i32
    %select_n3A = arith.select %and3A, %sub3A_16, %div3A : i32
    %jit3A_17 = arith.constant 8 : i32
    %eq3A = arith.constant 0 : i32
    %eq3A_18 = arith.cmpi eq, %jit3A_17, %eq3A : i32
    %jit3A_19 = arith.constant 1 : i32
    %select_n3A_20 = arith.select %eq3A_18, %jit3A_19, %jit3A_17 : i32
    %rem3A_21 = arith.remsi %add3A, %select_n3A_20 : i32
    %ne3A_22 = arith.constant 0 : i32
    %ne3A_23 = arith.cmpi ne, %rem3A_21, %ne3A_22 : i32
    %lt3A = arith.constant 0 : i32
    %lt3A_24 = arith.cmpi slt, %rem3A_21, %lt3A : i32
    %lt3A_25 = arith.constant 0 : i32
    %lt3A_26 = arith.cmpi slt, %select_n3A_20, %lt3A_25 : i32
    %ne3A_27 = arith.xori %lt3A_24, %lt3A_26 : i1
    %and3A_28 = arith.andi %ne3A_27, %ne3A_23 : i1
    %add3A_29 = arith.addi %rem3A_21, %select_n3A_20 : i32
    %select_n3A_30 = arith.select %and3A_28, %add3A_29, %rem3A_21 : i32
    %mul3A_31 = arith.constant 262144 : i32
    %mul3A_32 = arith.muli %select_n3A, %mul3A_31 : i32
    %mul3A_33 = arith.constant 32768 : i32
    %mul3A_34 = arith.muli %select_n3A_30, %mul3A_33 : i32
    %add3A_35 = arith.addi %mul3A_32, %mul3A_34 : i32
    "tpu.region"() ({
      %run_scoped3A = tpu.sem_alloc : memref<!tpu.dma_semaphore, #tpu.memory_space<semaphore_mem>>
      %dma_start3A = tpu.memref_slice %arg2[%add3A_35] : memref<1048576xf32, #tpu.memory_space<hbm>> -> memref<32768xf32, #tpu.memory_space<hbm>>
      %dma_start3A_697 = tpu.memref_slice %arg2[%add3A_35] : memref<1048576xf32, #tpu.memory_space<hbm>> -> memref<32768xf32, #tpu.memory_space<hbm>>
      tpu.enqueue_dma source(%dma_start3A_697 : memref<32768xf32, #tpu.memory_space<hbm>>) target(%arg6 : memref<32768xf32, #tpu.memory_space<vmem>>) target_semaphore(%run_scoped3A : memref<!tpu.dma_semaphore, #tpu.memory_space<semaphore_mem>>)
      %dma_wait3A = tpu.memref_slice %arg2[%add3A_35] : memref<1048576xf32, #tpu.memory_space<hbm>> -> memref<32768xf32, #tpu.memory_space<hbm>>
      %dma_wait3A_698 = tpu.memref_slice %arg2[%add3A_35] : memref<1048576xf32, #tpu.memory_space<hbm>> -> memref<32768xf32, #tpu.memory_space<hbm>>
      tpu.wait_dma2 semaphore(%run_scoped3A : memref<!tpu.dma_semaphore, #tpu.memory_space<semaphore_mem>>) src(%dma_wait3A_698 : memref<32768xf32, #tpu.memory_space<hbm>>) dst(%arg6 : memref<32768xf32, #tpu.memory_space<vmem>>)
      tpu.yield
    }) : () -> ()
    "tpu.region"() ({
      %run_scoped3A = tpu.sem_alloc : memref<!tpu.dma_semaphore, #tpu.memory_space<semaphore_mem>>
      %dma_start3A = arith.constant 0 : i32
      %dma_start3A_697 = arith.constant 0 : i32
      %dma_start3A_698 = tpu.memref_slice %arg3[%select_n3A, %dma_start3A, %dma_start3A_697] : memref<4x8x4096xi32, #tpu.memory_space<hbm>> -> memref<1x8x4096xi32, #tpu.memory_space<hbm>>
      %dma_start3A_699 = tpu.memref_squeeze %dma_start3A_698 : memref<1x8x4096xi32, #tpu.memory_space<hbm>> -> memref<8x4096xi32, #tpu.memory_space<hbm>>
      %dma_start3A_700 = arith.constant 0 : i32
      %dma_start3A_701 = arith.constant 0 : i32
      %dma_start3A_702 = tpu.memref_slice %arg3[%select_n3A, %dma_start3A_700, %dma_start3A_701] : memref<4x8x4096xi32, #tpu.memory_space<hbm>> -> memref<1x8x4096xi32, #tpu.memory_space<hbm>>
      %dma_start3A_703 = tpu.memref_squeeze %dma_start3A_702 : memref<1x8x4096xi32, #tpu.memory_space<hbm>> -> memref<8x4096xi32, #tpu.memory_space<hbm>>
      tpu.enqueue_dma source(%dma_start3A_703 : memref<8x4096xi32, #tpu.memory_space<hbm>>) target(%arg7 : memref<8x4096xi32, #tpu.memory_space<vmem>>) target_semaphore(%run_scoped3A : memref<!tpu.dma_semaphore, #tpu.memory_space<semaphore_mem>>)
      %dma_wait3A = arith.constant 0 : i32
      %dma_wait3A_704 = arith.constant 0 : i32
      %dma_wait3A_705 = tpu.memref_slice %arg3[%select_n3A, %dma_wait3A, %dma_wait3A_704] : memref<4x8x4096xi32, #tpu.memory_space<hbm>> -> memref<1x8x4096xi32, #tpu.memory_space<hbm>>
      %dma_wait3A_706 = tpu.memref_squeeze %dma_wait3A_705 : memref<1x8x4096xi32, #tpu.memory_space<hbm>> -> memref<8x4096xi32, #tpu.memory_space<hbm>>
      %dma_wait3A_707 = arith.constant 0 : i32
      %dma_wait3A_708 = arith.constant 0 : i32
      %dma_wait3A_709 = tpu.memref_slice %arg3[%select_n3A, %dma_wait3A_707, %dma_wait3A_708] : memref<4x8x4096xi32, #tpu.memory_space<hbm>> -> memref<1x8x4096xi32, #tpu.memory_space<hbm>>
      %dma_wait3A_710 = tpu.memref_squeeze %dma_wait3A_709 : memref<1x8x4096xi32, #tpu.memory_space<hbm>> -> memref<8x4096xi32, #tpu.memory_space<hbm>>
      tpu.wait_dma2 semaphore(%run_scoped3A : memref<!tpu.dma_semaphore, #tpu.memory_space<semaphore_mem>>) src(%dma_wait3A_710 : memref<8x4096xi32, #tpu.memory_space<hbm>>) dst(%arg7 : memref<8x4096xi32, #tpu.memory_space<vmem>>)
      tpu.yield
    }) : () -> ()
    %scan3A = arith.constant 0 : i32
    %scan3A_36 = arith.constant 0 : i32
    %scan3A_37 = arith.constant false
    %scan3A_38 = arith.constant 0 : i32
    %scan3A_39 = arith.constant 256 : i32
    %scan3A_40 = arith.addi %scan3A_38, %scan3A_39 : i32
    %scan3A_41 = arith.constant 1 : i32
    %scan3A_42:3 = scf.for %scan3A_697 = %scan3A_38 to %scan3A_40 step %scan3A_41 iter_args(%scan3A_698 = %scan3A, %scan3A_699 = %scan3A_36, %scan3A_700 = %scan3A_37) -> (i32, i32, i1)  : i32 {
      %sub3A_701 = arith.constant 255 : i32
      %sub3A_702 = arith.subi %sub3A_701, %scan3A_697 : i32
      %broadcast_in_dim3A_703 = arith.constant 0 : i32
      %broadcast_in_dim3A_704 = vector.broadcast %broadcast_in_dim3A_703 : i32 to vector<16xi32>
      %mul3A_705 = arith.constant 16 : i32
      %mul3A_706 = arith.muli %sub3A_702, %mul3A_705 : i32
      %get3A = arith.constant 0 : i32
      %get3A_707 = arith.index_cast %get3A : i32 to index
      %get3A_708 = arith.index_cast %mul3A_706 : i32 to index
      %get3A_709 = tpu.vector_load %arg7[%get3A_707, %get3A_708] {strides = array<i32>} : memref<8x4096xi32, #tpu.memory_space<vmem>>, vector<16xi32>,
      %add3A_710 = arith.addi %broadcast_in_dim3A_704, %get3A_709 : vector<16xi32>
      %mul3A_711 = arith.constant 16 : i32
      %mul3A_712 = arith.muli %sub3A_702, %mul3A_711 : i32
      %get3A_713 = arith.constant 1 : i32
      %get3A_714 = arith.index_cast %get3A_713 : i32 to index
      %get3A_715 = arith.index_cast %mul3A_712 : i32 to index
      %get3A_716 = tpu.vector_load %arg7[%get3A_714, %get3A_715] {strides = array<i32>} : memref<8x4096xi32, #tpu.memory_space<vmem>>, vector<16xi32>,
      %add3A_717 = arith.addi %add3A_710, %get3A_716 : vector<16xi32>
      %mul3A_718 = arith.constant 16 : i32
      %mul3A_719 = arith.muli %sub3A_702, %mul3A_718 : i32
      %get3A_720 = arith.constant 2 : i32
      %get3A_721 = arith.index_cast %get3A_720 : i32 to index
      %get3A_722 = arith.index_cast %mul3A_719 : i32 to index
      %get3A_723 = tpu.vector_load %arg7[%get3A_721, %get3A_722] {strides = array<i32>} : memref<8x4096xi32, #tpu.memory_space<vmem>>, vector<16xi32>,
      %add3A_724 = arith.addi %add3A_717, %get3A_723 : vector<16xi32>
      %mul3A_725 = arith.constant 16 : i32
      %mul3A_726 = arith.muli %sub3A_702, %mul3A_725 : i32
      %get3A_727 = arith.constant 3 : i32
      %get3A_728 = arith.index_cast %get3A_727 : i32 to index
      %get3A_729 = arith.index_cast %mul3A_726 : i32 to index
      %get3A_730 = tpu.vector_load %arg7[%get3A_728, %get3A_729] {strides = array<i32>} : memref<8x4096xi32, #tpu.memory_space<vmem>>, vector<16xi32>,
      %add3A_731 = arith.addi %add3A_724, %get3A_730 : vector<16xi32>
      %mul3A_732 = arith.constant 16 : i32
      %mul3A_733 = arith.muli %sub3A_702, %mul3A_732 : i32
      %get3A_734 = arith.constant 4 : i32
      %get3A_735 = arith.index_cast %get3A_734 : i32 to index
      %get3A_736 = arith.index_cast %mul3A_733 : i32 to index
      %get3A_737 = tpu.vector_load %arg7[%get3A_735, %get3A_736] {strides = array<i32>} : memref<8x4096xi32, #tpu.memory_space<vmem>>, vector<16xi32>,
      %add3A_738 = arith.addi %add3A_731, %get3A_737 : vector<16xi32>
      %mul3A_739 = arith.constant 16 : i32
      %mul3A_740 = arith.muli %sub3A_702, %mul3A_739 : i32
      %get3A_741 = arith.constant 5 : i32
      %get3A_742 = arith.index_cast %get3A_741 : i32 to index
      %get3A_743 = arith.index_cast %mul3A_740 : i32 to index
      %get3A_744 = tpu.vector_load %arg7[%get3A_742, %get3A_743] {strides = array<i32>} : memref<8x4096xi32, #tpu.memory_space<vmem>>, vector<16xi32>,
      %add3A_745 = arith.addi %add3A_738, %get3A_744 : vector<16xi32>
      %mul3A_746 = arith.constant 16 : i32
      %mul3A_747 = arith.muli %sub3A_702, %mul3A_746 : i32
      %get3A_748 = arith.constant 6 : i32
      %get3A_749 = arith.index_cast %get3A_748 : i32 to index
      %get3A_750 = arith.index_cast %mul3A_747 : i32 to index
      %get3A_751 = tpu.vector_load %arg7[%get3A_749, %get3A_750] {strides = array<i32>} : memref<8x4096xi32, #tpu.memory_space<vmem>>, vector<16xi32>,
      %add3A_752 = arith.addi %add3A_745, %get3A_751 : vector<16xi32>
      %mul3A_753 = arith.constant 16 : i32
      %mul3A_754 = arith.muli %sub3A_702, %mul3A_753 : i32
      %get3A_755 = arith.constant 7 : i32
      %get3A_756 = arith.index_cast %get3A_755 : i32 to index
      %get3A_757 = arith.index_cast %mul3A_754 : i32 to index
      %get3A_758 = tpu.vector_load %arg7[%get3A_756, %get3A_757] {strides = array<i32>} : memref<8x4096xi32, #tpu.memory_space<vmem>>, vector<16xi32>,
      %add3A_759 = arith.addi %add3A_752, %get3A_758 : vector<16xi32>
      %rev3A = arith.constant 15 : i32
      %rev3A_760 = vector.broadcast %rev3A : i32 to vector<16xi32>
      %rev3A_761 = tpu.iota {dimensions = array<i32: 0>} : vector<16xi32>
      %rev3A_762 = arith.subi %rev3A_760, %rev3A_761 : vector<16xi32>
      %rev3A_763 = tpu.dynamic_gather %add3A_759[%rev3A_762] in [0] : vector<16xi32>, vector<16xi32> -> vector<16xi32>
      %broadcast_in_dim3A_764 = arith.constant true
      %broadcast_in_dim3A_765 = vector.broadcast %broadcast_in_dim3A_764 : i1 to vector<16xi1>
      %masked_cumsum3A = tpu.scan <sum>, %rev3A_763 masked %broadcast_in_dim3A_765 : vector<16xi32>, vector<16xi1> -> vector<16xi32>
      %add3A_766 = vector.broadcast %scan3A_698 : i32 to vector<16xi32>
      %add3A_767 = arith.addi %masked_cumsum3A, %add3A_766 : vector<16xi32>
      %ge3A = arith.constant 1024 : i32
      %ge3A_768 = vector.broadcast %ge3A : i32 to vector<16xi32>
      %ge3A_769 = arith.cmpi sge, %add3A_767, %ge3A_768 : vector<16xi32>
      %convert_element_type3A_770 = arith.extui %ge3A_769 : vector<16xi1> to vector<16xi32>
      %reduce_sum3A = arith.constant true
      %reduce_sum3A_771 = vector.broadcast %reduce_sum3A : i1 to vector<16xi1>
      %reduce_sum3A_772 = tpu.scan <sum>, %convert_element_type3A_770 masked %reduce_sum3A_771 : vector<16xi32>, vector<16xi1> -> vector<16xi32>
      %reduce_sum3A_773 = vector.extract %reduce_sum3A_772[15] : i32 from vector<16xi32>
      %mul3A_774 = arith.constant 16 : i32
      %mul3A_775 = arith.muli %sub3A_702, %mul3A_774 : i32
      %add3A_776 = arith.addi %mul3A_775, %reduce_sum3A_773 : i32
      %sub3A_777 = arith.constant 1 : i32
      %sub3A_778 = arith.subi %add3A_776, %sub3A_777 : i32
      %gt3A = arith.constant 0 : i32
      %gt3A_779 = arith.cmpi sgt, %reduce_sum3A_773, %gt3A : i32
      %not3A = arith.constant true
      %not3A_780 = arith.xori %scan3A_700, %not3A : i1
      %and3A_781 = arith.andi %gt3A_779, %not3A_780 : i1
      %select_n3A_782 = arith.select %and3A_781, %sub3A_778, %scan3A_699 : i32
      %gt3A_783 = arith.constant 0 : i32
      %gt3A_784 = arith.cmpi sgt, %reduce_sum3A_773, %gt3A_783 : i32
      %or3A = arith.ori %scan3A_700, %gt3A_784 : i1
      %reduce_sum3A_785 = arith.constant true
      %reduce_sum3A_786 = vector.broadcast %reduce_sum3A_785 : i1 to vector<16xi1>
      %reduce_sum3A_787 = tpu.scan <sum>, %add3A_759 masked %reduce_sum3A_786 : vector<16xi32>, vector<16xi1> -> vector<16xi32>
      %reduce_sum3A_788 = vector.extract %reduce_sum3A_787[15] : i32 from vector<16xi32>
      %add3A_789 = arith.addi %scan3A_698, %reduce_sum3A_788 : i32
      scf.yield %add3A_789, %select_n3A_782, %or3A : i32, i32, i1
    }
    %scan3A_43 = arith.constant 256 : i32
    %iota3A = tpu.iota {dimensions = array<i32: 0>} : vector<16xi32>
    %jit3A_44 = arith.constant 16 : i32
    %div3A_45 = arith.divsi %scan3A_42#1, %jit3A_44 : i32
    %sign3A_46 = arith.constant 0 : i32
    %sign3A_47 = arith.cmpi sgt, %scan3A_42#1, %sign3A_46 : i32
    %sign3A_48 = arith.extui %sign3A_47 : i1 to i32
    %sign3A_49 = arith.constant 0 : i32
    %sign3A_50 = arith.cmpi slt, %scan3A_42#1, %sign3A_49 : i32
    %sign3A_51 = arith.extui %sign3A_50 : i1 to i32
    %sign3A_52 = arith.subi %sign3A_48, %sign3A_51 : i32
    %sign3A_53 = arith.constant 0 : i32
    %sign3A_54 = arith.cmpi sgt, %jit3A_44, %sign3A_53 : i32
    %sign3A_55 = arith.extui %sign3A_54 : i1 to i32
    %sign3A_56 = arith.constant 0 : i32
    %sign3A_57 = arith.cmpi slt, %jit3A_44, %sign3A_56 : i32
    %sign3A_58 = arith.extui %sign3A_57 : i1 to i32
    %sign3A_59 = arith.subi %sign3A_55, %sign3A_58 : i32
    %ne3A_60 = arith.cmpi ne, %sign3A_52, %sign3A_59 : i32
    %rem3A_61 = arith.remsi %scan3A_42#1, %jit3A_44 : i32
    %ne3A_62 = arith.constant 0 : i32
    %ne3A_63 = arith.cmpi ne, %rem3A_61, %ne3A_62 : i32
    %and3A_64 = arith.andi %ne3A_60, %ne3A_63 : i1
    %sub3A_65 = arith.constant 1 : i32
    %sub3A_66 = arith.subi %div3A_45, %sub3A_65 : i32
    %select_n3A_67 = arith.select %and3A_64, %sub3A_66, %div3A_45 : i32
    %scan3A_68 = arith.constant 0 : i32
    %scan3A_69 = arith.constant 0 : i32
    %scan3A_70 = arith.constant 0 : i32
    %scan3A_71 = arith.constant 0 : i32
    %scan3A_72 = arith.constant 0 : i32
    %scan3A_73 = arith.constant 0 : i32
    %scan3A_74 = arith.constant 0 : i32
    %scan3A_75 = arith.constant 0 : i32
    %scan3A_76 = arith.constant 0 : i32
    %scan3A_77 = arith.constant 256 : i32
    %scan3A_78 = arith.addi %scan3A_76, %scan3A_77 : i32
    %scan3A_79 = arith.constant 1 : i32
    %scan3A_80:8 = scf.for %scan3A_697 = %scan3A_76 to %scan3A_78 step %scan3A_79 iter_args(%scan3A_698 = %scan3A_68, %scan3A_699 = %scan3A_69, %scan3A_700 = %scan3A_70, %scan3A_701 = %scan3A_71, %scan3A_702 = %scan3A_72, %scan3A_703 = %scan3A_73, %scan3A_704 = %scan3A_74, %scan3A_705 = %scan3A_75) -> (i32, i32, i32, i32, i32, i32, i32, i32)  : i32 {
      %mul3A_706 = arith.constant 16 : i32
      %mul3A_707 = arith.muli %scan3A_697, %mul3A_706 : i32
      %add3A_708 = vector.broadcast %mul3A_707 : i32 to vector<16xi32>
      %add3A_709 = arith.addi %iota3A, %add3A_708 : vector<16xi32>
      %ge3A = vector.broadcast %scan3A_42#1 : i32 to vector<16xi32>
      %ge3A_710 = arith.cmpi sge, %add3A_709, %ge3A : vector<16xi32>
      %ge3A_711 = arith.cmpi sge, %scan3A_697, %select_n3A_67 : i32
      %mul3A_712 = arith.constant 16 : i32
      %mul3A_713 = arith.muli %scan3A_697, %mul3A_712 : i32
      %get3A = arith.constant 0 : i32
      %get3A_714 = arith.index_cast %get3A : i32 to index
      %get3A_715 = arith.index_cast %mul3A_713 : i32 to index
      %get3A_716 = tpu.vector_load %arg7[%get3A_714, %get3A_715] {strides = array<i32>} : memref<8x4096xi32, #tpu.memory_space<vmem>>, vector<16xi32>,
      %jit3A_717 = arith.constant 0 : i32
      %broadcast_in_dim3A_718 = vector.broadcast %jit3A_717 : i32 to vector<16xi32>
      %select_n3A_719 = arith.select %ge3A_710, %get3A_716, %broadcast_in_dim3A_718 : vector<16xi1>, vector<16xi32>
      %reduce_sum3A = arith.constant true
      %reduce_sum3A_720 = vector.broadcast %reduce_sum3A : i1 to vector<16xi1>
      %reduce_sum3A_721 = tpu.scan <sum>, %select_n3A_719 masked %reduce_sum3A_720 : vector<16xi32>, vector<16xi1> -> vector<16xi32>
      %reduce_sum3A_722 = vector.extract %reduce_sum3A_721[15] : i32 from vector<16xi32>
      %jit3A_723 = arith.constant 0 : i32
      %select_n3A_724 = arith.select %ge3A_711, %reduce_sum3A_722, %jit3A_723 : i32
      %add3A_725 = arith.addi %scan3A_698, %select_n3A_724 : i32
      %mul3A_726 = arith.constant 16 : i32
      %mul3A_727 = arith.muli %scan3A_697, %mul3A_726 : i32
      %get3A_728 = arith.constant 1 : i32
      %get3A_729 = arith.index_cast %get3A_728 : i32 to index
      %get3A_730 = arith.index_cast %mul3A_727 : i32 to index
      %get3A_731 = tpu.vector_load %arg7[%get3A_729, %get3A_730] {strides = array<i32>} : memref<8x4096xi32, #tpu.memory_space<vmem>>, vector<16xi32>,
      %jit3A_732 = arith.constant 0 : i32
      %broadcast_in_dim3A_733 = vector.broadcast %jit3A_732 : i32 to vector<16xi32>
      %select_n3A_734 = arith.select %ge3A_710, %get3A_731, %broadcast_in_dim3A_733 : vector<16xi1>, vector<16xi32>
      %reduce_sum3A_735 = arith.constant true
      %reduce_sum3A_736 = vector.broadcast %reduce_sum3A_735 : i1 to vector<16xi1>
      %reduce_sum3A_737 = tpu.scan <sum>, %select_n3A_734 masked %reduce_sum3A_736 : vector<16xi32>, vector<16xi1> -> vector<16xi32>
      %reduce_sum3A_738 = vector.extract %reduce_sum3A_737[15] : i32 from vector<16xi32>
      %jit3A_739 = arith.constant 0 : i32
      %select_n3A_740 = arith.select %ge3A_711, %reduce_sum3A_738, %jit3A_739 : i32
      %add3A_741 = arith.addi %scan3A_699, %select_n3A_740 : i32
      %mul3A_742 = arith.constant 16 : i32
      %mul3A_743 = arith.muli %scan3A_697, %mul3A_742 : i32
      %get3A_744 = arith.constant 2 : i32
      %get3A_745 = arith.index_cast %get3A_744 : i32 to index
      %get3A_746 = arith.index_cast %mul3A_743 : i32 to index
      %get3A_747 = tpu.vector_load %arg7[%get3A_745, %get3A_746] {strides = array<i32>} : memref<8x4096xi32, #tpu.memory_space<vmem>>, vector<16xi32>,
      %jit3A_748 = arith.constant 0 : i32
      %broadcast_in_dim3A_749 = vector.broadcast %jit3A_748 : i32 to vector<16xi32>
      %select_n3A_750 = arith.select %ge3A_710, %get3A_747, %broadcast_in_dim3A_749 : vector<16xi1>, vector<16xi32>
      %reduce_sum3A_751 = arith.constant true
      %reduce_sum3A_752 = vector.broadcast %reduce_sum3A_751 : i1 to vector<16xi1>
      %reduce_sum3A_753 = tpu.scan <sum>, %select_n3A_750 masked %reduce_sum3A_752 : vector<16xi32>, vector<16xi1> -> vector<16xi32>
      %reduce_sum3A_754 = vector.extract %reduce_sum3A_753[15] : i32 from vector<16xi32>
      %jit3A_755 = arith.constant 0 : i32
      %select_n3A_756 = arith.select %ge3A_711, %reduce_sum3A_754, %jit3A_755 : i32
      %add3A_757 = arith.addi %scan3A_700, %select_n3A_756 : i32
      %mul3A_758 = arith.constant 16 : i32
      %mul3A_759 = arith.muli %scan3A_697, %mul3A_758 : i32
      %get3A_760 = arith.constant 3 : i32
      %get3A_761 = arith.index_cast %get3A_760 : i32 to index
      %get3A_762 = arith.index_cast %mul3A_759 : i32 to index
      %get3A_763 = tpu.vector_load %arg7[%get3A_761, %get3A_762] {strides = array<i32>} : memref<8x4096xi32, #tpu.memory_space<vmem>>, vector<16xi32>,
      %jit3A_764 = arith.constant 0 : i32
      %broadcast_in_dim3A_765 = vector.broadcast %jit3A_764 : i32 to vector<16xi32>
      %select_n3A_766 = arith.select %ge3A_710, %get3A_763, %broadcast_in_dim3A_765 : vector<16xi1>, vector<16xi32>
      %reduce_sum3A_767 = arith.constant true
      %reduce_sum3A_768 = vector.broadcast %reduce_sum3A_767 : i1 to vector<16xi1>
      %reduce_sum3A_769 = tpu.scan <sum>, %select_n3A_766 masked %reduce_sum3A_768 : vector<16xi32>, vector<16xi1> -> vector<16xi32>
      %reduce_sum3A_770 = vector.extract %reduce_sum3A_769[15] : i32 from vector<16xi32>
      %jit3A_771 = arith.constant 0 : i32
      %select_n3A_772 = arith.select %ge3A_711, %reduce_sum3A_770, %jit3A_771 : i32
      %add3A_773 = arith.addi %scan3A_701, %select_n3A_772 : i32
      %mul3A_774 = arith.constant 16 : i32
      %mul3A_775 = arith.muli %scan3A_697, %mul3A_774 : i32
      %get3A_776 = arith.constant 4 : i32
      %get3A_777 = arith.index_cast %get3A_776 : i32 to index
      %get3A_778 = arith.index_cast %mul3A_775 : i32 to index
      %get3A_779 = tpu.vector_load %arg7[%get3A_777, %get3A_778] {strides = array<i32>} : memref<8x4096xi32, #tpu.memory_space<vmem>>, vector<16xi32>,
      %jit3A_780 = arith.constant 0 : i32
      %broadcast_in_dim3A_781 = vector.broadcast %jit3A_780 : i32 to vector<16xi32>
      %select_n3A_782 = arith.select %ge3A_710, %get3A_779, %broadcast_in_dim3A_781 : vector<16xi1>, vector<16xi32>
      %reduce_sum3A_783 = arith.constant true
      %reduce_sum3A_784 = vector.broadcast %reduce_sum3A_783 : i1 to vector<16xi1>
      %reduce_sum3A_785 = tpu.scan <sum>, %select_n3A_782 masked %reduce_sum3A_784 : vector<16xi32>, vector<16xi1> -> vector<16xi32>
      %reduce_sum3A_786 = vector.extract %reduce_sum3A_785[15] : i32 from vector<16xi32>
      %jit3A_787 = arith.constant 0 : i32
      %select_n3A_788 = arith.select %ge3A_711, %reduce_sum3A_786, %jit3A_787 : i32
      %add3A_789 = arith.addi %scan3A_702, %select_n3A_788 : i32
      %mul3A_790 = arith.constant 16 : i32
      %mul3A_791 = arith.muli %scan3A_697, %mul3A_790 : i32
      %get3A_792 = arith.constant 5 : i32
      %get3A_793 = arith.index_cast %get3A_792 : i32 to index
      %get3A_794 = arith.index_cast %mul3A_791 : i32 to index
      %get3A_795 = tpu.vector_load %arg7[%get3A_793, %get3A_794] {strides = array<i32>} : memref<8x4096xi32, #tpu.memory_space<vmem>>, vector<16xi32>,
      %jit3A_796 = arith.constant 0 : i32
      %broadcast_in_dim3A_797 = vector.broadcast %jit3A_796 : i32 to vector<16xi32>
      %select_n3A_798 = arith.select %ge3A_710, %get3A_795, %broadcast_in_dim3A_797 : vector<16xi1>, vector<16xi32>
      %reduce_sum3A_799 = arith.constant true
      %reduce_sum3A_800 = vector.broadcast %reduce_sum3A_799 : i1 to vector<16xi1>
      %reduce_sum3A_801 = tpu.scan <sum>, %select_n3A_798 masked %reduce_sum3A_800 : vector<16xi32>, vector<16xi1> -> vector<16xi32>
      %reduce_sum3A_802 = vector.extract %reduce_sum3A_801[15] : i32 from vector<16xi32>
      %jit3A_803 = arith.constant 0 : i32
      %select_n3A_804 = arith.select %ge3A_711, %reduce_sum3A_802, %jit3A_803 : i32
      %add3A_805 = arith.addi %scan3A_703, %select_n3A_804 : i32
      %mul3A_806 = arith.constant 16 : i32
      %mul3A_807 = arith.muli %scan3A_697, %mul3A_806 : i32
      %get3A_808 = arith.constant 6 : i32
      %get3A_809 = arith.index_cast %get3A_808 : i32 to index
      %get3A_810 = arith.index_cast %mul3A_807 : i32 to index
      %get3A_811 = tpu.vector_load %arg7[%get3A_809, %get3A_810] {strides = array<i32>} : memref<8x4096xi32, #tpu.memory_space<vmem>>, vector<16xi32>,
      %jit3A_812 = arith.constant 0 : i32
      %broadcast_in_dim3A_813 = vector.broadcast %jit3A_812 : i32 to vector<16xi32>
      %select_n3A_814 = arith.select %ge3A_710, %get3A_811, %broadcast_in_dim3A_813 : vector<16xi1>, vector<16xi32>
      %reduce_sum3A_815 = arith.constant true
      %reduce_sum3A_816 = vector.broadcast %reduce_sum3A_815 : i1 to vector<16xi1>
      %reduce_sum3A_817 = tpu.scan <sum>, %select_n3A_814 masked %reduce_sum3A_816 : vector<16xi32>, vector<16xi1> -> vector<16xi32>
      %reduce_sum3A_818 = vector.extract %reduce_sum3A_817[15] : i32 from vector<16xi32>
      %jit3A_819 = arith.constant 0 : i32
      %select_n3A_820 = arith.select %ge3A_711, %reduce_sum3A_818, %jit3A_819 : i32
      %add3A_821 = arith.addi %scan3A_704, %select_n3A_820 : i32
      %mul3A_822 = arith.constant 16 : i32
      %mul3A_823 = arith.muli %scan3A_697, %mul3A_822 : i32
      %get3A_824 = arith.constant 7 : i32
      %get3A_825 = arith.index_cast %get3A_824 : i32 to index
      %get3A_826 = arith.index_cast %mul3A_823 : i32 to index
      %get3A_827 = tpu.vector_load %arg7[%get3A_825, %get3A_826] {strides = array<i32>} : memref<8x4096xi32, #tpu.memory_space<vmem>>, vector<16xi32>,
      %jit3A_828 = arith.constant 0 : i32
      %broadcast_in_dim3A_829 = vector.broadcast %jit3A_828 : i32 to vector<16xi32>
      %select_n3A_830 = arith.select %ge3A_710, %get3A_827, %broadcast_in_dim3A_829 : vector<16xi1>, vector<16xi32>
      %reduce_sum3A_831 = arith.constant true
      %reduce_sum3A_832 = vector.broadcast %reduce_sum3A_831 : i1 to vector<16xi1>
      %reduce_sum3A_833 = tpu.scan <sum>, %select_n3A_830 masked %reduce_sum3A_832 : vector<16xi32>, vector<16xi1> -> vector<16xi32>
      %reduce_sum3A_834 = vector.extract %reduce_sum3A_833[15] : i32 from vector<16xi32>
      %jit3A_835 = arith.constant 0 : i32
      %select_n3A_836 = arith.select %ge3A_711, %reduce_sum3A_834, %jit3A_835 : i32
      %add3A_837 = arith.addi %scan3A_705, %select_n3A_836 : i32
      scf.yield %add3A_725, %add3A_741, %add3A_757, %add3A_773, %add3A_789, %add3A_805, %add3A_821, %add3A_837 : i32, i32, i32, i32, i32, i32, i32, i32
    }
    %scan3A_81 = arith.constant 256 : i32
    %lt3A_82 = arith.constant 0 : i32
    %lt3A_83 = arith.cmpi slt, %lt3A_82, %select_n3A_30 : i32
    %add3A_84 = arith.constant 63 : i32
    %add3A_85 = arith.addi %scan3A_80#0, %add3A_84 : i32
    %jit3A_86 = arith.constant 64 : i32
    %div3A_87 = arith.divsi %add3A_85, %jit3A_86 : i32
    %sign3A_88 = arith.constant 0 : i32
    %sign3A_89 = arith.cmpi sgt, %add3A_85, %sign3A_88 : i32
    %sign3A_90 = arith.extui %sign3A_89 : i1 to i32
    %sign3A_91 = arith.constant 0 : i32
    %sign3A_92 = arith.cmpi slt, %add3A_85, %sign3A_91 : i32
    %sign3A_93 = arith.extui %sign3A_92 : i1 to i32
    %sign3A_94 = arith.subi %sign3A_90, %sign3A_93 : i32
    %sign3A_95 = arith.constant 0 : i32
    %sign3A_96 = arith.cmpi sgt, %jit3A_86, %sign3A_95 : i32
    %sign3A_97 = arith.extui %sign3A_96 : i1 to i32
    %sign3A_98 = arith.constant 0 : i32
    %sign3A_99 = arith.cmpi slt, %jit3A_86, %sign3A_98 : i32
    %sign3A_100 = arith.extui %sign3A_99 : i1 to i32
    %sign3A_101 = arith.subi %sign3A_97, %sign3A_100 : i32
    %ne3A_102 = arith.cmpi ne, %sign3A_94, %sign3A_101 : i32
    %rem3A_103 = arith.remsi %add3A_85, %jit3A_86 : i32
    %ne3A_104 = arith.constant 0 : i32
    %ne3A_105 = arith.cmpi ne, %rem3A_103, %ne3A_104 : i32
    %and3A_106 = arith.andi %ne3A_102, %ne3A_105 : i1
    %sub3A_107 = arith.constant 1 : i32
    %sub3A_108 = arith.subi %div3A_87, %sub3A_107 : i32
    %select_n3A_109 = arith.select %and3A_106, %sub3A_108, %div3A_87 : i32
    %mul3A_110 = arith.constant 64 : i32
    %mul3A_111 = arith.muli %select_n3A_109, %mul3A_110 : i32
    %min3A = arith.constant 1728 : i32
    %min3A_112 = arith.minsi %mul3A_111, %min3A : i32
    %jit3A_113 = arith.constant 0 : i32
    %select_n3A_114 = arith.select %lt3A_83, %min3A_112, %jit3A_113 : i32
    %add3A_115 = arith.constant 0 : i32
    %add3A_116 = arith.addi %add3A_115, %select_n3A_114 : i32
    %eq3A_117 = arith.constant 0 : i32
    %eq3A_118 = arith.cmpi eq, %eq3A_117, %select_n3A_30 : i32
    %jit3A_119 = arith.constant 0 : i32
    %select_n3A_120 = arith.select %eq3A_118, %scan3A_80#0, %jit3A_119 : i32
    %add3A_121 = arith.constant 63 : i32
    %add3A_122 = arith.addi %scan3A_80#0, %add3A_121 : i32
    %jit3A_123 = arith.constant 64 : i32
    %div3A_124 = arith.divsi %add3A_122, %jit3A_123 : i32
    %sign3A_125 = arith.constant 0 : i32
    %sign3A_126 = arith.cmpi sgt, %add3A_122, %sign3A_125 : i32
    %sign3A_127 = arith.extui %sign3A_126 : i1 to i32
    %sign3A_128 = arith.constant 0 : i32
    %sign3A_129 = arith.cmpi slt, %add3A_122, %sign3A_128 : i32
    %sign3A_130 = arith.extui %sign3A_129 : i1 to i32
    %sign3A_131 = arith.subi %sign3A_127, %sign3A_130 : i32
    %sign3A_132 = arith.constant 0 : i32
    %sign3A_133 = arith.cmpi sgt, %jit3A_123, %sign3A_132 : i32
    %sign3A_134 = arith.extui %sign3A_133 : i1 to i32
    %sign3A_135 = arith.constant 0 : i32
    %sign3A_136 = arith.cmpi slt, %jit3A_123, %sign3A_135 : i32
    %sign3A_137 = arith.extui %sign3A_136 : i1 to i32
    %sign3A_138 = arith.subi %sign3A_134, %sign3A_137 : i32
    %ne3A_139 = arith.cmpi ne, %sign3A_131, %sign3A_138 : i32
    %rem3A_140 = arith.remsi %add3A_122, %jit3A_123 : i32
    %ne3A_141 = arith.constant 0 : i32
    %ne3A_142 = arith.cmpi ne, %rem3A_140, %ne3A_141 : i32
    %and3A_143 = arith.andi %ne3A_139, %ne3A_142 : i1
    %sub3A_144 = arith.constant 1 : i32
    %sub3A_145 = arith.subi %div3A_124, %sub3A_144 : i32
    %select_n3A_146 = arith.select %and3A_143, %sub3A_145, %div3A_124 : i32
    %mul3A_147 = arith.constant 64 : i32
    %mul3A_148 = arith.muli %select_n3A_146, %mul3A_147 : i32
    %min3A_149 = arith.constant 1728 : i32
    %min3A_150 = arith.minsi %mul3A_148, %min3A_149 : i32
    %add3A_151 = arith.constant 0 : i32
    %add3A_152 = arith.addi %add3A_151, %min3A_150 : i32
    %lt3A_153 = arith.constant 1 : i32
    %lt3A_154 = arith.cmpi slt, %lt3A_153, %select_n3A_30 : i32
    %add3A_155 = arith.constant 63 : i32
    %add3A_156 = arith.addi %scan3A_80#1, %add3A_155 : i32
    %jit3A_157 = arith.constant 64 : i32
    %div3A_158 = arith.divsi %add3A_156, %jit3A_157 : i32
    %sign3A_159 = arith.constant 0 : i32
    %sign3A_160 = arith.cmpi sgt, %add3A_156, %sign3A_159 : i32
    %sign3A_161 = arith.extui %sign3A_160 : i1 to i32
    %sign3A_162 = arith.constant 0 : i32
    %sign3A_163 = arith.cmpi slt, %add3A_156, %sign3A_162 : i32
    %sign3A_164 = arith.extui %sign3A_163 : i1 to i32
    %sign3A_165 = arith.subi %sign3A_161, %sign3A_164 : i32
    %sign3A_166 = arith.constant 0 : i32
    %sign3A_167 = arith.cmpi sgt, %jit3A_157, %sign3A_166 : i32
    %sign3A_168 = arith.extui %sign3A_167 : i1 to i32
    %sign3A_169 = arith.constant 0 : i32
    %sign3A_170 = arith.cmpi slt, %jit3A_157, %sign3A_169 : i32
    %sign3A_171 = arith.extui %sign3A_170 : i1 to i32
    %sign3A_172 = arith.subi %sign3A_168, %sign3A_171 : i32
    %ne3A_173 = arith.cmpi ne, %sign3A_165, %sign3A_172 : i32
    %rem3A_174 = arith.remsi %add3A_156, %jit3A_157 : i32
    %ne3A_175 = arith.constant 0 : i32
    %ne3A_176 = arith.cmpi ne, %rem3A_174, %ne3A_175 : i32
    %and3A_177 = arith.andi %ne3A_173, %ne3A_176 : i1
    %sub3A_178 = arith.constant 1 : i32
    %sub3A_179 = arith.subi %div3A_158, %sub3A_178 : i32
    %select_n3A_180 = arith.select %and3A_177, %sub3A_179, %div3A_158 : i32
    %mul3A_181 = arith.constant 64 : i32
    %mul3A_182 = arith.muli %select_n3A_180, %mul3A_181 : i32
    %min3A_183 = arith.constant 1728 : i32
    %min3A_184 = arith.minsi %mul3A_182, %min3A_183 : i32
    %jit3A_185 = arith.constant 0 : i32
    %select_n3A_186 = arith.select %lt3A_154, %min3A_184, %jit3A_185 : i32
    %add3A_187 = arith.addi %add3A_116, %select_n3A_186 : i32
    %eq3A_188 = arith.constant 1 : i32
    %eq3A_189 = arith.cmpi eq, %eq3A_188, %select_n3A_30 : i32
    %select_n3A_190 = arith.select %eq3A_189, %scan3A_80#1, %select_n3A_120 : i32
    %add3A_191 = arith.constant 63 : i32
    %add3A_192 = arith.addi %scan3A_80#1, %add3A_191 : i32
    %jit3A_193 = arith.constant 64 : i32
    %div3A_194 = arith.divsi %add3A_192, %jit3A_193 : i32
    %sign3A_195 = arith.constant 0 : i32
    %sign3A_196 = arith.cmpi sgt, %add3A_192, %sign3A_195 : i32
    %sign3A_197 = arith.extui %sign3A_196 : i1 to i32
    %sign3A_198 = arith.constant 0 : i32
    %sign3A_199 = arith.cmpi slt, %add3A_192, %sign3A_198 : i32
    %sign3A_200 = arith.extui %sign3A_199 : i1 to i32
    %sign3A_201 = arith.subi %sign3A_197, %sign3A_200 : i32
    %sign3A_202 = arith.constant 0 : i32
    %sign3A_203 = arith.cmpi sgt, %jit3A_193, %sign3A_202 : i32
    %sign3A_204 = arith.extui %sign3A_203 : i1 to i32
    %sign3A_205 = arith.constant 0 : i32
    %sign3A_206 = arith.cmpi slt, %jit3A_193, %sign3A_205 : i32
    %sign3A_207 = arith.extui %sign3A_206 : i1 to i32
    %sign3A_208 = arith.subi %sign3A_204, %sign3A_207 : i32
    %ne3A_209 = arith.cmpi ne, %sign3A_201, %sign3A_208 : i32
    %rem3A_210 = arith.remsi %add3A_192, %jit3A_193 : i32
    %ne3A_211 = arith.constant 0 : i32
    %ne3A_212 = arith.cmpi ne, %rem3A_210, %ne3A_211 : i32
    %and3A_213 = arith.andi %ne3A_209, %ne3A_212 : i1
    %sub3A_214 = arith.constant 1 : i32
    %sub3A_215 = arith.subi %div3A_194, %sub3A_214 : i32
    %select_n3A_216 = arith.select %and3A_213, %sub3A_215, %div3A_194 : i32
    %mul3A_217 = arith.constant 64 : i32
    %mul3A_218 = arith.muli %select_n3A_216, %mul3A_217 : i32
    %min3A_219 = arith.constant 1728 : i32
    %min3A_220 = arith.minsi %mul3A_218, %min3A_219 : i32
    %add3A_221 = arith.addi %add3A_152, %min3A_220 : i32
    %lt3A_222 = arith.constant 2 : i32
    %lt3A_223 = arith.cmpi slt, %lt3A_222, %select_n3A_30 : i32
    %add3A_224 = arith.constant 63 : i32
    %add3A_225 = arith.addi %scan3A_80#2, %add3A_224 : i32
    %jit3A_226 = arith.constant 64 : i32
    %div3A_227 = arith.divsi %add3A_225, %jit3A_226 : i32
    %sign3A_228 = arith.constant 0 : i32
    %sign3A_229 = arith.cmpi sgt, %add3A_225, %sign3A_228 : i32
    %sign3A_230 = arith.extui %sign3A_229 : i1 to i32
    %sign3A_231 = arith.constant 0 : i32
    %sign3A_232 = arith.cmpi slt, %add3A_225, %sign3A_231 : i32
    %sign3A_233 = arith.extui %sign3A_232 : i1 to i32
    %sign3A_234 = arith.subi %sign3A_230, %sign3A_233 : i32
    %sign3A_235 = arith.constant 0 : i32
    %sign3A_236 = arith.cmpi sgt, %jit3A_226, %sign3A_235 : i32
    %sign3A_237 = arith.extui %sign3A_236 : i1 to i32
    %sign3A_238 = arith.constant 0 : i32
    %sign3A_239 = arith.cmpi slt, %jit3A_226, %sign3A_238 : i32
    %sign3A_240 = arith.extui %sign3A_239 : i1 to i32
    %sign3A_241 = arith.subi %sign3A_237, %sign3A_240 : i32
    %ne3A_242 = arith.cmpi ne, %sign3A_234, %sign3A_241 : i32
    %rem3A_243 = arith.remsi %add3A_225, %jit3A_226 : i32
    %ne3A_244 = arith.constant 0 : i32
    %ne3A_245 = arith.cmpi ne, %rem3A_243, %ne3A_244 : i32
    %and3A_246 = arith.andi %ne3A_242, %ne3A_245 : i1
    %sub3A_247 = arith.constant 1 : i32
    %sub3A_248 = arith.subi %div3A_227, %sub3A_247 : i32
    %select_n3A_249 = arith.select %and3A_246, %sub3A_248, %div3A_227 : i32
    %mul3A_250 = arith.constant 64 : i32
    %mul3A_251 = arith.muli %select_n3A_249, %mul3A_250 : i32
    %min3A_252 = arith.constant 1728 : i32
    %min3A_253 = arith.minsi %mul3A_251, %min3A_252 : i32
    %jit3A_254 = arith.constant 0 : i32
    %select_n3A_255 = arith.select %lt3A_223, %min3A_253, %jit3A_254 : i32
    %add3A_256 = arith.addi %add3A_187, %select_n3A_255 : i32
    %eq3A_257 = arith.constant 2 : i32
    %eq3A_258 = arith.cmpi eq, %eq3A_257, %select_n3A_30 : i32
    %select_n3A_259 = arith.select %eq3A_258, %scan3A_80#2, %select_n3A_190 : i32
    %add3A_260 = arith.constant 63 : i32
    %add3A_261 = arith.addi %scan3A_80#2, %add3A_260 : i32
    %jit3A_262 = arith.constant 64 : i32
    %div3A_263 = arith.divsi %add3A_261, %jit3A_262 : i32
    %sign3A_264 = arith.constant 0 : i32
    %sign3A_265 = arith.cmpi sgt, %add3A_261, %sign3A_264 : i32
    %sign3A_266 = arith.extui %sign3A_265 : i1 to i32
    %sign3A_267 = arith.constant 0 : i32
    %sign3A_268 = arith.cmpi slt, %add3A_261, %sign3A_267 : i32
    %sign3A_269 = arith.extui %sign3A_268 : i1 to i32
    %sign3A_270 = arith.subi %sign3A_266, %sign3A_269 : i32
    %sign3A_271 = arith.constant 0 : i32
    %sign3A_272 = arith.cmpi sgt, %jit3A_262, %sign3A_271 : i32
    %sign3A_273 = arith.extui %sign3A_272 : i1 to i32
    %sign3A_274 = arith.constant 0 : i32
    %sign3A_275 = arith.cmpi slt, %jit3A_262, %sign3A_274 : i32
    %sign3A_276 = arith.extui %sign3A_275 : i1 to i32
    %sign3A_277 = arith.subi %sign3A_273, %sign3A_276 : i32
    %ne3A_278 = arith.cmpi ne, %sign3A_270, %sign3A_277 : i32
    %rem3A_279 = arith.remsi %add3A_261, %jit3A_262 : i32
    %ne3A_280 = arith.constant 0 : i32
    %ne3A_281 = arith.cmpi ne, %rem3A_279, %ne3A_280 : i32
    %and3A_282 = arith.andi %ne3A_278, %ne3A_281 : i1
    %sub3A_283 = arith.constant 1 : i32
    %sub3A_284 = arith.subi %div3A_263, %sub3A_283 : i32
    %select_n3A_285 = arith.select %and3A_282, %sub3A_284, %div3A_263 : i32
    %mul3A_286 = arith.constant 64 : i32
    %mul3A_287 = arith.muli %select_n3A_285, %mul3A_286 : i32
    %min3A_288 = arith.constant 1728 : i32
    %min3A_289 = arith.minsi %mul3A_287, %min3A_288 : i32
    %add3A_290 = arith.addi %add3A_221, %min3A_289 : i32
    %lt3A_291 = arith.constant 3 : i32
    %lt3A_292 = arith.cmpi slt, %lt3A_291, %select_n3A_30 : i32
    %add3A_293 = arith.constant 63 : i32
    %add3A_294 = arith.addi %scan3A_80#3, %add3A_293 : i32
    %jit3A_295 = arith.constant 64 : i32
    %div3A_296 = arith.divsi %add3A_294, %jit3A_295 : i32
    %sign3A_297 = arith.constant 0 : i32
    %sign3A_298 = arith.cmpi sgt, %add3A_294, %sign3A_297 : i32
    %sign3A_299 = arith.extui %sign3A_298 : i1 to i32
    %sign3A_300 = arith.constant 0 : i32
    %sign3A_301 = arith.cmpi slt, %add3A_294, %sign3A_300 : i32
    %sign3A_302 = arith.extui %sign3A_301 : i1 to i32
    %sign3A_303 = arith.subi %sign3A_299, %sign3A_302 : i32
    %sign3A_304 = arith.constant 0 : i32
    %sign3A_305 = arith.cmpi sgt, %jit3A_295, %sign3A_304 : i32
    %sign3A_306 = arith.extui %sign3A_305 : i1 to i32
    %sign3A_307 = arith.constant 0 : i32
    %sign3A_308 = arith.cmpi slt, %jit3A_295, %sign3A_307 : i32
    %sign3A_309 = arith.extui %sign3A_308 : i1 to i32
    %sign3A_310 = arith.subi %sign3A_306, %sign3A_309 : i32
    %ne3A_311 = arith.cmpi ne, %sign3A_303, %sign3A_310 : i32
    %rem3A_312 = arith.remsi %add3A_294, %jit3A_295 : i32
    %ne3A_313 = arith.constant 0 : i32
    %ne3A_314 = arith.cmpi ne, %rem3A_312, %ne3A_313 : i32
    %and3A_315 = arith.andi %ne3A_311, %ne3A_314 : i1
    %sub3A_316 = arith.constant 1 : i32
    %sub3A_317 = arith.subi %div3A_296, %sub3A_316 : i32
    %select_n3A_318 = arith.select %and3A_315, %sub3A_317, %div3A_296 : i32
    %mul3A_319 = arith.constant 64 : i32
    %mul3A_320 = arith.muli %select_n3A_318, %mul3A_319 : i32
    %min3A_321 = arith.constant 1728 : i32
    %min3A_322 = arith.minsi %mul3A_320, %min3A_321 : i32
    %jit3A_323 = arith.constant 0 : i32
    %select_n3A_324 = arith.select %lt3A_292, %min3A_322, %jit3A_323 : i32
    %add3A_325 = arith.addi %add3A_256, %select_n3A_324 : i32
    %eq3A_326 = arith.constant 3 : i32
    %eq3A_327 = arith.cmpi eq, %eq3A_326, %select_n3A_30 : i32
    %select_n3A_328 = arith.select %eq3A_327, %scan3A_80#3, %select_n3A_259 : i32
    %add3A_329 = arith.constant 63 : i32
    %add3A_330 = arith.addi %scan3A_80#3, %add3A_329 : i32
    %jit3A_331 = arith.constant 64 : i32
    %div3A_332 = arith.divsi %add3A_330, %jit3A_331 : i32
    %sign3A_333 = arith.constant 0 : i32
    %sign3A_334 = arith.cmpi sgt, %add3A_330, %sign3A_333 : i32
    %sign3A_335 = arith.extui %sign3A_334 : i1 to i32
    %sign3A_336 = arith.constant 0 : i32
    %sign3A_337 = arith.cmpi slt, %add3A_330, %sign3A_336 : i32
    %sign3A_338 = arith.extui %sign3A_337 : i1 to i32
    %sign3A_339 = arith.subi %sign3A_335, %sign3A_338 : i32
    %sign3A_340 = arith.constant 0 : i32
    %sign3A_341 = arith.cmpi sgt, %jit3A_331, %sign3A_340 : i32
    %sign3A_342 = arith.extui %sign3A_341 : i1 to i32
    %sign3A_343 = arith.constant 0 : i32
    %sign3A_344 = arith.cmpi slt, %jit3A_331, %sign3A_343 : i32
    %sign3A_345 = arith.extui %sign3A_344 : i1 to i32
    %sign3A_346 = arith.subi %sign3A_342, %sign3A_345 : i32
    %ne3A_347 = arith.cmpi ne, %sign3A_339, %sign3A_346 : i32
    %rem3A_348 = arith.remsi %add3A_330, %jit3A_331 : i32
    %ne3A_349 = arith.constant 0 : i32
    %ne3A_350 = arith.cmpi ne, %rem3A_348, %ne3A_349 : i32
    %and3A_351 = arith.andi %ne3A_347, %ne3A_350 : i1
    %sub3A_352 = arith.constant 1 : i32
    %sub3A_353 = arith.subi %div3A_332, %sub3A_352 : i32
    %select_n3A_354 = arith.select %and3A_351, %sub3A_353, %div3A_332 : i32
    %mul3A_355 = arith.constant 64 : i32
    %mul3A_356 = arith.muli %select_n3A_354, %mul3A_355 : i32
    %min3A_357 = arith.constant 1728 : i32
    %min3A_358 = arith.minsi %mul3A_356, %min3A_357 : i32
    %add3A_359 = arith.addi %add3A_290, %min3A_358 : i32
    %lt3A_360 = arith.constant 4 : i32
    %lt3A_361 = arith.cmpi slt, %lt3A_360, %select_n3A_30 : i32
    %add3A_362 = arith.constant 63 : i32
    %add3A_363 = arith.addi %scan3A_80#4, %add3A_362 : i32
    %jit3A_364 = arith.constant 64 : i32
    %div3A_365 = arith.divsi %add3A_363, %jit3A_364 : i32
    %sign3A_366 = arith.constant 0 : i32
    %sign3A_367 = arith.cmpi sgt, %add3A_363, %sign3A_366 : i32
    %sign3A_368 = arith.extui %sign3A_367 : i1 to i32
    %sign3A_369 = arith.constant 0 : i32
    %sign3A_370 = arith.cmpi slt, %add3A_363, %sign3A_369 : i32
    %sign3A_371 = arith.extui %sign3A_370 : i1 to i32
    %sign3A_372 = arith.subi %sign3A_368, %sign3A_371 : i32
    %sign3A_373 = arith.constant 0 : i32
    %sign3A_374 = arith.cmpi sgt, %jit3A_364, %sign3A_373 : i32
    %sign3A_375 = arith.extui %sign3A_374 : i1 to i32
    %sign3A_376 = arith.constant 0 : i32
    %sign3A_377 = arith.cmpi slt, %jit3A_364, %sign3A_376 : i32
    %sign3A_378 = arith.extui %sign3A_377 : i1 to i32
    %sign3A_379 = arith.subi %sign3A_375, %sign3A_378 : i32
    %ne3A_380 = arith.cmpi ne, %sign3A_372, %sign3A_379 : i32
    %rem3A_381 = arith.remsi %add3A_363, %jit3A_364 : i32
    %ne3A_382 = arith.constant 0 : i32
    %ne3A_383 = arith.cmpi ne, %rem3A_381, %ne3A_382 : i32
    %and3A_384 = arith.andi %ne3A_380, %ne3A_383 : i1
    %sub3A_385 = arith.constant 1 : i32
    %sub3A_386 = arith.subi %div3A_365, %sub3A_385 : i32
    %select_n3A_387 = arith.select %and3A_384, %sub3A_386, %div3A_365 : i32
    %mul3A_388 = arith.constant 64 : i32
    %mul3A_389 = arith.muli %select_n3A_387, %mul3A_388 : i32
    %min3A_390 = arith.constant 1728 : i32
    %min3A_391 = arith.minsi %mul3A_389, %min3A_390 : i32
    %jit3A_392 = arith.constant 0 : i32
    %select_n3A_393 = arith.select %lt3A_361, %min3A_391, %jit3A_392 : i32
    %add3A_394 = arith.addi %add3A_325, %select_n3A_393 : i32
    %eq3A_395 = arith.constant 4 : i32
    %eq3A_396 = arith.cmpi eq, %eq3A_395, %select_n3A_30 : i32
    %select_n3A_397 = arith.select %eq3A_396, %scan3A_80#4, %select_n3A_328 : i32
    %add3A_398 = arith.constant 63 : i32
    %add3A_399 = arith.addi %scan3A_80#4, %add3A_398 : i32
    %jit3A_400 = arith.constant 64 : i32
    %div3A_401 = arith.divsi %add3A_399, %jit3A_400 : i32
    %sign3A_402 = arith.constant 0 : i32
    %sign3A_403 = arith.cmpi sgt, %add3A_399, %sign3A_402 : i32
    %sign3A_404 = arith.extui %sign3A_403 : i1 to i32
    %sign3A_405 = arith.constant 0 : i32
    %sign3A_406 = arith.cmpi slt, %add3A_399, %sign3A_405 : i32
    %sign3A_407 = arith.extui %sign3A_406 : i1 to i32
    %sign3A_408 = arith.subi %sign3A_404, %sign3A_407 : i32
    %sign3A_409 = arith.constant 0 : i32
    %sign3A_410 = arith.cmpi sgt, %jit3A_400, %sign3A_409 : i32
    %sign3A_411 = arith.extui %sign3A_410 : i1 to i32
    %sign3A_412 = arith.constant 0 : i32
    %sign3A_413 = arith.cmpi slt, %jit3A_400, %sign3A_412 : i32
    %sign3A_414 = arith.extui %sign3A_413 : i1 to i32
    %sign3A_415 = arith.subi %sign3A_411, %sign3A_414 : i32
    %ne3A_416 = arith.cmpi ne, %sign3A_408, %sign3A_415 : i32
    %rem3A_417 = arith.remsi %add3A_399, %jit3A_400 : i32
    %ne3A_418 = arith.constant 0 : i32
    %ne3A_419 = arith.cmpi ne, %rem3A_417, %ne3A_418 : i32
    %and3A_420 = arith.andi %ne3A_416, %ne3A_419 : i1
    %sub3A_421 = arith.constant 1 : i32
    %sub3A_422 = arith.subi %div3A_401, %sub3A_421 : i32
    %select_n3A_423 = arith.select %and3A_420, %sub3A_422, %div3A_401 : i32
    %mul3A_424 = arith.constant 64 : i32
    %mul3A_425 = arith.muli %select_n3A_423, %mul3A_424 : i32
    %min3A_426 = arith.constant 1728 : i32
    %min3A_427 = arith.minsi %mul3A_425, %min3A_426 : i32
    %add3A_428 = arith.addi %add3A_359, %min3A_427 : i32
    %lt3A_429 = arith.constant 5 : i32
    %lt3A_430 = arith.cmpi slt, %lt3A_429, %select_n3A_30 : i32
    %add3A_431 = arith.constant 63 : i32
    %add3A_432 = arith.addi %scan3A_80#5, %add3A_431 : i32
    %jit3A_433 = arith.constant 64 : i32
    %div3A_434 = arith.divsi %add3A_432, %jit3A_433 : i32
    %sign3A_435 = arith.constant 0 : i32
    %sign3A_436 = arith.cmpi sgt, %add3A_432, %sign3A_435 : i32
    %sign3A_437 = arith.extui %sign3A_436 : i1 to i32
    %sign3A_438 = arith.constant 0 : i32
    %sign3A_439 = arith.cmpi slt, %add3A_432, %sign3A_438 : i32
    %sign3A_440 = arith.extui %sign3A_439 : i1 to i32
    %sign3A_441 = arith.subi %sign3A_437, %sign3A_440 : i32
    %sign3A_442 = arith.constant 0 : i32
    %sign3A_443 = arith.cmpi sgt, %jit3A_433, %sign3A_442 : i32
    %sign3A_444 = arith.extui %sign3A_443 : i1 to i32
    %sign3A_445 = arith.constant 0 : i32
    %sign3A_446 = arith.cmpi slt, %jit3A_433, %sign3A_445 : i32
    %sign3A_447 = arith.extui %sign3A_446 : i1 to i32
    %sign3A_448 = arith.subi %sign3A_444, %sign3A_447 : i32
    %ne3A_449 = arith.cmpi ne, %sign3A_441, %sign3A_448 : i32
    %rem3A_450 = arith.remsi %add3A_432, %jit3A_433 : i32
    %ne3A_451 = arith.constant 0 : i32
    %ne3A_452 = arith.cmpi ne, %rem3A_450, %ne3A_451 : i32
    %and3A_453 = arith.andi %ne3A_449, %ne3A_452 : i1
    %sub3A_454 = arith.constant 1 : i32
    %sub3A_455 = arith.subi %div3A_434, %sub3A_454 : i32
    %select_n3A_456 = arith.select %and3A_453, %sub3A_455, %div3A_434 : i32
    %mul3A_457 = arith.constant 64 : i32
    %mul3A_458 = arith.muli %select_n3A_456, %mul3A_457 : i32
    %min3A_459 = arith.constant 1728 : i32
    %min3A_460 = arith.minsi %mul3A_458, %min3A_459 : i32
    %jit3A_461 = arith.constant 0 : i32
    %select_n3A_462 = arith.select %lt3A_430, %min3A_460, %jit3A_461 : i32
    %add3A_463 = arith.addi %add3A_394, %select_n3A_462 : i32
    %eq3A_464 = arith.constant 5 : i32
    %eq3A_465 = arith.cmpi eq, %eq3A_464, %select_n3A_30 : i32
    %select_n3A_466 = arith.select %eq3A_465, %scan3A_80#5, %select_n3A_397 : i32
    %add3A_467 = arith.constant 63 : i32
    %add3A_468 = arith.addi %scan3A_80#5, %add3A_467 : i32
    %jit3A_469 = arith.constant 64 : i32
    %div3A_470 = arith.divsi %add3A_468, %jit3A_469 : i32
    %sign3A_471 = arith.constant 0 : i32
    %sign3A_472 = arith.cmpi sgt, %add3A_468, %sign3A_471 : i32
    %sign3A_473 = arith.extui %sign3A_472 : i1 to i32
    %sign3A_474 = arith.constant 0 : i32
    %sign3A_475 = arith.cmpi slt, %add3A_468, %sign3A_474 : i32
    %sign3A_476 = arith.extui %sign3A_475 : i1 to i32
    %sign3A_477 = arith.subi %sign3A_473, %sign3A_476 : i32
    %sign3A_478 = arith.constant 0 : i32
    %sign3A_479 = arith.cmpi sgt, %jit3A_469, %sign3A_478 : i32
    %sign3A_480 = arith.extui %sign3A_479 : i1 to i32
    %sign3A_481 = arith.constant 0 : i32
    %sign3A_482 = arith.cmpi slt, %jit3A_469, %sign3A_481 : i32
    %sign3A_483 = arith.extui %sign3A_482 : i1 to i32
    %sign3A_484 = arith.subi %sign3A_480, %sign3A_483 : i32
    %ne3A_485 = arith.cmpi ne, %sign3A_477, %sign3A_484 : i32
    %rem3A_486 = arith.remsi %add3A_468, %jit3A_469 : i32
    %ne3A_487 = arith.constant 0 : i32
    %ne3A_488 = arith.cmpi ne, %rem3A_486, %ne3A_487 : i32
    %and3A_489 = arith.andi %ne3A_485, %ne3A_488 : i1
    %sub3A_490 = arith.constant 1 : i32
    %sub3A_491 = arith.subi %div3A_470, %sub3A_490 : i32
    %select_n3A_492 = arith.select %and3A_489, %sub3A_491, %div3A_470 : i32
    %mul3A_493 = arith.constant 64 : i32
    %mul3A_494 = arith.muli %select_n3A_492, %mul3A_493 : i32
    %min3A_495 = arith.constant 1728 : i32
    %min3A_496 = arith.minsi %mul3A_494, %min3A_495 : i32
    %add3A_497 = arith.addi %add3A_428, %min3A_496 : i32
    %lt3A_498 = arith.constant 6 : i32
    %lt3A_499 = arith.cmpi slt, %lt3A_498, %select_n3A_30 : i32
    %add3A_500 = arith.constant 63 : i32
    %add3A_501 = arith.addi %scan3A_80#6, %add3A_500 : i32
    %jit3A_502 = arith.constant 64 : i32
    %div3A_503 = arith.divsi %add3A_501, %jit3A_502 : i32
    %sign3A_504 = arith.constant 0 : i32
    %sign3A_505 = arith.cmpi sgt, %add3A_501, %sign3A_504 : i32
    %sign3A_506 = arith.extui %sign3A_505 : i1 to i32
    %sign3A_507 = arith.constant 0 : i32
    %sign3A_508 = arith.cmpi slt, %add3A_501, %sign3A_507 : i32
    %sign3A_509 = arith.extui %sign3A_508 : i1 to i32
    %sign3A_510 = arith.subi %sign3A_506, %sign3A_509 : i32
    %sign3A_511 = arith.constant 0 : i32
    %sign3A_512 = arith.cmpi sgt, %jit3A_502, %sign3A_511 : i32
    %sign3A_513 = arith.extui %sign3A_512 : i1 to i32
    %sign3A_514 = arith.constant 0 : i32
    %sign3A_515 = arith.cmpi slt, %jit3A_502, %sign3A_514 : i32
    %sign3A_516 = arith.extui %sign3A_515 : i1 to i32
    %sign3A_517 = arith.subi %sign3A_513, %sign3A_516 : i32
    %ne3A_518 = arith.cmpi ne, %sign3A_510, %sign3A_517 : i32
    %rem3A_519 = arith.remsi %add3A_501, %jit3A_502 : i32
    %ne3A_520 = arith.constant 0 : i32
    %ne3A_521 = arith.cmpi ne, %rem3A_519, %ne3A_520 : i32
    %and3A_522 = arith.andi %ne3A_518, %ne3A_521 : i1
    %sub3A_523 = arith.constant 1 : i32
    %sub3A_524 = arith.subi %div3A_503, %sub3A_523 : i32
    %select_n3A_525 = arith.select %and3A_522, %sub3A_524, %div3A_503 : i32
    %mul3A_526 = arith.constant 64 : i32
    %mul3A_527 = arith.muli %select_n3A_525, %mul3A_526 : i32
    %min3A_528 = arith.constant 1728 : i32
    %min3A_529 = arith.minsi %mul3A_527, %min3A_528 : i32
    %jit3A_530 = arith.constant 0 : i32
    %select_n3A_531 = arith.select %lt3A_499, %min3A_529, %jit3A_530 : i32
    %add3A_532 = arith.addi %add3A_463, %select_n3A_531 : i32
    %eq3A_533 = arith.constant 6 : i32
    %eq3A_534 = arith.cmpi eq, %eq3A_533, %select_n3A_30 : i32
    %select_n3A_535 = arith.select %eq3A_534, %scan3A_80#6, %select_n3A_466 : i32
    %add3A_536 = arith.constant 63 : i32
    %add3A_537 = arith.addi %scan3A_80#6, %add3A_536 : i32
    %jit3A_538 = arith.constant 64 : i32
    %div3A_539 = arith.divsi %add3A_537, %jit3A_538 : i32
    %sign3A_540 = arith.constant 0 : i32
    %sign3A_541 = arith.cmpi sgt, %add3A_537, %sign3A_540 : i32
    %sign3A_542 = arith.extui %sign3A_541 : i1 to i32
    %sign3A_543 = arith.constant 0 : i32
    %sign3A_544 = arith.cmpi slt, %add3A_537, %sign3A_543 : i32
    %sign3A_545 = arith.extui %sign3A_544 : i1 to i32
    %sign3A_546 = arith.subi %sign3A_542, %sign3A_545 : i32
    %sign3A_547 = arith.constant 0 : i32
    %sign3A_548 = arith.cmpi sgt, %jit3A_538, %sign3A_547 : i32
    %sign3A_549 = arith.extui %sign3A_548 : i1 to i32
    %sign3A_550 = arith.constant 0 : i32
    %sign3A_551 = arith.cmpi slt, %jit3A_538, %sign3A_550 : i32
    %sign3A_552 = arith.extui %sign3A_551 : i1 to i32
    %sign3A_553 = arith.subi %sign3A_549, %sign3A_552 : i32
    %ne3A_554 = arith.cmpi ne, %sign3A_546, %sign3A_553 : i32
    %rem3A_555 = arith.remsi %add3A_537, %jit3A_538 : i32
    %ne3A_556 = arith.constant 0 : i32
    %ne3A_557 = arith.cmpi ne, %rem3A_555, %ne3A_556 : i32
    %and3A_558 = arith.andi %ne3A_554, %ne3A_557 : i1
    %sub3A_559 = arith.constant 1 : i32
    %sub3A_560 = arith.subi %div3A_539, %sub3A_559 : i32
    %select_n3A_561 = arith.select %and3A_558, %sub3A_560, %div3A_539 : i32
    %mul3A_562 = arith.constant 64 : i32
    %mul3A_563 = arith.muli %select_n3A_561, %mul3A_562 : i32
    %min3A_564 = arith.constant 1728 : i32
    %min3A_565 = arith.minsi %mul3A_563, %min3A_564 : i32
    %add3A_566 = arith.addi %add3A_497, %min3A_565 : i32
    %lt3A_567 = arith.constant 7 : i32
    %lt3A_568 = arith.cmpi slt, %lt3A_567, %select_n3A_30 : i32
    %add3A_569 = arith.constant 63 : i32
    %add3A_570 = arith.addi %scan3A_80#7, %add3A_569 : i32
    %jit3A_571 = arith.constant 64 : i32
    %div3A_572 = arith.divsi %add3A_570, %jit3A_571 : i32
    %sign3A_573 = arith.constant 0 : i32
    %sign3A_574 = arith.cmpi sgt, %add3A_570, %sign3A_573 : i32
    %sign3A_575 = arith.extui %sign3A_574 : i1 to i32
    %sign3A_576 = arith.constant 0 : i32
    %sign3A_577 = arith.cmpi slt, %add3A_570, %sign3A_576 : i32
    %sign3A_578 = arith.extui %sign3A_577 : i1 to i32
    %sign3A_579 = arith.subi %sign3A_575, %sign3A_578 : i32
    %sign3A_580 = arith.constant 0 : i32
    %sign3A_581 = arith.cmpi sgt, %jit3A_571, %sign3A_580 : i32
    %sign3A_582 = arith.extui %sign3A_581 : i1 to i32
    %sign3A_583 = arith.constant 0 : i32
    %sign3A_584 = arith.cmpi slt, %jit3A_571, %sign3A_583 : i32
    %sign3A_585 = arith.extui %sign3A_584 : i1 to i32
    %sign3A_586 = arith.subi %sign3A_582, %sign3A_585 : i32
    %ne3A_587 = arith.cmpi ne, %sign3A_579, %sign3A_586 : i32
    %rem3A_588 = arith.remsi %add3A_570, %jit3A_571 : i32
    %ne3A_589 = arith.constant 0 : i32
    %ne3A_590 = arith.cmpi ne, %rem3A_588, %ne3A_589 : i32
    %and3A_591 = arith.andi %ne3A_587, %ne3A_590 : i1
    %sub3A_592 = arith.constant 1 : i32
    %sub3A_593 = arith.subi %div3A_572, %sub3A_592 : i32
    %select_n3A_594 = arith.select %and3A_591, %sub3A_593, %div3A_572 : i32
    %mul3A_595 = arith.constant 64 : i32
    %mul3A_596 = arith.muli %select_n3A_594, %mul3A_595 : i32
    %min3A_597 = arith.constant 1728 : i32
    %min3A_598 = arith.minsi %mul3A_596, %min3A_597 : i32
    %jit3A_599 = arith.constant 0 : i32
    %select_n3A_600 = arith.select %lt3A_568, %min3A_598, %jit3A_599 : i32
    %add3A_601 = arith.addi %add3A_532, %select_n3A_600 : i32
    %eq3A_602 = arith.constant 7 : i32
    %eq3A_603 = arith.cmpi eq, %eq3A_602, %select_n3A_30 : i32
    %select_n3A_604 = arith.select %eq3A_603, %scan3A_80#7, %select_n3A_535 : i32
    %add3A_605 = arith.constant 63 : i32
    %add3A_606 = arith.addi %scan3A_80#7, %add3A_605 : i32
    %jit3A_607 = arith.constant 64 : i32
    %div3A_608 = arith.divsi %add3A_606, %jit3A_607 : i32
    %sign3A_609 = arith.constant 0 : i32
    %sign3A_610 = arith.cmpi sgt, %add3A_606, %sign3A_609 : i32
    %sign3A_611 = arith.extui %sign3A_610 : i1 to i32
    %sign3A_612 = arith.constant 0 : i32
    %sign3A_613 = arith.cmpi slt, %add3A_606, %sign3A_612 : i32
    %sign3A_614 = arith.extui %sign3A_613 : i1 to i32
    %sign3A_615 = arith.subi %sign3A_611, %sign3A_614 : i32
    %sign3A_616 = arith.constant 0 : i32
    %sign3A_617 = arith.cmpi sgt, %jit3A_607, %sign3A_616 : i32
    %sign3A_618 = arith.extui %sign3A_617 : i1 to i32
    %sign3A_619 = arith.constant 0 : i32
    %sign3A_620 = arith.cmpi slt, %jit3A_607, %sign3A_619 : i32
    %sign3A_621 = arith.extui %sign3A_620 : i1 to i32
    %sign3A_622 = arith.subi %sign3A_618, %sign3A_621 : i32
    %ne3A_623 = arith.cmpi ne, %sign3A_615, %sign3A_622 : i32
    %rem3A_624 = arith.remsi %add3A_606, %jit3A_607 : i32
    %ne3A_625 = arith.constant 0 : i32
    %ne3A_626 = arith.cmpi ne, %rem3A_624, %ne3A_625 : i32
    %and3A_627 = arith.andi %ne3A_623, %ne3A_626 : i1
    %sub3A_628 = arith.constant 1 : i32
    %sub3A_629 = arith.subi %div3A_608, %sub3A_628 : i32
    %select_n3A_630 = arith.select %and3A_627, %sub3A_629, %div3A_608 : i32
    %mul3A_631 = arith.constant 64 : i32
    %mul3A_632 = arith.muli %select_n3A_630, %mul3A_631 : i32
    %min3A_633 = arith.constant 1728 : i32
    %min3A_634 = arith.minsi %mul3A_632, %min3A_633 : i32
    %add3A_635 = arith.addi %add3A_566, %min3A_634 : i32
    %add3A_636 = arith.constant 63 : i32
    %add3A_637 = arith.addi %select_n3A_604, %add3A_636 : i32
    %jit3A_638 = arith.constant 64 : i32
    %div3A_639 = arith.divsi %add3A_637, %jit3A_638 : i32
    %sign3A_640 = arith.constant 0 : i32
    %sign3A_641 = arith.cmpi sgt, %add3A_637, %sign3A_640 : i32
    %sign3A_642 = arith.extui %sign3A_641 : i1 to i32
    %sign3A_643 = arith.constant 0 : i32
    %sign3A_644 = arith.cmpi slt, %add3A_637, %sign3A_643 : i32
    %sign3A_645 = arith.extui %sign3A_644 : i1 to i32
    %sign3A_646 = arith.subi %sign3A_642, %sign3A_645 : i32
    %sign3A_647 = arith.constant 0 : i32
    %sign3A_648 = arith.cmpi sgt, %jit3A_638, %sign3A_647 : i32
    %sign3A_649 = arith.extui %sign3A_648 : i1 to i32
    %sign3A_650 = arith.constant 0 : i32
    %sign3A_651 = arith.cmpi slt, %jit3A_638, %sign3A_650 : i32
    %sign3A_652 = arith.extui %sign3A_651 : i1 to i32
    %sign3A_653 = arith.subi %sign3A_649, %sign3A_652 : i32
    %ne3A_654 = arith.cmpi ne, %sign3A_646, %sign3A_653 : i32
    %rem3A_655 = arith.remsi %add3A_637, %jit3A_638 : i32
    %ne3A_656 = arith.constant 0 : i32
    %ne3A_657 = arith.cmpi ne, %rem3A_655, %ne3A_656 : i32
    %and3A_658 = arith.andi %ne3A_654, %ne3A_657 : i1
    %sub3A_659 = arith.constant 1 : i32
    %sub3A_660 = arith.subi %div3A_639, %sub3A_659 : i32
    %select_n3A_661 = arith.select %and3A_658, %sub3A_660, %div3A_639 : i32
    %mul3A_662 = arith.constant 64 : i32
    %mul3A_663 = arith.muli %select_n3A_661, %mul3A_662 : i32
    %min3A_664 = arith.constant 1728 : i32
    %min3A_665 = arith.minsi %mul3A_663, %min3A_664 : i32
    %multiple_of3A = tpu.assume_multiple %add3A_601, 64 : i32
    %broadcast_in_dim3A = arith.constant 1 : i32
    %broadcast_in_dim3A_666 = vector.broadcast %broadcast_in_dim3A : i32 to vector<16xi32>
    %mul3A_667 = vector.broadcast %scan3A_42#1 : i32 to vector<16xi32>
    %mul3A_668 = arith.muli %broadcast_in_dim3A_666, %mul3A_667 : vector<16xi32>
    %mul3A_669 = arith.constant 32768 : i32
    %mul3A_670 = arith.muli %select_n3A_30, %mul3A_669 : i32
    %scan3A_671 = arith.constant 0 : i32
    %scan3A_672 = arith.constant 0 : i32
    %scan3A_673 = arith.constant 2048 : i32
    %scan3A_674 = arith.addi %scan3A_672, %scan3A_673 : i32
    %scan3A_675 = arith.constant 1 : i32
    %scan3A_676 = scf.for %scan3A_697 = %scan3A_672 to %scan3A_674 step %scan3A_675 iter_args(%scan3A_698 = %scan3A_671) -> (i32)  : i32 {
      %mul3A_699 = arith.constant 16 : i32
      %mul3A_700 = arith.muli %scan3A_697, %mul3A_699 : i32
      %get3A = arith.index_cast %mul3A_700 : i32 to index
      %get3A_701 = tpu.vector_load %arg6[%get3A] {strides = array<i32>} : memref<32768xf32, #tpu.memory_space<vmem>>, vector<16xf32>,
      %mul3A_702 = arith.constant 4.096000e+03 : f32
      %mul3A_703 = vector.broadcast %mul3A_702 : f32 to vector<16xf32>
      %mul3A_704 = arith.mulf %get3A_701, %mul3A_703 : vector<16xf32>
      %convert_element_type3A_705 = arith.fptosi %mul3A_704 : vector<16xf32> to vector<16xi32>
      %min3A_706 = arith.constant 4095 : i32
      %min3A_707 = vector.broadcast %min3A_706 : i32 to vector<16xi32>
      %min3A_708 = arith.minsi %convert_element_type3A_705, %min3A_707 : vector<16xi32>
      %ge3A = arith.cmpi sge, %min3A_708, %mul3A_668 : vector<16xi32>
      %convert_element_type3A_709 = arith.extui %ge3A : vector<16xi1> to vector<16xi32>
      %reduce_sum3A = arith.constant true
      %reduce_sum3A_710 = vector.broadcast %reduce_sum3A : i1 to vector<16xi1>
      %reduce_sum3A_711 = tpu.scan <sum>, %convert_element_type3A_709 masked %reduce_sum3A_710 : vector<16xi32>, vector<16xi1> -> vector<16xi32>
      %reduce_sum3A_712 = vector.extract %reduce_sum3A_711[15] : i32 from vector<16xi32>
      %gt3A = arith.constant 0 : i32
      %gt3A_713 = arith.cmpi sgt, %reduce_sum3A_712, %gt3A : i32
      %le3A = arith.constant 1712 : i32
      %le3A_714 = arith.cmpi sle, %scan3A_698, %le3A : i32
      %and3A_715 = arith.andi %gt3A_713, %le3A_714 : i1
      %convert_element_type3A_716 = arith.extui %and3A_715 : i1 to i32
      %cond3A_717 = arith.constant 0 : i32
      %cond3A_718 = arith.cmpi ne, %convert_element_type3A_716, %cond3A_717 : i32
      scf.if %cond3A_718 {
        %mul3A_722 = arith.constant 16 : i32
        %mul3A_723 = arith.muli %scan3A_697, %mul3A_722 : i32
        %add3A_724 = arith.addi %mul3A_670, %mul3A_723 : i32
        %add3A_725 = vector.broadcast %add3A_724 : i32 to vector<16xi32>
        %add3A_726 = arith.addi %add3A_725, %iota3A : vector<16xi32>
        %swap3A = arith.index_cast %scan3A_698 : i32 to index
        %swap3A_727 = tpu.vector_load %arg8[%swap3A] masked %ge3A {strides = array<i32>} : memref<1728xf32, #tpu.memory_space<vmem>>, vector<16xf32>, vector<16xi1>
        tpu.vector_store %arg8[%swap3A], %get3A_701 masked %ge3A {strides = array<i32>} : memref<1728xf32, #tpu.memory_space<vmem>>, vector<16xf32>, vector<16xi1>
        %swap3A_728 = arith.index_cast %scan3A_698 : i32 to index
        %swap3A_729 = tpu.vector_load %arg9[%swap3A_728] masked %ge3A {strides = array<i32>} : memref<1728xi32, #tpu.memory_space<vmem>>, vector<16xi32>, vector<16xi1>
        tpu.vector_store %arg9[%swap3A_728], %add3A_726 masked %ge3A {strides = array<i32>} : memref<1728xi32, #tpu.memory_space<vmem>>, vector<16xi32>, vector<16xi1>
      } else {
      }
      %add3A_719 = arith.addi %scan3A_698, %reduce_sum3A_712 : i32
      %min3A_720 = arith.constant 1728 : i32
      %min3A_721 = arith.minsi %add3A_719, %min3A_720 : i32
      scf.yield %min3A_721 : i32
    }
    %scan3A_677 = arith.constant 2048 : i32
    %broadcast_in_dim3A_678 = arith.constant -1.000000e+00 : f32
    %broadcast_in_dim3A_679 = vector.broadcast %broadcast_in_dim3A_678 : f32 to vector<16xf32>
    %broadcast_in_dim3A_680 = arith.constant 0 : i32
    %broadcast_in_dim3A_681 = vector.broadcast %broadcast_in_dim3A_680 : i32 to vector<16xi32>
    %scan3A_682 = arith.constant 0 : i32
    %scan3A_683 = arith.constant 0 : i32
    %scan3A_684 = arith.constant 4 : i32
    %scan3A_685 = arith.addi %scan3A_683, %scan3A_684 : i32
    %scan3A_686 = arith.constant 1 : i32
    scf.for %scan3A_697 = %scan3A_683 to %scan3A_685 step %scan3A_686  : i32 {
      %mul3A_698 = arith.constant 16 : i32
      %mul3A_699 = arith.muli %scan3A_697, %mul3A_698 : i32
      %add3A_700 = arith.addi %scan3A_676, %mul3A_699 : i32
      %lt3A_701 = arith.cmpi slt, %add3A_700, %min3A_665 : i32
      %convert_element_type3A_702 = arith.extui %lt3A_701 : i1 to i32
      %cond3A_703 = arith.constant 0 : i32
      %cond3A_704 = arith.cmpi ne, %convert_element_type3A_702, %cond3A_703 : i32
      scf.if %cond3A_704 {
        %swap3A = arith.index_cast %add3A_700 : i32 to index
        %swap3A_705 = tpu.vector_load %arg8[%swap3A] {strides = array<i32>} : memref<1728xf32, #tpu.memory_space<vmem>>, vector<16xf32>,
        tpu.vector_store %arg8[%swap3A], %broadcast_in_dim3A_679 {strides = array<i32>} : memref<1728xf32, #tpu.memory_space<vmem>>, vector<16xf32>,
        %swap3A_706 = arith.index_cast %add3A_700 : i32 to index
        %swap3A_707 = tpu.vector_load %arg9[%swap3A_706] {strides = array<i32>} : memref<1728xi32, #tpu.memory_space<vmem>>, vector<16xi32>,
        tpu.vector_store %arg9[%swap3A_706], %broadcast_in_dim3A_681 {strides = array<i32>} : memref<1728xi32, #tpu.memory_space<vmem>>, vector<16xi32>,
      } else {
      }
    }
    %scan3A_687 = arith.constant 4 : i32
    %scan3A_688 = arith.constant 0 : i32
    %scan3A_689 = arith.constant 0 : i32
    %scan3A_690 = arith.constant 27 : i32
    %scan3A_691 = arith.addi %scan3A_689, %scan3A_690 : i32
    %scan3A_692 = arith.constant 1 : i32
    scf.for %scan3A_697 = %scan3A_689 to %scan3A_691 step %scan3A_692  : i32 {
      %mul3A_698 = arith.constant 64 : i32
      %mul3A_699 = arith.muli %scan3A_697, %mul3A_698 : i32
      %lt3A_700 = arith.cmpi slt, %mul3A_699, %min3A_665 : i32
      %mul3A_701 = arith.constant 64 : i32
      %mul3A_702 = arith.muli %scan3A_697, %mul3A_701 : i32
      %add3A_703 = arith.addi %multiple_of3A, %mul3A_702 : i32
      %le3A = arith.constant 1600 : i32
      %le3A_704 = arith.cmpi sle, %add3A_703, %le3A : i32
      %and3A_705 = arith.andi %lt3A_700, %le3A_704 : i1
      %convert_element_type3A_706 = arith.extui %and3A_705 : i1 to i32
      %cond3A_707 = arith.constant 0 : i32
      %cond3A_708 = arith.cmpi ne, %convert_element_type3A_706, %cond3A_707 : i32
      scf.if %cond3A_708 {
        %mul3A_709 = arith.constant 1664 : i32
        %mul3A_710 = arith.muli %select_n3A, %mul3A_709 : i32
        %add3A_711 = arith.addi %mul3A_710, %multiple_of3A : i32
        %mul3A_712 = arith.constant 64 : i32
        %mul3A_713 = arith.muli %scan3A_697, %mul3A_712 : i32
        %add3A_714 = arith.addi %add3A_711, %mul3A_713 : i32
        %multiple_of3A_715 = tpu.assume_multiple %add3A_714, 64 : i32
        %mul3A_716 = arith.constant 64 : i32
        %mul3A_717 = arith.muli %scan3A_697, %mul3A_716 : i32
        "tpu.region"() ({
          %run_scoped3A = tpu.sem_alloc : memref<!tpu.dma_semaphore, #tpu.memory_space<semaphore_mem>>
          %dma_start3A = tpu.memref_slice %arg8[%mul3A_717] : memref<1728xf32, #tpu.memory_space<vmem>> -> memref<64xf32, #tpu.memory_space<vmem>>
          %dma_start3A_720 = tpu.memref_slice %arg4[%multiple_of3A_715] : memref<6656xf32, #tpu.memory_space<hbm>> -> memref<64xf32, #tpu.memory_space<hbm>>
          %dma_start3A_721 = tpu.memref_slice %arg4[%multiple_of3A_715] : memref<6656xf32, #tpu.memory_space<hbm>> -> memref<64xf32, #tpu.memory_space<hbm>>
          %dma_start3A_722 = tpu.memref_slice %arg8[%mul3A_717] : memref<1728xf32, #tpu.memory_space<vmem>> -> memref<64xf32, #tpu.memory_space<vmem>>
          tpu.enqueue_dma source(%dma_start3A_722 : memref<64xf32, #tpu.memory_space<vmem>>) target(%dma_start3A_721 : memref<64xf32, #tpu.memory_space<hbm>>) target_semaphore(%run_scoped3A : memref<!tpu.dma_semaphore, #tpu.memory_space<semaphore_mem>>)
          %dma_wait3A = tpu.memref_slice %arg8[%mul3A_717] : memref<1728xf32, #tpu.memory_space<vmem>> -> memref<64xf32, #tpu.memory_space<vmem>>
          %dma_wait3A_723 = tpu.memref_slice %arg4[%multiple_of3A_715] : memref<6656xf32, #tpu.memory_space<hbm>> -> memref<64xf32, #tpu.memory_space<hbm>>
          %dma_wait3A_724 = tpu.memref_slice %arg4[%multiple_of3A_715] : memref<6656xf32, #tpu.memory_space<hbm>> -> memref<64xf32, #tpu.memory_space<hbm>>
          %dma_wait3A_725 = tpu.memref_slice %arg8[%mul3A_717] : memref<1728xf32, #tpu.memory_space<vmem>> -> memref<64xf32, #tpu.memory_space<vmem>>
          tpu.wait_dma2 semaphore(%run_scoped3A : memref<!tpu.dma_semaphore, #tpu.memory_space<semaphore_mem>>) src(%dma_wait3A_725 : memref<64xf32, #tpu.memory_space<vmem>>) dst(%dma_wait3A_724 : memref<64xf32, #tpu.memory_space<hbm>>)
          tpu.yield
        }) : () -> ()
        %mul3A_718 = arith.constant 64 : i32
        %mul3A_719 = arith.muli %scan3A_697, %mul3A_718 : i32
        "tpu.region"() ({
          %run_scoped3A = tpu.sem_alloc : memref<!tpu.dma_semaphore, #tpu.memory_space<semaphore_mem>>
          %dma_start3A = tpu.memref_slice %arg9[%mul3A_719] : memref<1728xi32, #tpu.memory_space<vmem>> -> memref<64xi32, #tpu.memory_space<vmem>>
          %dma_start3A_720 = tpu.memref_slice %arg5[%multiple_of3A_715] : memref<6656xi32, #tpu.memory_space<hbm>> -> memref<64xi32, #tpu.memory_space<hbm>>
          %dma_start3A_721 = tpu.memref_slice %arg5[%multiple_of3A_715] : memref<6656xi32, #tpu.memory_space<hbm>> -> memref<64xi32, #tpu.memory_space<hbm>>
          %dma_start3A_722 = tpu.memref_slice %arg9[%mul3A_719] : memref<1728xi32, #tpu.memory_space<vmem>> -> memref<64xi32, #tpu.memory_space<vmem>>
          tpu.enqueue_dma source(%dma_start3A_722 : memref<64xi32, #tpu.memory_space<vmem>>) target(%dma_start3A_721 : memref<64xi32, #tpu.memory_space<hbm>>) target_semaphore(%run_scoped3A : memref<!tpu.dma_semaphore, #tpu.memory_space<semaphore_mem>>)
          %dma_wait3A = tpu.memref_slice %arg9[%mul3A_719] : memref<1728xi32, #tpu.memory_space<vmem>> -> memref<64xi32, #tpu.memory_space<vmem>>
          %dma_wait3A_723 = tpu.memref_slice %arg5[%multiple_of3A_715] : memref<6656xi32, #tpu.memory_space<hbm>> -> memref<64xi32, #tpu.memory_space<hbm>>
          %dma_wait3A_724 = tpu.memref_slice %arg5[%multiple_of3A_715] : memref<6656xi32, #tpu.memory_space<hbm>> -> memref<64xi32, #tpu.memory_space<hbm>>
          %dma_wait3A_725 = tpu.memref_slice %arg9[%mul3A_719] : memref<1728xi32, #tpu.memory_space<vmem>> -> memref<64xi32, #tpu.memory_space<vmem>>
          tpu.wait_dma2 semaphore(%run_scoped3A : memref<!tpu.dma_semaphore, #tpu.memory_space<semaphore_mem>>) src(%dma_wait3A_725 : memref<64xi32, #tpu.memory_space<vmem>>) dst(%dma_wait3A_724 : memref<64xi32, #tpu.memory_space<hbm>>)
          tpu.yield
        }) : () -> ()
      } else {
      }
    }
    %scan3A_693 = arith.constant 27 : i32
    %eq3A_694 = arith.constant 0 : i32
    %eq3A_695 = arith.cmpi eq, %select_n3A_30, %eq3A_694 : i32
    %convert_element_type3A = arith.extui %eq3A_695 : i1 to i32
    %cond3A = arith.constant 0 : i32
    %cond3A_696 = arith.cmpi ne, %convert_element_type3A, %cond3A : i32
    scf.if %cond3A_696 {
      %scan3A_697 = arith.constant 0 : i32
      %scan3A_698 = arith.constant 0 : i32
      %scan3A_699 = arith.constant 4 : i32
      %scan3A_700 = arith.addi %scan3A_698, %scan3A_699 : i32
      %scan3A_701 = arith.constant 1 : i32
      scf.for %scan3A_709 = %scan3A_698 to %scan3A_700 step %scan3A_701  : i32 {
        %mul3A_710 = arith.constant 16 : i32
        %mul3A_711 = arith.muli %scan3A_709, %mul3A_710 : i32
        %swap3A = arith.index_cast %mul3A_711 : i32 to index
        %swap3A_712 = tpu.vector_load %arg8[%swap3A] {strides = array<i32>} : memref<1728xf32, #tpu.memory_space<vmem>>, vector<16xf32>,
        tpu.vector_store %arg8[%swap3A], %broadcast_in_dim3A_679 {strides = array<i32>} : memref<1728xf32, #tpu.memory_space<vmem>>, vector<16xf32>,
      }
      %scan3A_702 = arith.constant 4 : i32
      %scan3A_703 = arith.constant 0 : i32
      %scan3A_704 = arith.constant 0 : i32
      %scan3A_705 = arith.constant 26 : i32
      %scan3A_706 = arith.addi %scan3A_704, %scan3A_705 : i32
      %scan3A_707 = arith.constant 1 : i32
      scf.for %scan3A_709 = %scan3A_704 to %scan3A_706 step %scan3A_707  : i32 {
        %mul3A_710 = arith.constant 64 : i32
        %mul3A_711 = arith.muli %scan3A_709, %mul3A_710 : i32
        %add3A_712 = arith.addi %add3A_635, %mul3A_711 : i32
        %le3A = arith.constant 1600 : i32
        %le3A_713 = arith.cmpi sle, %add3A_712, %le3A : i32
        %convert_element_type3A_714 = arith.extui %le3A_713 : i1 to i32
        %cond3A_715 = arith.constant 0 : i32
        %cond3A_716 = arith.cmpi ne, %convert_element_type3A_714, %cond3A_715 : i32
        scf.if %cond3A_716 {
          %mul3A_717 = arith.constant 1664 : i32
          %mul3A_718 = arith.muli %select_n3A, %mul3A_717 : i32
          %add3A_719 = arith.addi %mul3A_718, %add3A_712 : i32
          %multiple_of3A_720 = tpu.assume_multiple %add3A_719, 64 : i32
          "tpu.region"() ({
            %run_scoped3A = tpu.sem_alloc : memref<!tpu.dma_semaphore, #tpu.memory_space<semaphore_mem>>
            %dma_start3A = arith.constant 0 : i32
            %dma_start3A_721 = tpu.memref_slice %arg8[%dma_start3A] : memref<1728xf32, #tpu.memory_space<vmem>> -> memref<64xf32, #tpu.memory_space<vmem>>
            %dma_start3A_722 = tpu.memref_slice %arg4[%multiple_of3A_720] : memref<6656xf32, #tpu.memory_space<hbm>> -> memref<64xf32, #tpu.memory_space<hbm>>
            %dma_start3A_723 = tpu.memref_slice %arg4[%multiple_of3A_720] : memref<6656xf32, #tpu.memory_space<hbm>> -> memref<64xf32, #tpu.memory_space<hbm>>
            %dma_start3A_724 = arith.constant 0 : i32
            %dma_start3A_725 = tpu.memref_slice %arg8[%dma_start3A_724] : memref<1728xf32, #tpu.memory_space<vmem>> -> memref<64xf32, #tpu.memory_space<vmem>>
            tpu.enqueue_dma source(%dma_start3A_725 : memref<64xf32, #tpu.memory_space<vmem>>) target(%dma_start3A_723 : memref<64xf32, #tpu.memory_space<hbm>>) target_semaphore(%run_scoped3A : memref<!tpu.dma_semaphore, #tpu.memory_space<semaphore_mem>>)
            %dma_wait3A = arith.constant 0 : i32
            %dma_wait3A_726 = tpu.memref_slice %arg8[%dma_wait3A] : memref<1728xf32, #tpu.memory_space<vmem>> -> memref<64xf32, #tpu.memory_space<vmem>>
            %dma_wait3A_727 = tpu.memref_slice %arg4[%multiple_of3A_720] : memref<6656xf32, #tpu.memory_space<hbm>> -> memref<64xf32, #tpu.memory_space<hbm>>
            %dma_wait3A_728 = tpu.memref_slice %arg4[%multiple_of3A_720] : memref<6656xf32, #tpu.memory_space<hbm>> -> memref<64xf32, #tpu.memory_space<hbm>>
            %dma_wait3A_729 = arith.constant 0 : i32
            %dma_wait3A_730 = tpu.memref_slice %arg8[%dma_wait3A_729] : memref<1728xf32, #tpu.memory_space<vmem>> -> memref<64xf32, #tpu.memory_space<vmem>>
            tpu.wait_dma2 semaphore(%run_scoped3A : memref<!tpu.dma_semaphore, #tpu.memory_space<semaphore_mem>>) src(%dma_wait3A_730 : memref<64xf32, #tpu.memory_space<vmem>>) dst(%dma_wait3A_728 : memref<64xf32, #tpu.memory_space<hbm>>)
            tpu.yield
          }) : () -> ()
        } else {
        }
      }
      %scan3A_708 = arith.constant 26 : i32
    } else {
    }
    return
  }
}

#map = affine_map<(d0, d1) -> (0)>
#map1 = affine_map<(d0, d1) -> (0, 0, 0)>
module attributes {stable_mosaic.version = 14 : i64} {
  func.func @_hist_body(%arg0: i32, %arg1: i32, %arg2: memref<1048576xf32, #tpu.memory_space<hbm>>, %arg3: memref<4x8x4096xi32, #tpu.memory_space<hbm>>, %arg4: memref<32768xf32, #tpu.memory_space<vmem>>, %arg5: memref<4096xi32, #tpu.memory_space<vmem>>) attributes {dimension_semantics = [#tpu.dimension_semantics<core_parallel>, #tpu.dimension_semantics<subcore_parallel>], iteration_bounds = array<i64: 2, 16>, scalar_prefetch = 0 : i64, scratch_operands = 2 : i64, tpu.core_type = #tpu.core_type<sc_vector_subcore>, window_params = [{transform_indices = #map}, {transform_indices = #map1}]} {
    %mul3A = arith.constant 16 : i32
    %mul3A_0 = arith.muli %arg0, %mul3A : i32
    %add3A = arith.addi %mul3A_0, %arg1 : i32
    %jit3A = arith.constant 8 : i32
    %div3A = arith.divsi %add3A, %jit3A : i32
    %sign3A = arith.constant 0 : i32
    %sign3A_1 = arith.cmpi sgt, %add3A, %sign3A : i32
    %sign3A_2 = arith.extui %sign3A_1 : i1 to i32
    %sign3A_3 = arith.constant 0 : i32
    %sign3A_4 = arith.cmpi slt, %add3A, %sign3A_3 : i32
    %sign3A_5 = arith.extui %sign3A_4 : i1 to i32
    %sign3A_6 = arith.subi %sign3A_2, %sign3A_5 : i32
    %sign3A_7 = arith.constant 0 : i32
    %sign3A_8 = arith.cmpi sgt, %jit3A, %sign3A_7 : i32
    %sign3A_9 = arith.extui %sign3A_8 : i1 to i32
    %sign3A_10 = arith.constant 0 : i32
    %sign3A_11 = arith.cmpi slt, %jit3A, %sign3A_10 : i32
    %sign3A_12 = arith.extui %sign3A_11 : i1 to i32
    %sign3A_13 = arith.subi %sign3A_9, %sign3A_12 : i32
    %ne3A = arith.cmpi ne, %sign3A_6, %sign3A_13 : i32
    %rem3A = arith.remsi %add3A, %jit3A : i32
    %ne3A_14 = arith.constant 0 : i32
    %ne3A_15 = arith.cmpi ne, %rem3A, %ne3A_14 : i32
    %and3A = arith.andi %ne3A, %ne3A_15 : i1
    %sub3A = arith.constant 1 : i32
    %sub3A_16 = arith.subi %div3A, %sub3A : i32
    %select_n3A = arith.select %and3A, %sub3A_16, %div3A : i32
    %jit3A_17 = arith.constant 8 : i32
    %eq3A = arith.constant 0 : i32
    %eq3A_18 = arith.cmpi eq, %jit3A_17, %eq3A : i32
    %jit3A_19 = arith.constant 1 : i32
    %select_n3A_20 = arith.select %eq3A_18, %jit3A_19, %jit3A_17 : i32
    %rem3A_21 = arith.remsi %add3A, %select_n3A_20 : i32
    %ne3A_22 = arith.constant 0 : i32
    %ne3A_23 = arith.cmpi ne, %rem3A_21, %ne3A_22 : i32
    %lt3A = arith.constant 0 : i32
    %lt3A_24 = arith.cmpi slt, %rem3A_21, %lt3A : i32
    %lt3A_25 = arith.constant 0 : i32
    %lt3A_26 = arith.cmpi slt, %select_n3A_20, %lt3A_25 : i32
    %ne3A_27 = arith.xori %lt3A_24, %lt3A_26 : i1
    %and3A_28 = arith.andi %ne3A_27, %ne3A_23 : i1
    %add3A_29 = arith.addi %rem3A_21, %select_n3A_20 : i32
    %select_n3A_30 = arith.select %and3A_28, %add3A_29, %rem3A_21 : i32
    %mul3A_31 = arith.constant 262144 : i32
    %mul3A_32 = arith.muli %select_n3A, %mul3A_31 : i32
    %mul3A_33 = arith.constant 32768 : i32
    %mul3A_34 = arith.muli %select_n3A_30, %mul3A_33 : i32
    %add3A_35 = arith.addi %mul3A_32, %mul3A_34 : i32
    "tpu.region"() ({
      %run_scoped3A = tpu.sem_alloc : memref<!tpu.dma_semaphore, #tpu.memory_space<semaphore_mem>>
      %dma_start3A = tpu.memref_slice %arg2[%add3A_35] : memref<1048576xf32, #tpu.memory_space<hbm>> -> memref<32768xf32, #tpu.memory_space<hbm>>
      %dma_start3A_50 = tpu.memref_slice %arg2[%add3A_35] : memref<1048576xf32, #tpu.memory_space<hbm>> -> memref<32768xf32, #tpu.memory_space<hbm>>
      tpu.enqueue_dma source(%dma_start3A_50 : memref<32768xf32, #tpu.memory_space<hbm>>) target(%arg4 : memref<32768xf32, #tpu.memory_space<vmem>>) target_semaphore(%run_scoped3A : memref<!tpu.dma_semaphore, #tpu.memory_space<semaphore_mem>>)
      %dma_wait3A = tpu.memref_slice %arg2[%add3A_35] : memref<1048576xf32, #tpu.memory_space<hbm>> -> memref<32768xf32, #tpu.memory_space<hbm>>
      %dma_wait3A_51 = tpu.memref_slice %arg2[%add3A_35] : memref<1048576xf32, #tpu.memory_space<hbm>> -> memref<32768xf32, #tpu.memory_space<hbm>>
      tpu.wait_dma2 semaphore(%run_scoped3A : memref<!tpu.dma_semaphore, #tpu.memory_space<semaphore_mem>>) src(%dma_wait3A_51 : memref<32768xf32, #tpu.memory_space<hbm>>) dst(%arg4 : memref<32768xf32, #tpu.memory_space<vmem>>)
      tpu.yield
    }) : () -> ()
    %broadcast_in_dim3A = arith.constant 0 : i32
    %broadcast_in_dim3A_36 = vector.broadcast %broadcast_in_dim3A : i32 to vector<16xi32>
    %scan3A = arith.constant 0 : i32
    %scan3A_37 = arith.constant 0 : i32
    %scan3A_38 = arith.constant 256 : i32
    %scan3A_39 = arith.addi %scan3A_37, %scan3A_38 : i32
    %scan3A_40 = arith.constant 1 : i32
    scf.for %scan3A_50 = %scan3A_37 to %scan3A_39 step %scan3A_40  : i32 {
      %mul3A_51 = arith.constant 16 : i32
      %mul3A_52 = arith.muli %scan3A_50, %mul3A_51 : i32
      %swap3A = arith.index_cast %mul3A_52 : i32 to index
      %swap3A_53 = tpu.vector_load %arg5[%swap3A] {strides = array<i32>} : memref<4096xi32, #tpu.memory_space<vmem>>, vector<16xi32>,
      tpu.vector_store %arg5[%swap3A], %broadcast_in_dim3A_36 {strides = array<i32>} : memref<4096xi32, #tpu.memory_space<vmem>>, vector<16xi32>,
    }
    %scan3A_41 = arith.constant 256 : i32
    %broadcast_in_dim3A_42 = arith.constant 1 : i32
    %broadcast_in_dim3A_43 = vector.broadcast %broadcast_in_dim3A_42 : i32 to vector<16xi32>
    %scan3A_44 = arith.constant 0 : i32
    %scan3A_45 = arith.constant 0 : i32
    %scan3A_46 = arith.constant 2048 : i32
    %scan3A_47 = arith.addi %scan3A_45, %scan3A_46 : i32
    %scan3A_48 = arith.constant 1 : i32
    scf.for %scan3A_50 = %scan3A_45 to %scan3A_47 step %scan3A_48  : i32 {
      %mul3A_51 = arith.constant 16 : i32
      %mul3A_52 = arith.muli %scan3A_50, %mul3A_51 : i32
      %get3A = arith.index_cast %mul3A_52 : i32 to index
      %get3A_53 = tpu.vector_load %arg4[%get3A] {strides = array<i32>} : memref<32768xf32, #tpu.memory_space<vmem>>, vector<16xf32>,
      %mul3A_54 = arith.constant 4.096000e+03 : f32
      %mul3A_55 = vector.broadcast %mul3A_54 : f32 to vector<16xf32>
      %mul3A_56 = arith.mulf %get3A_53, %mul3A_55 : vector<16xf32>
      %convert_element_type3A = arith.fptosi %mul3A_56 : vector<16xf32> to vector<16xi32>
      %min3A = arith.constant 4095 : i32
      %min3A_57 = vector.broadcast %min3A : i32 to vector<16xi32>
      %min3A_58 = arith.minsi %convert_element_type3A, %min3A_57 : vector<16xi32>
      tpu.vector_store_idx %arg5[%min3A_58], %broadcast_in_dim3A_43 {add = true} : memref<4096xi32, #tpu.memory_space<vmem>>[vector<16xi32>], vector<16xi32>,
    }
    %scan3A_49 = arith.constant 2048 : i32
    "tpu.region"() ({
      %run_scoped3A = tpu.sem_alloc : memref<!tpu.dma_semaphore, #tpu.memory_space<semaphore_mem>>
      %dma_start3A = arith.constant 0 : i32
      %dma_start3A_50 = tpu.memref_slice %arg3[%select_n3A, %select_n3A_30, %dma_start3A] : memref<4x8x4096xi32, #tpu.memory_space<hbm>> -> memref<1x1x4096xi32, #tpu.memory_space<hbm>>
      %dma_start3A_51 = tpu.memref_squeeze %dma_start3A_50 : memref<1x1x4096xi32, #tpu.memory_space<hbm>> -> memref<4096xi32, #tpu.memory_space<hbm>>
      %dma_start3A_52 = arith.constant 0 : i32
      %dma_start3A_53 = tpu.memref_slice %arg3[%select_n3A, %select_n3A_30, %dma_start3A_52] : memref<4x8x4096xi32, #tpu.memory_space<hbm>> -> memref<1x1x4096xi32, #tpu.memory_space<hbm>>
      %dma_start3A_54 = tpu.memref_squeeze %dma_start3A_53 : memref<1x1x4096xi32, #tpu.memory_space<hbm>> -> memref<4096xi32, #tpu.memory_space<hbm>>
      tpu.enqueue_dma source(%arg5 : memref<4096xi32, #tpu.memory_space<vmem>>) target(%dma_start3A_54 : memref<4096xi32, #tpu.memory_space<hbm>>) target_semaphore(%run_scoped3A : memref<!tpu.dma_semaphore, #tpu.memory_space<semaphore_mem>>)
      %dma_wait3A = arith.constant 0 : i32
      %dma_wait3A_55 = tpu.memref_slice %arg3[%select_n3A, %select_n3A_30, %dma_wait3A] : memref<4x8x4096xi32, #tpu.memory_space<hbm>> -> memref<1x1x4096xi32, #tpu.memory_space<hbm>>
      %dma_wait3A_56 = tpu.memref_squeeze %dma_wait3A_55 : memref<1x1x4096xi32, #tpu.memory_space<hbm>> -> memref<4096xi32, #tpu.memory_space<hbm>>
      %dma_wait3A_57 = arith.constant 0 : i32
      %dma_wait3A_58 = tpu.memref_slice %arg3[%select_n3A, %select_n3A_30, %dma_wait3A_57] : memref<4x8x4096xi32, #tpu.memory_space<hbm>> -> memref<1x1x4096xi32, #tpu.memory_space<hbm>>
      %dma_wait3A_59 = tpu.memref_squeeze %dma_wait3A_58 : memref<1x1x4096xi32, #tpu.memory_space<hbm>> -> memref<4096xi32, #tpu.memory_space<hbm>>
      tpu.wait_dma2 semaphore(%run_scoped3A : memref<!tpu.dma_semaphore, #tpu.memory_space<semaphore_mem>>) src(%arg5 : memref<4096xi32, #tpu.memory_space<vmem>>) dst(%dma_wait3A_59 : memref<4096xi32, #tpu.memory_space<hbm>>)
      tpu.yield
    }) : () -> ()
    return
  }
}

module attributes {stable_mosaic.version = 14 : i64} {
  func.func @_head_body(%arg0: i32, %arg1: memref<1x72x72x128xf32, #tpu.memory_space<vmem>>, %arg2: memref<1152x256xf32, #tpu.memory_space<vmem>>, %arg3: memref<1x256xf32, #tpu.memory_space<vmem>>, %arg4: memref<256x65xf32, #tpu.memory_space<vmem>>, %arg5: memref<1x65xf32, #tpu.memory_space<vmem>>, %arg6: memref<1x4096x65xf32, #tpu.memory_space<vmem>>, %arg7: memref<1x4096x64xf32, #tpu.memory_space<vmem>>, %arg8: memref<4096x1152xf32, #tpu.memory_space<vmem>>) attributes {dimension_semantics = [#tpu.dimension_semantics<arbitrary>], iteration_bounds = array<i64: 4>, scalar_prefetch = 0 : i64, scratch_operands = 1 : i64, tpu.core_type = #tpu.core_type<tc>, window_params = [{transform_indices = @transform_0, window_bounds = array<i64: 1, 72, 72, 128>}, {pipeline_mode = #tpu.pipeline_mode<synchronous>, transform_indices = @transform_1, window_bounds = array<i64: 1152, 256>}, {pipeline_mode = #tpu.pipeline_mode<synchronous>, transform_indices = @transform_2, window_bounds = array<i64: 1, 256>}, {pipeline_mode = #tpu.pipeline_mode<synchronous>, transform_indices = @transform_3, window_bounds = array<i64: 256, 65>}, {pipeline_mode = #tpu.pipeline_mode<synchronous>, transform_indices = @transform_4, window_bounds = array<i64: 1, 65>}, {transform_indices = @transform_5, window_bounds = array<i64: 1, 4096, 65>}, {transform_indices = @transform_6, window_bounds = array<i64: 1, 4096, 64>}]} {
    %get3A = arith.constant 0 : index
    %get3A_0 = arith.constant 0 : index
    %get3A_1 = arith.constant 0 : index
    %get3A_2 = arith.constant 0 : index
    %get3A_3 = vector.load %arg1[%get3A, %get3A_0, %get3A_1, %get3A_2] : memref<1x72x72x128xf32, #tpu.memory_space<vmem>>, vector<1x64x64x128xf32>
    %get3A_4 = vector.shape_cast %get3A_3 : vector<1x64x64x128xf32> to vector<64x64x128xf32>
    %reshape3A = vector.shape_cast %get3A_4 : vector<64x64x128xf32> to vector<4096x128xf32>
    %swap3A = arith.constant 0 : index
    %swap3A_5 = arith.constant 0 : index
    %swap3A_6 = vector.load %arg8[%swap3A, %swap3A_5] : memref<4096x1152xf32, #tpu.memory_space<vmem>>, vector<4096x128xf32>
    tpu.vector_store %arg8[%swap3A, %swap3A_5], %reshape3A {strides = array<i32>} : memref<4096x1152xf32, #tpu.memory_space<vmem>>, vector<4096x128xf32>,
    %get3A_7 = arith.constant 0 : index
    %get3A_8 = arith.constant 0 : index
    %get3A_9 = arith.constant 1 : index
    %get3A_10 = arith.constant 0 : index
    %get3A_11 = vector.load %arg1[%get3A_7, %get3A_8, %get3A_9, %get3A_10] : memref<1x72x72x128xf32, #tpu.memory_space<vmem>>, vector<1x64x64x128xf32>
    %get3A_12 = vector.shape_cast %get3A_11 : vector<1x64x64x128xf32> to vector<64x64x128xf32>
    %reshape3A_13 = vector.shape_cast %get3A_12 : vector<64x64x128xf32> to vector<4096x128xf32>
    %swap3A_14 = arith.constant 0 : index
    %swap3A_15 = arith.constant 128 : index
    %swap3A_16 = vector.load %arg8[%swap3A_14, %swap3A_15] : memref<4096x1152xf32, #tpu.memory_space<vmem>>, vector<4096x128xf32>
    tpu.vector_store %arg8[%swap3A_14, %swap3A_15], %reshape3A_13 {strides = array<i32>} : memref<4096x1152xf32, #tpu.memory_space<vmem>>, vector<4096x128xf32>,
    %get3A_17 = arith.constant 0 : index
    %get3A_18 = arith.constant 0 : index
    %get3A_19 = arith.constant 2 : index
    %get3A_20 = arith.constant 0 : index
    %get3A_21 = vector.load %arg1[%get3A_17, %get3A_18, %get3A_19, %get3A_20] : memref<1x72x72x128xf32, #tpu.memory_space<vmem>>, vector<1x64x64x128xf32>
    %get3A_22 = vector.shape_cast %get3A_21 : vector<1x64x64x128xf32> to vector<64x64x128xf32>
    %reshape3A_23 = vector.shape_cast %get3A_22 : vector<64x64x128xf32> to vector<4096x128xf32>
    %swap3A_24 = arith.constant 0 : index
    %swap3A_25 = arith.constant 256 : index
    %swap3A_26 = vector.load %arg8[%swap3A_24, %swap3A_25] : memref<4096x1152xf32, #tpu.memory_space<vmem>>, vector<4096x128xf32>
    tpu.vector_store %arg8[%swap3A_24, %swap3A_25], %reshape3A_23 {strides = array<i32>} : memref<4096x1152xf32, #tpu.memory_space<vmem>>, vector<4096x128xf32>,
    %get3A_27 = arith.constant 0 : index
    %get3A_28 = arith.constant 1 : index
    %get3A_29 = arith.constant 0 : index
    %get3A_30 = arith.constant 0 : index
    %get3A_31 = vector.load %arg1[%get3A_27, %get3A_28, %get3A_29, %get3A_30] : memref<1x72x72x128xf32, #tpu.memory_space<vmem>>, vector<1x64x64x128xf32>
    %get3A_32 = vector.shape_cast %get3A_31 : vector<1x64x64x128xf32> to vector<64x64x128xf32>
    %reshape3A_33 = vector.shape_cast %get3A_32 : vector<64x64x128xf32> to vector<4096x128xf32>
    %swap3A_34 = arith.constant 0 : index
    %swap3A_35 = arith.constant 384 : index
    %swap3A_36 = vector.load %arg8[%swap3A_34, %swap3A_35] : memref<4096x1152xf32, #tpu.memory_space<vmem>>, vector<4096x128xf32>
    tpu.vector_store %arg8[%swap3A_34, %swap3A_35], %reshape3A_33 {strides = array<i32>} : memref<4096x1152xf32, #tpu.memory_space<vmem>>, vector<4096x128xf32>,
    %get3A_37 = arith.constant 0 : index
    %get3A_38 = arith.constant 1 : index
    %get3A_39 = arith.constant 1 : index
    %get3A_40 = arith.constant 0 : index
    %get3A_41 = vector.load %arg1[%get3A_37, %get3A_38, %get3A_39, %get3A_40] : memref<1x72x72x128xf32, #tpu.memory_space<vmem>>, vector<1x64x64x128xf32>
    %get3A_42 = vector.shape_cast %get3A_41 : vector<1x64x64x128xf32> to vector<64x64x128xf32>
    %reshape3A_43 = vector.shape_cast %get3A_42 : vector<64x64x128xf32> to vector<4096x128xf32>
    %swap3A_44 = arith.constant 0 : index
    %swap3A_45 = arith.constant 512 : index
    %swap3A_46 = vector.load %arg8[%swap3A_44, %swap3A_45] : memref<4096x1152xf32, #tpu.memory_space<vmem>>, vector<4096x128xf32>
    tpu.vector_store %arg8[%swap3A_44, %swap3A_45], %reshape3A_43 {strides = array<i32>} : memref<4096x1152xf32, #tpu.memory_space<vmem>>, vector<4096x128xf32>,
    %get3A_47 = arith.constant 0 : index
    %get3A_48 = arith.constant 1 : index
    %get3A_49 = arith.constant 2 : index
    %get3A_50 = arith.constant 0 : index
    %get3A_51 = vector.load %arg1[%get3A_47, %get3A_48, %get3A_49, %get3A_50] : memref<1x72x72x128xf32, #tpu.memory_space<vmem>>, vector<1x64x64x128xf32>
    %get3A_52 = vector.shape_cast %get3A_51 : vector<1x64x64x128xf32> to vector<64x64x128xf32>
    %reshape3A_53 = vector.shape_cast %get3A_52 : vector<64x64x128xf32> to vector<4096x128xf32>
    %swap3A_54 = arith.constant 0 : index
    %swap3A_55 = arith.constant 640 : index
    %swap3A_56 = vector.load %arg8[%swap3A_54, %swap3A_55] : memref<4096x1152xf32, #tpu.memory_space<vmem>>, vector<4096x128xf32>
    tpu.vector_store %arg8[%swap3A_54, %swap3A_55], %reshape3A_53 {strides = array<i32>} : memref<4096x1152xf32, #tpu.memory_space<vmem>>, vector<4096x128xf32>,
    %get3A_57 = arith.constant 0 : index
    %get3A_58 = arith.constant 2 : index
    %get3A_59 = arith.constant 0 : index
    %get3A_60 = arith.constant 0 : index
    %get3A_61 = vector.load %arg1[%get3A_57, %get3A_58, %get3A_59, %get3A_60] : memref<1x72x72x128xf32, #tpu.memory_space<vmem>>, vector<1x64x64x128xf32>
    %get3A_62 = vector.shape_cast %get3A_61 : vector<1x64x64x128xf32> to vector<64x64x128xf32>
    %reshape3A_63 = vector.shape_cast %get3A_62 : vector<64x64x128xf32> to vector<4096x128xf32>
    %swap3A_64 = arith.constant 0 : index
    %swap3A_65 = arith.constant 768 : index
    %swap3A_66 = vector.load %arg8[%swap3A_64, %swap3A_65] : memref<4096x1152xf32, #tpu.memory_space<vmem>>, vector<4096x128xf32>
    tpu.vector_store %arg8[%swap3A_64, %swap3A_65], %reshape3A_63 {strides = array<i32>} : memref<4096x1152xf32, #tpu.memory_space<vmem>>, vector<4096x128xf32>,
    %get3A_67 = arith.constant 0 : index
    %get3A_68 = arith.constant 2 : index
    %get3A_69 = arith.constant 1 : index
    %get3A_70 = arith.constant 0 : index
    %get3A_71 = vector.load %arg1[%get3A_67, %get3A_68, %get3A_69, %get3A_70] : memref<1x72x72x128xf32, #tpu.memory_space<vmem>>, vector<1x64x64x128xf32>
    %get3A_72 = vector.shape_cast %get3A_71 : vector<1x64x64x128xf32> to vector<64x64x128xf32>
    %reshape3A_73 = vector.shape_cast %get3A_72 : vector<64x64x128xf32> to vector<4096x128xf32>
    %swap3A_74 = arith.constant 0 : index
    %swap3A_75 = arith.constant 896 : index
    %swap3A_76 = vector.load %arg8[%swap3A_74, %swap3A_75] : memref<4096x1152xf32, #tpu.memory_space<vmem>>, vector<4096x128xf32>
    tpu.vector_store %arg8[%swap3A_74, %swap3A_75], %reshape3A_73 {strides = array<i32>} : memref<4096x1152xf32, #tpu.memory_space<vmem>>, vector<4096x128xf32>,
    %get3A_77 = arith.constant 0 : index
    %get3A_78 = arith.constant 2 : index
    %get3A_79 = arith.constant 2 : index
    %get3A_80 = arith.constant 0 : index
    %get3A_81 = vector.load %arg1[%get3A_77, %get3A_78, %get3A_79, %get3A_80] : memref<1x72x72x128xf32, #tpu.memory_space<vmem>>, vector<1x64x64x128xf32>
    %get3A_82 = vector.shape_cast %get3A_81 : vector<1x64x64x128xf32> to vector<64x64x128xf32>
    %reshape3A_83 = vector.shape_cast %get3A_82 : vector<64x64x128xf32> to vector<4096x128xf32>
    %swap3A_84 = arith.constant 0 : index
    %swap3A_85 = arith.constant 1024 : index
    %swap3A_86 = vector.load %arg8[%swap3A_84, %swap3A_85] : memref<4096x1152xf32, #tpu.memory_space<vmem>>, vector<4096x128xf32>
    tpu.vector_store %arg8[%swap3A_84, %swap3A_85], %reshape3A_83 {strides = array<i32>} : memref<4096x1152xf32, #tpu.memory_space<vmem>>, vector<4096x128xf32>,
    %get3A_87 = arith.constant 0 : index
    %get3A_88 = arith.constant 0 : index
    %get3A_89 = vector.load %arg8[%get3A_87, %get3A_88] : memref<4096x1152xf32, #tpu.memory_space<vmem>>, vector<4096x1152xf32>
    %get3A_90 = arith.constant 0 : index
    %get3A_91 = arith.constant 0 : index
    %get3A_92 = vector.load %arg2[%get3A_90, %get3A_91] : memref<1152x256xf32, #tpu.memory_space<vmem>>, vector<1152x256xf32>
    %dot_general3A = arith.constant dense<0.000000e+00> : vector<4096x256xf32>
    %dot_general3A_93 = tpu.matmul %get3A_89, %get3A_92, %dot_general3A {dimension_numbers = #tpu.dot_dimension_numbers<[1], [0], [0], [1], [0, 0, 1, 1], [], []>, transpose_lhs_hint = false} : vector<4096x1152xf32>, vector<1152x256xf32>, vector<4096x256xf32> -> vector<4096x256xf32>
    %get3A_94 = arith.constant 0 : index
    %get3A_95 = arith.constant 0 : index
    %get3A_96 = vector.load %arg3[%get3A_94, %get3A_95] : memref<1x256xf32, #tpu.memory_space<vmem>>, vector<1x256xf32>
    %add3A = vector.broadcast %get3A_96 : vector<1x256xf32> to vector<4096x256xf32>
    %add3A_97 = arith.addf %dot_general3A_93, %add3A : vector<4096x256xf32>
    %max3A = arith.constant 0.000000e+00 : f32
    %max3A_98 = vector.broadcast %max3A : f32 to vector<4096x256xf32>
    %max3A_99 = arith.maximumf %add3A_97, %max3A_98 : vector<4096x256xf32>
    %get3A_100 = arith.constant 0 : index
    %get3A_101 = arith.constant 0 : index
    %get3A_102 = vector.load %arg4[%get3A_100, %get3A_101] : memref<256x65xf32, #tpu.memory_space<vmem>>, vector<256x65xf32>
    %dot_general3A_103 = arith.constant dense<0.000000e+00> : vector<4096x65xf32>
    %dot_general3A_104 = tpu.matmul %max3A_99, %get3A_102, %dot_general3A_103 {dimension_numbers = #tpu.dot_dimension_numbers<[1], [0], [0], [1], [0, 0, 1, 1], [], []>, transpose_lhs_hint = false} : vector<4096x256xf32>, vector<256x65xf32>, vector<4096x65xf32> -> vector<4096x65xf32>
    %get3A_105 = arith.constant 0 : index
    %get3A_106 = arith.constant 0 : index
    %get3A_107 = vector.load %arg5[%get3A_105, %get3A_106] : memref<1x65xf32, #tpu.memory_space<vmem>>, vector<1x65xf32>
    %add3A_108 = vector.broadcast %get3A_107 : vector<1x65xf32> to vector<4096x65xf32>
    %add3A_109 = arith.addf %dot_general3A_104, %add3A_108 : vector<4096x65xf32>
    %swap3A_110 = arith.constant 0 : index
    %swap3A_111 = arith.constant 0 : index
    %swap3A_112 = arith.constant 0 : index
    %swap3A_113 = vector.load %arg6[%swap3A_110, %swap3A_111, %swap3A_112] : memref<1x4096x65xf32, #tpu.memory_space<vmem>>, vector<1x4096x65xf32>
    %swap3A_114 = vector.shape_cast %swap3A_113 : vector<1x4096x65xf32> to vector<4096x65xf32>
    %swap3A_115 = vector.shape_cast %add3A_109 : vector<4096x65xf32> to vector<1x4096x65xf32>
    tpu.vector_store %arg6[%swap3A_110, %swap3A_111, %swap3A_112], %swap3A_115 {strides = array<i32>} : memref<1x4096x65xf32, #tpu.memory_space<vmem>>, vector<1x4096x65xf32>,
    %reduce_max3A = arith.constant dense<0xFF800000> : vector<4096xf32>
    %reduce_max3A_116 = vector.multi_reduction <maximumf>, %add3A_109, %reduce_max3A [1] : vector<4096x65xf32> to vector<4096xf32>
    %broadcast_in_dim3A = vector.shape_cast %reduce_max3A_116 : vector<4096xf32> to vector<4096x1xf32>
    %sub3A = vector.broadcast %broadcast_in_dim3A : vector<4096x1xf32> to vector<4096x65xf32>
    %sub3A_117 = arith.subf %add3A_109, %sub3A : vector<4096x65xf32>
    %exp3A = math.exp %sub3A_117 : vector<4096x65xf32>
    %reduce_sum3A = arith.constant dense<0.000000e+00> : vector<4096xf32>
    %reduce_sum3A_118 = vector.multi_reduction <add>, %exp3A, %reduce_sum3A [1] : vector<4096x65xf32> to vector<4096xf32>
    %broadcast_in_dim3A_119 = vector.shape_cast %reduce_sum3A_118 : vector<4096xf32> to vector<4096x1xf32>
    %div3A = vector.broadcast %broadcast_in_dim3A_119 : vector<4096x1xf32> to vector<4096x65xf32>
    %div3A_120 = arith.divf %exp3A, %div3A : vector<4096x65xf32>
    %slice3A = vector.extract_strided_slice %div3A_120 {offsets = [0, 0], sizes = [4096, 64], strides = [1, 1]} : vector<4096x65xf32> to vector<4096x64xf32>
    %swap3A_121 = arith.constant 0 : index
    %swap3A_122 = arith.constant 0 : index
    %swap3A_123 = arith.constant 0 : index
    %swap3A_124 = vector.load %arg7[%swap3A_121, %swap3A_122, %swap3A_123] : memref<1x4096x64xf32, #tpu.memory_space<vmem>>, vector<1x4096x64xf32>
    %swap3A_125 = vector.shape_cast %swap3A_124 : vector<1x4096x64xf32> to vector<4096x64xf32>
    %swap3A_126 = vector.shape_cast %slice3A : vector<4096x64xf32> to vector<1x4096x64xf32>
    tpu.vector_store %arg7[%swap3A_121, %swap3A_122, %swap3A_123], %swap3A_126 {strides = array<i32>} : memref<1x4096x64xf32, #tpu.memory_space<vmem>>, vector<1x4096x64xf32>,
    return
  }
  func.func @transform_0(%arg0: i32) -> (i32, i32, i32, i32) {
    %c0_i32 = arith.constant 0 : i32
    %c0_i32_0 = arith.constant 0 : i32
    %c0_i32_1 = arith.constant 0 : i32
    %c0_i32_2 = arith.constant 0 : i32
    return %arg0, %c0_i32, %c0_i32_0, %c0_i32_1 : i32, i32, i32, i32
  }
  func.func @transform_1(%arg0: i32) -> (i32, i32) {
    %c0_i32 = arith.constant 0 : i32
    %c0_i32_0 = arith.constant 0 : i32
    %c0_i32_1 = arith.constant 0 : i32
    return %c0_i32, %c0_i32_0 : i32, i32
  }
  func.func @transform_2(%arg0: i32) -> (i32, i32) {
    %c0_i32 = arith.constant 0 : i32
    %c0_i32_0 = arith.constant 0 : i32
    %c0_i32_1 = arith.constant 0 : i32
    return %c0_i32, %c0_i32_0 : i32, i32
  }
  func.func @transform_3(%arg0: i32) -> (i32, i32) {
    %c0_i32 = arith.constant 0 : i32
    %c0_i32_0 = arith.constant 0 : i32
    %c0_i32_1 = arith.constant 0 : i32
    return %c0_i32, %c0_i32_0 : i32, i32
  }
  func.func @transform_4(%arg0: i32) -> (i32, i32) {
    %c0_i32 = arith.constant 0 : i32
    %c0_i32_0 = arith.constant 0 : i32
    %c0_i32_1 = arith.constant 0 : i32
    return %c0_i32, %c0_i32_0 : i32, i32
  }
  func.func @transform_5(%arg0: i32) -> (i32, i32, i32) {
    %c0_i32 = arith.constant 0 : i32
    %c0_i32_0 = arith.constant 0 : i32
    %c0_i32_1 = arith.constant 0 : i32
    return %arg0, %c0_i32, %c0_i32_0 : i32, i32, i32
  }
  func.func @transform_6(%arg0: i32) -> (i32, i32, i32) {
    %c0_i32 = arith.constant 0 : i32
    %c0_i32_0 = arith.constant 0 : i32
    %c0_i32_1 = arith.constant 0 : i32
    return %arg0, %c0_i32, %c0_i32_0 : i32, i32, i32
  }
}

module attributes {stable_mosaic.version = 14 : i64} {
  func.func @_nms_body(%arg0: i32, %arg1: memref<1x1x1664xf32, #tpu.memory_space<vmem>>, %arg2: memref<1x1664x1xf32, #tpu.memory_space<vmem>>, %arg3: memref<1x1x1664xf32, #tpu.memory_space<vmem>>, %arg4: memref<1x1664x1xf32, #tpu.memory_space<vmem>>, %arg5: memref<1x1x1664xf32, #tpu.memory_space<vmem>>, %arg6: memref<1x1664x1xf32, #tpu.memory_space<vmem>>, %arg7: memref<1x1x1664xi32, #tpu.memory_space<vmem>>, %arg8: memref<1x1664x1xi32, #tpu.memory_space<vmem>>, %arg9: memref<1x1x1664xf32, #tpu.memory_space<vmem>>, %arg10: memref<1664x1664xbf16, #tpu.memory_space<vmem>>, %arg11: memref<1664x1664xbf16, #tpu.memory_space<vmem>>) attributes {dimension_semantics = [#tpu.dimension_semantics<arbitrary>], iteration_bounds = array<i64: 4>, scalar_prefetch = 0 : i64, scratch_operands = 2 : i64, tpu.core_type = #tpu.core_type<tc>, window_params = [{transform_indices = @transform_0, window_bounds = array<i64: 1, 1, 1664>}, {transform_indices = @transform_1, window_bounds = array<i64: 1, 1664, 1>}, {transform_indices = @transform_2, window_bounds = array<i64: 1, 1, 1664>}, {transform_indices = @transform_3, window_bounds = array<i64: 1, 1664, 1>}, {transform_indices = @transform_4, window_bounds = array<i64: 1, 1, 1664>}, {transform_indices = @transform_5, window_bounds = array<i64: 1, 1664, 1>}, {transform_indices = @transform_6, window_bounds = array<i64: 1, 1, 1664>}, {transform_indices = @transform_7, window_bounds = array<i64: 1, 1664, 1>}, {transform_indices = @transform_8, window_bounds = array<i64: 1, 1, 1664>}]} {
    %get3A = arith.constant 0 : index
    %get3A_0 = arith.constant 0 : index
    %get3A_1 = arith.constant 0 : index
    %get3A_2 = vector.load %arg1[%get3A, %get3A_0, %get3A_1] : memref<1x1x1664xf32, #tpu.memory_space<vmem>>, vector<1x1x1664xf32>
    %get3A_3 = vector.shape_cast %get3A_2 : vector<1x1x1664xf32> to vector<1x1664xf32>
    %get3A_4 = arith.constant 0 : index
    %get3A_5 = arith.constant 0 : index
    %get3A_6 = arith.constant 0 : index
    %get3A_7 = vector.load %arg3[%get3A_4, %get3A_5, %get3A_6] : memref<1x1x1664xf32, #tpu.memory_space<vmem>>, vector<1x1x1664xf32>
    %get3A_8 = vector.shape_cast %get3A_7 : vector<1x1x1664xf32> to vector<1x1664xf32>
    %get3A_9 = arith.constant 0 : index
    %get3A_10 = arith.constant 0 : index
    %get3A_11 = arith.constant 0 : index
    %get3A_12 = vector.load %arg5[%get3A_9, %get3A_10, %get3A_11] : memref<1x1x1664xf32, #tpu.memory_space<vmem>>, vector<1x1x1664xf32>
    %get3A_13 = vector.shape_cast %get3A_12 : vector<1x1x1664xf32> to vector<1x1664xf32>
    %get3A_14 = arith.constant 0 : index
    %get3A_15 = arith.constant 0 : index
    %get3A_16 = arith.constant 0 : index
    %get3A_17 = vector.load %arg7[%get3A_14, %get3A_15, %get3A_16] : memref<1x1x1664xi32, #tpu.memory_space<vmem>>, vector<1x1x1664xi32>
    %get3A_18 = vector.shape_cast %get3A_17 : vector<1x1x1664xi32> to vector<1x1664xi32>
    %get3A_19 = arith.constant 0 : index
    %get3A_20 = arith.constant 0 : index
    %get3A_21 = arith.constant 0 : index
    %get3A_22 = vector.load %arg2[%get3A_19, %get3A_20, %get3A_21] : memref<1x1664x1xf32, #tpu.memory_space<vmem>>, vector<1x208x1xf32>
    %get3A_23 = vector.shape_cast %get3A_22 : vector<1x208x1xf32> to vector<208x1xf32>
    %get3A_24 = arith.constant 0 : index
    %get3A_25 = arith.constant 0 : index
    %get3A_26 = arith.constant 0 : index
    %get3A_27 = vector.load %arg4[%get3A_24, %get3A_25, %get3A_26] : memref<1x1664x1xf32, #tpu.memory_space<vmem>>, vector<1x208x1xf32>
    %get3A_28 = vector.shape_cast %get3A_27 : vector<1x208x1xf32> to vector<208x1xf32>
    %sub3A = vector.broadcast %get3A_28 : vector<208x1xf32> to vector<208x1664xf32>
    %sub3A_29 = vector.broadcast %get3A_8 : vector<1x1664xf32> to vector<208x1664xf32>
    %sub3A_30 = arith.subf %sub3A, %sub3A_29 : vector<208x1664xf32>
    %abs3A = math.absf %sub3A_30 : vector<208x1664xf32>
    %get3A_31 = arith.constant 0 : index
    %get3A_32 = arith.constant 0 : index
    %get3A_33 = arith.constant 0 : index
    %get3A_34 = vector.load %arg6[%get3A_31, %get3A_32, %get3A_33] : memref<1x1664x1xf32, #tpu.memory_space<vmem>>, vector<1x208x1xf32>
    %get3A_35 = vector.shape_cast %get3A_34 : vector<1x208x1xf32> to vector<208x1xf32>
    %sub3A_36 = vector.broadcast %get3A_35 : vector<208x1xf32> to vector<208x1664xf32>
    %sub3A_37 = vector.broadcast %get3A_13 : vector<1x1664xf32> to vector<208x1664xf32>
    %sub3A_38 = arith.subf %sub3A_36, %sub3A_37 : vector<208x1664xf32>
    %abs3A_39 = math.absf %sub3A_38 : vector<208x1664xf32>
    %sub3A_40 = arith.constant 4.000000e+00 : f32
    %sub3A_41 = vector.broadcast %sub3A_40 : f32 to vector<208x1664xf32>
    %sub3A_42 = arith.subf %sub3A_41, %abs3A : vector<208x1664xf32>
    %max3A = arith.constant 0.000000e+00 : f32
    %max3A_43 = vector.broadcast %max3A : f32 to vector<208x1664xf32>
    %max3A_44 = arith.maximumf %sub3A_42, %max3A_43 : vector<208x1664xf32>
    %sub3A_45 = arith.constant 4.000000e+00 : f32
    %sub3A_46 = vector.broadcast %sub3A_45 : f32 to vector<208x1664xf32>
    %sub3A_47 = arith.subf %sub3A_46, %abs3A_39 : vector<208x1664xf32>
    %max3A_48 = arith.constant 0.000000e+00 : f32
    %max3A_49 = vector.broadcast %max3A_48 : f32 to vector<208x1664xf32>
    %max3A_50 = arith.maximumf %sub3A_47, %max3A_49 : vector<208x1664xf32>
    %mul3A = arith.mulf %max3A_44, %max3A_50 : vector<208x1664xf32>
    %ge3A = arith.constant 3.000000e+00 : f32
    %ge3A_51 = vector.broadcast %ge3A : f32 to vector<208x1664xf32>
    %ge3A_52 = arith.cmpf oge, %mul3A, %ge3A_51 : vector<208x1664xf32>
    %gt3A = vector.broadcast %get3A_23 : vector<208x1xf32> to vector<208x1664xf32>
    %gt3A_53 = vector.broadcast %get3A_3 : vector<1x1664xf32> to vector<208x1664xf32>
    %gt3A_54 = arith.cmpf ogt, %gt3A, %gt3A_53 : vector<208x1664xf32>
    %eq3A = vector.broadcast %get3A_23 : vector<208x1xf32> to vector<208x1664xf32>
    %eq3A_55 = vector.broadcast %get3A_3 : vector<1x1664xf32> to vector<208x1664xf32>
    %eq3A_56 = arith.cmpf oeq, %eq3A, %eq3A_55 : vector<208x1664xf32>
    %get3A_57 = arith.constant 0 : index
    %get3A_58 = arith.constant 0 : index
    %get3A_59 = arith.constant 0 : index
    %get3A_60 = vector.load %arg8[%get3A_57, %get3A_58, %get3A_59] : memref<1x1664x1xi32, #tpu.memory_space<vmem>>, vector<1x208x1xi32>
    %get3A_61 = vector.shape_cast %get3A_60 : vector<1x208x1xi32> to vector<208x1xi32>
    %lt3A = vector.broadcast %get3A_61 : vector<208x1xi32> to vector<208x1664xi32>
    %lt3A_62 = vector.broadcast %get3A_18 : vector<1x1664xi32> to vector<208x1664xi32>
    %lt3A_63 = arith.cmpi slt, %lt3A, %lt3A_62 : vector<208x1664xi32>
    %and3A = arith.andi %eq3A_56, %lt3A_63 : vector<208x1664xi1>
    %or3A = arith.ori %gt3A_54, %and3A : vector<208x1664xi1>
    %convert_element_type3A = arith.extui %or3A : vector<208x1664xi1> to vector<208x1664xi32>
    %convert_element_type3A_64 = arith.sitofp %convert_element_type3A : vector<208x1664xi32> to vector<208x1664xf32>
    %convert_element_type3A_65 = arith.truncf %convert_element_type3A_64 : vector<208x1664xf32> to vector<208x1664xbf16>
    %swap3A = arith.constant 0 : index
    %swap3A_66 = arith.constant 0 : index
    %swap3A_67 = vector.load %arg11[%swap3A, %swap3A_66] : memref<1664x1664xbf16, #tpu.memory_space<vmem>>, vector<208x1664xbf16>
    tpu.vector_store %arg11[%swap3A, %swap3A_66], %convert_element_type3A_65 {strides = array<i32>} : memref<1664x1664xbf16, #tpu.memory_space<vmem>>, vector<208x1664xbf16>,
    %and3A_68 = arith.andi %ge3A_52, %or3A : vector<208x1664xi1>
    %convert_element_type3A_69 = arith.extui %and3A_68 : vector<208x1664xi1> to vector<208x1664xi32>
    %convert_element_type3A_70 = arith.sitofp %convert_element_type3A_69 : vector<208x1664xi32> to vector<208x1664xf32>
    %convert_element_type3A_71 = arith.truncf %convert_element_type3A_70 : vector<208x1664xf32> to vector<208x1664xbf16>
    %swap3A_72 = arith.constant 0 : index
    %swap3A_73 = arith.constant 0 : index
    %swap3A_74 = vector.load %arg10[%swap3A_72, %swap3A_73] : memref<1664x1664xbf16, #tpu.memory_space<vmem>>, vector<208x1664xbf16>
    tpu.vector_store %arg10[%swap3A_72, %swap3A_73], %convert_element_type3A_71 {strides = array<i32>} : memref<1664x1664xbf16, #tpu.memory_space<vmem>>, vector<208x1664xbf16>,
    %get3A_75 = arith.constant 0 : index
    %get3A_76 = arith.constant 208 : index
    %get3A_77 = arith.constant 0 : index
    %get3A_78 = vector.load %arg2[%get3A_75, %get3A_76, %get3A_77] : memref<1x1664x1xf32, #tpu.memory_space<vmem>>, vector<1x208x1xf32>
    %get3A_79 = vector.shape_cast %get3A_78 : vector<1x208x1xf32> to vector<208x1xf32>
    %get3A_80 = arith.constant 0 : index
    %get3A_81 = arith.constant 208 : index
    %get3A_82 = arith.constant 0 : index
    %get3A_83 = vector.load %arg4[%get3A_80, %get3A_81, %get3A_82] : memref<1x1664x1xf32, #tpu.memory_space<vmem>>, vector<1x208x1xf32>
    %get3A_84 = vector.shape_cast %get3A_83 : vector<1x208x1xf32> to vector<208x1xf32>
    %sub3A_85 = vector.broadcast %get3A_84 : vector<208x1xf32> to vector<208x1664xf32>
    %sub3A_86 = vector.broadcast %get3A_8 : vector<1x1664xf32> to vector<208x1664xf32>
    %sub3A_87 = arith.subf %sub3A_85, %sub3A_86 : vector<208x1664xf32>
    %abs3A_88 = math.absf %sub3A_87 : vector<208x1664xf32>
    %get3A_89 = arith.constant 0 : index
    %get3A_90 = arith.constant 208 : index
    %get3A_91 = arith.constant 0 : index
    %get3A_92 = vector.load %arg6[%get3A_89, %get3A_90, %get3A_91] : memref<1x1664x1xf32, #tpu.memory_space<vmem>>, vector<1x208x1xf32>
    %get3A_93 = vector.shape_cast %get3A_92 : vector<1x208x1xf32> to vector<208x1xf32>
    %sub3A_94 = vector.broadcast %get3A_93 : vector<208x1xf32> to vector<208x1664xf32>
    %sub3A_95 = vector.broadcast %get3A_13 : vector<1x1664xf32> to vector<208x1664xf32>
    %sub3A_96 = arith.subf %sub3A_94, %sub3A_95 : vector<208x1664xf32>
    %abs3A_97 = math.absf %sub3A_96 : vector<208x1664xf32>
    %sub3A_98 = arith.constant 4.000000e+00 : f32
    %sub3A_99 = vector.broadcast %sub3A_98 : f32 to vector<208x1664xf32>
    %sub3A_100 = arith.subf %sub3A_99, %abs3A_88 : vector<208x1664xf32>
    %max3A_101 = arith.constant 0.000000e+00 : f32
    %max3A_102 = vector.broadcast %max3A_101 : f32 to vector<208x1664xf32>
    %max3A_103 = arith.maximumf %sub3A_100, %max3A_102 : vector<208x1664xf32>
    %sub3A_104 = arith.constant 4.000000e+00 : f32
    %sub3A_105 = vector.broadcast %sub3A_104 : f32 to vector<208x1664xf32>
    %sub3A_106 = arith.subf %sub3A_105, %abs3A_97 : vector<208x1664xf32>
    %max3A_107 = arith.constant 0.000000e+00 : f32
    %max3A_108 = vector.broadcast %max3A_107 : f32 to vector<208x1664xf32>
    %max3A_109 = arith.maximumf %sub3A_106, %max3A_108 : vector<208x1664xf32>
    %mul3A_110 = arith.mulf %max3A_103, %max3A_109 : vector<208x1664xf32>
    %ge3A_111 = arith.constant 3.000000e+00 : f32
    %ge3A_112 = vector.broadcast %ge3A_111 : f32 to vector<208x1664xf32>
    %ge3A_113 = arith.cmpf oge, %mul3A_110, %ge3A_112 : vector<208x1664xf32>
    %gt3A_114 = vector.broadcast %get3A_79 : vector<208x1xf32> to vector<208x1664xf32>
    %gt3A_115 = vector.broadcast %get3A_3 : vector<1x1664xf32> to vector<208x1664xf32>
    %gt3A_116 = arith.cmpf ogt, %gt3A_114, %gt3A_115 : vector<208x1664xf32>
    %eq3A_117 = vector.broadcast %get3A_79 : vector<208x1xf32> to vector<208x1664xf32>
    %eq3A_118 = vector.broadcast %get3A_3 : vector<1x1664xf32> to vector<208x1664xf32>
    %eq3A_119 = arith.cmpf oeq, %eq3A_117, %eq3A_118 : vector<208x1664xf32>
    %get3A_120 = arith.constant 0 : index
    %get3A_121 = arith.constant 208 : index
    %get3A_122 = arith.constant 0 : index
    %get3A_123 = vector.load %arg8[%get3A_120, %get3A_121, %get3A_122] : memref<1x1664x1xi32, #tpu.memory_space<vmem>>, vector<1x208x1xi32>
    %get3A_124 = vector.shape_cast %get3A_123 : vector<1x208x1xi32> to vector<208x1xi32>
    %lt3A_125 = vector.broadcast %get3A_124 : vector<208x1xi32> to vector<208x1664xi32>
    %lt3A_126 = vector.broadcast %get3A_18 : vector<1x1664xi32> to vector<208x1664xi32>
    %lt3A_127 = arith.cmpi slt, %lt3A_125, %lt3A_126 : vector<208x1664xi32>
    %and3A_128 = arith.andi %eq3A_119, %lt3A_127 : vector<208x1664xi1>
    %or3A_129 = arith.ori %gt3A_116, %and3A_128 : vector<208x1664xi1>
    %convert_element_type3A_130 = arith.extui %or3A_129 : vector<208x1664xi1> to vector<208x1664xi32>
    %convert_element_type3A_131 = arith.sitofp %convert_element_type3A_130 : vector<208x1664xi32> to vector<208x1664xf32>
    %convert_element_type3A_132 = arith.truncf %convert_element_type3A_131 : vector<208x1664xf32> to vector<208x1664xbf16>
    %swap3A_133 = arith.constant 208 : index
    %swap3A_134 = arith.constant 0 : index
    %swap3A_135 = vector.load %arg11[%swap3A_133, %swap3A_134] : memref<1664x1664xbf16, #tpu.memory_space<vmem>>, vector<208x1664xbf16>
    tpu.vector_store %arg11[%swap3A_133, %swap3A_134], %convert_element_type3A_132 {strides = array<i32>} : memref<1664x1664xbf16, #tpu.memory_space<vmem>>, vector<208x1664xbf16>,
    %and3A_136 = arith.andi %ge3A_113, %or3A_129 : vector<208x1664xi1>
    %convert_element_type3A_137 = arith.extui %and3A_136 : vector<208x1664xi1> to vector<208x1664xi32>
    %convert_element_type3A_138 = arith.sitofp %convert_element_type3A_137 : vector<208x1664xi32> to vector<208x1664xf32>
    %convert_element_type3A_139 = arith.truncf %convert_element_type3A_138 : vector<208x1664xf32> to vector<208x1664xbf16>
    %swap3A_140 = arith.constant 208 : index
    %swap3A_141 = arith.constant 0 : index
    %swap3A_142 = vector.load %arg10[%swap3A_140, %swap3A_141] : memref<1664x1664xbf16, #tpu.memory_space<vmem>>, vector<208x1664xbf16>
    tpu.vector_store %arg10[%swap3A_140, %swap3A_141], %convert_element_type3A_139 {strides = array<i32>} : memref<1664x1664xbf16, #tpu.memory_space<vmem>>, vector<208x1664xbf16>,
    %get3A_143 = arith.constant 0 : index
    %get3A_144 = arith.constant 416 : index
    %get3A_145 = arith.constant 0 : index
    %get3A_146 = vector.load %arg2[%get3A_143, %get3A_144, %get3A_145] : memref<1x1664x1xf32, #tpu.memory_space<vmem>>, vector<1x208x1xf32>
    %get3A_147 = vector.shape_cast %get3A_146 : vector<1x208x1xf32> to vector<208x1xf32>
    %get3A_148 = arith.constant 0 : index
    %get3A_149 = arith.constant 416 : index
    %get3A_150 = arith.constant 0 : index
    %get3A_151 = vector.load %arg4[%get3A_148, %get3A_149, %get3A_150] : memref<1x1664x1xf32, #tpu.memory_space<vmem>>, vector<1x208x1xf32>
    %get3A_152 = vector.shape_cast %get3A_151 : vector<1x208x1xf32> to vector<208x1xf32>
    %sub3A_153 = vector.broadcast %get3A_152 : vector<208x1xf32> to vector<208x1664xf32>
    %sub3A_154 = vector.broadcast %get3A_8 : vector<1x1664xf32> to vector<208x1664xf32>
    %sub3A_155 = arith.subf %sub3A_153, %sub3A_154 : vector<208x1664xf32>
    %abs3A_156 = math.absf %sub3A_155 : vector<208x1664xf32>
    %get3A_157 = arith.constant 0 : index
    %get3A_158 = arith.constant 416 : index
    %get3A_159 = arith.constant 0 : index
    %get3A_160 = vector.load %arg6[%get3A_157, %get3A_158, %get3A_159] : memref<1x1664x1xf32, #tpu.memory_space<vmem>>, vector<1x208x1xf32>
    %get3A_161 = vector.shape_cast %get3A_160 : vector<1x208x1xf32> to vector<208x1xf32>
    %sub3A_162 = vector.broadcast %get3A_161 : vector<208x1xf32> to vector<208x1664xf32>
    %sub3A_163 = vector.broadcast %get3A_13 : vector<1x1664xf32> to vector<208x1664xf32>
    %sub3A_164 = arith.subf %sub3A_162, %sub3A_163 : vector<208x1664xf32>
    %abs3A_165 = math.absf %sub3A_164 : vector<208x1664xf32>
    %sub3A_166 = arith.constant 4.000000e+00 : f32
    %sub3A_167 = vector.broadcast %sub3A_166 : f32 to vector<208x1664xf32>
    %sub3A_168 = arith.subf %sub3A_167, %abs3A_156 : vector<208x1664xf32>
    %max3A_169 = arith.constant 0.000000e+00 : f32
    %max3A_170 = vector.broadcast %max3A_169 : f32 to vector<208x1664xf32>
    %max3A_171 = arith.maximumf %sub3A_168, %max3A_170 : vector<208x1664xf32>
    %sub3A_172 = arith.constant 4.000000e+00 : f32
    %sub3A_173 = vector.broadcast %sub3A_172 : f32 to vector<208x1664xf32>
    %sub3A_174 = arith.subf %sub3A_173, %abs3A_165 : vector<208x1664xf32>
    %max3A_175 = arith.constant 0.000000e+00 : f32
    %max3A_176 = vector.broadcast %max3A_175 : f32 to vector<208x1664xf32>
    %max3A_177 = arith.maximumf %sub3A_174, %max3A_176 : vector<208x1664xf32>
    %mul3A_178 = arith.mulf %max3A_171, %max3A_177 : vector<208x1664xf32>
    %ge3A_179 = arith.constant 3.000000e+00 : f32
    %ge3A_180 = vector.broadcast %ge3A_179 : f32 to vector<208x1664xf32>
    %ge3A_181 = arith.cmpf oge, %mul3A_178, %ge3A_180 : vector<208x1664xf32>
    %gt3A_182 = vector.broadcast %get3A_147 : vector<208x1xf32> to vector<208x1664xf32>
    %gt3A_183 = vector.broadcast %get3A_3 : vector<1x1664xf32> to vector<208x1664xf32>
    %gt3A_184 = arith.cmpf ogt, %gt3A_182, %gt3A_183 : vector<208x1664xf32>
    %eq3A_185 = vector.broadcast %get3A_147 : vector<208x1xf32> to vector<208x1664xf32>
    %eq3A_186 = vector.broadcast %get3A_3 : vector<1x1664xf32> to vector<208x1664xf32>
    %eq3A_187 = arith.cmpf oeq, %eq3A_185, %eq3A_186 : vector<208x1664xf32>
    %get3A_188 = arith.constant 0 : index
    %get3A_189 = arith.constant 416 : index
    %get3A_190 = arith.constant 0 : index
    %get3A_191 = vector.load %arg8[%get3A_188, %get3A_189, %get3A_190] : memref<1x1664x1xi32, #tpu.memory_space<vmem>>, vector<1x208x1xi32>
    %get3A_192 = vector.shape_cast %get3A_191 : vector<1x208x1xi32> to vector<208x1xi32>
    %lt3A_193 = vector.broadcast %get3A_192 : vector<208x1xi32> to vector<208x1664xi32>
    %lt3A_194 = vector.broadcast %get3A_18 : vector<1x1664xi32> to vector<208x1664xi32>
    %lt3A_195 = arith.cmpi slt, %lt3A_193, %lt3A_194 : vector<208x1664xi32>
    %and3A_196 = arith.andi %eq3A_187, %lt3A_195 : vector<208x1664xi1>
    %or3A_197 = arith.ori %gt3A_184, %and3A_196 : vector<208x1664xi1>
    %convert_element_type3A_198 = arith.extui %or3A_197 : vector<208x1664xi1> to vector<208x1664xi32>
    %convert_element_type3A_199 = arith.sitofp %convert_element_type3A_198 : vector<208x1664xi32> to vector<208x1664xf32>
    %convert_element_type3A_200 = arith.truncf %convert_element_type3A_199 : vector<208x1664xf32> to vector<208x1664xbf16>
    %swap3A_201 = arith.constant 416 : index
    %swap3A_202 = arith.constant 0 : index
    %swap3A_203 = vector.load %arg11[%swap3A_201, %swap3A_202] : memref<1664x1664xbf16, #tpu.memory_space<vmem>>, vector<208x1664xbf16>
    tpu.vector_store %arg11[%swap3A_201, %swap3A_202], %convert_element_type3A_200 {strides = array<i32>} : memref<1664x1664xbf16, #tpu.memory_space<vmem>>, vector<208x1664xbf16>,
    %and3A_204 = arith.andi %ge3A_181, %or3A_197 : vector<208x1664xi1>
    %convert_element_type3A_205 = arith.extui %and3A_204 : vector<208x1664xi1> to vector<208x1664xi32>
    %convert_element_type3A_206 = arith.sitofp %convert_element_type3A_205 : vector<208x1664xi32> to vector<208x1664xf32>
    %convert_element_type3A_207 = arith.truncf %convert_element_type3A_206 : vector<208x1664xf32> to vector<208x1664xbf16>
    %swap3A_208 = arith.constant 416 : index
    %swap3A_209 = arith.constant 0 : index
    %swap3A_210 = vector.load %arg10[%swap3A_208, %swap3A_209] : memref<1664x1664xbf16, #tpu.memory_space<vmem>>, vector<208x1664xbf16>
    tpu.vector_store %arg10[%swap3A_208, %swap3A_209], %convert_element_type3A_207 {strides = array<i32>} : memref<1664x1664xbf16, #tpu.memory_space<vmem>>, vector<208x1664xbf16>,
    %get3A_211 = arith.constant 0 : index
    %get3A_212 = arith.constant 624 : index
    %get3A_213 = arith.constant 0 : index
    %get3A_214 = vector.load %arg2[%get3A_211, %get3A_212, %get3A_213] : memref<1x1664x1xf32, #tpu.memory_space<vmem>>, vector<1x208x1xf32>
    %get3A_215 = vector.shape_cast %get3A_214 : vector<1x208x1xf32> to vector<208x1xf32>
    %get3A_216 = arith.constant 0 : index
    %get3A_217 = arith.constant 624 : index
    %get3A_218 = arith.constant 0 : index
    %get3A_219 = vector.load %arg4[%get3A_216, %get3A_217, %get3A_218] : memref<1x1664x1xf32, #tpu.memory_space<vmem>>, vector<1x208x1xf32>
    %get3A_220 = vector.shape_cast %get3A_219 : vector<1x208x1xf32> to vector<208x1xf32>
    %sub3A_221 = vector.broadcast %get3A_220 : vector<208x1xf32> to vector<208x1664xf32>
    %sub3A_222 = vector.broadcast %get3A_8 : vector<1x1664xf32> to vector<208x1664xf32>
    %sub3A_223 = arith.subf %sub3A_221, %sub3A_222 : vector<208x1664xf32>
    %abs3A_224 = math.absf %sub3A_223 : vector<208x1664xf32>
    %get3A_225 = arith.constant 0 : index
    %get3A_226 = arith.constant 624 : index
    %get3A_227 = arith.constant 0 : index
    %get3A_228 = vector.load %arg6[%get3A_225, %get3A_226, %get3A_227] : memref<1x1664x1xf32, #tpu.memory_space<vmem>>, vector<1x208x1xf32>
    %get3A_229 = vector.shape_cast %get3A_228 : vector<1x208x1xf32> to vector<208x1xf32>
    %sub3A_230 = vector.broadcast %get3A_229 : vector<208x1xf32> to vector<208x1664xf32>
    %sub3A_231 = vector.broadcast %get3A_13 : vector<1x1664xf32> to vector<208x1664xf32>
    %sub3A_232 = arith.subf %sub3A_230, %sub3A_231 : vector<208x1664xf32>
    %abs3A_233 = math.absf %sub3A_232 : vector<208x1664xf32>
    %sub3A_234 = arith.constant 4.000000e+00 : f32
    %sub3A_235 = vector.broadcast %sub3A_234 : f32 to vector<208x1664xf32>
    %sub3A_236 = arith.subf %sub3A_235, %abs3A_224 : vector<208x1664xf32>
    %max3A_237 = arith.constant 0.000000e+00 : f32
    %max3A_238 = vector.broadcast %max3A_237 : f32 to vector<208x1664xf32>
    %max3A_239 = arith.maximumf %sub3A_236, %max3A_238 : vector<208x1664xf32>
    %sub3A_240 = arith.constant 4.000000e+00 : f32
    %sub3A_241 = vector.broadcast %sub3A_240 : f32 to vector<208x1664xf32>
    %sub3A_242 = arith.subf %sub3A_241, %abs3A_233 : vector<208x1664xf32>
    %max3A_243 = arith.constant 0.000000e+00 : f32
    %max3A_244 = vector.broadcast %max3A_243 : f32 to vector<208x1664xf32>
    %max3A_245 = arith.maximumf %sub3A_242, %max3A_244 : vector<208x1664xf32>
    %mul3A_246 = arith.mulf %max3A_239, %max3A_245 : vector<208x1664xf32>
    %ge3A_247 = arith.constant 3.000000e+00 : f32
    %ge3A_248 = vector.broadcast %ge3A_247 : f32 to vector<208x1664xf32>
    %ge3A_249 = arith.cmpf oge, %mul3A_246, %ge3A_248 : vector<208x1664xf32>
    %gt3A_250 = vector.broadcast %get3A_215 : vector<208x1xf32> to vector<208x1664xf32>
    %gt3A_251 = vector.broadcast %get3A_3 : vector<1x1664xf32> to vector<208x1664xf32>
    %gt3A_252 = arith.cmpf ogt, %gt3A_250, %gt3A_251 : vector<208x1664xf32>
    %eq3A_253 = vector.broadcast %get3A_215 : vector<208x1xf32> to vector<208x1664xf32>
    %eq3A_254 = vector.broadcast %get3A_3 : vector<1x1664xf32> to vector<208x1664xf32>
    %eq3A_255 = arith.cmpf oeq, %eq3A_253, %eq3A_254 : vector<208x1664xf32>
    %get3A_256 = arith.constant 0 : index
    %get3A_257 = arith.constant 624 : index
    %get3A_258 = arith.constant 0 : index
    %get3A_259 = vector.load %arg8[%get3A_256, %get3A_257, %get3A_258] : memref<1x1664x1xi32, #tpu.memory_space<vmem>>, vector<1x208x1xi32>
    %get3A_260 = vector.shape_cast %get3A_259 : vector<1x208x1xi32> to vector<208x1xi32>
    %lt3A_261 = vector.broadcast %get3A_260 : vector<208x1xi32> to vector<208x1664xi32>
    %lt3A_262 = vector.broadcast %get3A_18 : vector<1x1664xi32> to vector<208x1664xi32>
    %lt3A_263 = arith.cmpi slt, %lt3A_261, %lt3A_262 : vector<208x1664xi32>
    %and3A_264 = arith.andi %eq3A_255, %lt3A_263 : vector<208x1664xi1>
    %or3A_265 = arith.ori %gt3A_252, %and3A_264 : vector<208x1664xi1>
    %convert_element_type3A_266 = arith.extui %or3A_265 : vector<208x1664xi1> to vector<208x1664xi32>
    %convert_element_type3A_267 = arith.sitofp %convert_element_type3A_266 : vector<208x1664xi32> to vector<208x1664xf32>
    %convert_element_type3A_268 = arith.truncf %convert_element_type3A_267 : vector<208x1664xf32> to vector<208x1664xbf16>
    %swap3A_269 = arith.constant 624 : index
    %swap3A_270 = arith.constant 0 : index
    %swap3A_271 = vector.load %arg11[%swap3A_269, %swap3A_270] : memref<1664x1664xbf16, #tpu.memory_space<vmem>>, vector<208x1664xbf16>
    tpu.vector_store %arg11[%swap3A_269, %swap3A_270], %convert_element_type3A_268 {strides = array<i32>} : memref<1664x1664xbf16, #tpu.memory_space<vmem>>, vector<208x1664xbf16>,
    %and3A_272 = arith.andi %ge3A_249, %or3A_265 : vector<208x1664xi1>
    %convert_element_type3A_273 = arith.extui %and3A_272 : vector<208x1664xi1> to vector<208x1664xi32>
    %convert_element_type3A_274 = arith.sitofp %convert_element_type3A_273 : vector<208x1664xi32> to vector<208x1664xf32>
    %convert_element_type3A_275 = arith.truncf %convert_element_type3A_274 : vector<208x1664xf32> to vector<208x1664xbf16>
    %swap3A_276 = arith.constant 624 : index
    %swap3A_277 = arith.constant 0 : index
    %swap3A_278 = vector.load %arg10[%swap3A_276, %swap3A_277] : memref<1664x1664xbf16, #tpu.memory_space<vmem>>, vector<208x1664xbf16>
    tpu.vector_store %arg10[%swap3A_276, %swap3A_277], %convert_element_type3A_275 {strides = array<i32>} : memref<1664x1664xbf16, #tpu.memory_space<vmem>>, vector<208x1664xbf16>,
    %get3A_279 = arith.constant 0 : index
    %get3A_280 = arith.constant 832 : index
    %get3A_281 = arith.constant 0 : index
    %get3A_282 = vector.load %arg2[%get3A_279, %get3A_280, %get3A_281] : memref<1x1664x1xf32, #tpu.memory_space<vmem>>, vector<1x208x1xf32>
    %get3A_283 = vector.shape_cast %get3A_282 : vector<1x208x1xf32> to vector<208x1xf32>
    %get3A_284 = arith.constant 0 : index
    %get3A_285 = arith.constant 832 : index
    %get3A_286 = arith.constant 0 : index
    %get3A_287 = vector.load %arg4[%get3A_284, %get3A_285, %get3A_286] : memref<1x1664x1xf32, #tpu.memory_space<vmem>>, vector<1x208x1xf32>
    %get3A_288 = vector.shape_cast %get3A_287 : vector<1x208x1xf32> to vector<208x1xf32>
    %sub3A_289 = vector.broadcast %get3A_288 : vector<208x1xf32> to vector<208x1664xf32>
    %sub3A_290 = vector.broadcast %get3A_8 : vector<1x1664xf32> to vector<208x1664xf32>
    %sub3A_291 = arith.subf %sub3A_289, %sub3A_290 : vector<208x1664xf32>
    %abs3A_292 = math.absf %sub3A_291 : vector<208x1664xf32>
    %get3A_293 = arith.constant 0 : index
    %get3A_294 = arith.constant 832 : index
    %get3A_295 = arith.constant 0 : index
    %get3A_296 = vector.load %arg6[%get3A_293, %get3A_294, %get3A_295] : memref<1x1664x1xf32, #tpu.memory_space<vmem>>, vector<1x208x1xf32>
    %get3A_297 = vector.shape_cast %get3A_296 : vector<1x208x1xf32> to vector<208x1xf32>
    %sub3A_298 = vector.broadcast %get3A_297 : vector<208x1xf32> to vector<208x1664xf32>
    %sub3A_299 = vector.broadcast %get3A_13 : vector<1x1664xf32> to vector<208x1664xf32>
    %sub3A_300 = arith.subf %sub3A_298, %sub3A_299 : vector<208x1664xf32>
    %abs3A_301 = math.absf %sub3A_300 : vector<208x1664xf32>
    %sub3A_302 = arith.constant 4.000000e+00 : f32
    %sub3A_303 = vector.broadcast %sub3A_302 : f32 to vector<208x1664xf32>
    %sub3A_304 = arith.subf %sub3A_303, %abs3A_292 : vector<208x1664xf32>
    %max3A_305 = arith.constant 0.000000e+00 : f32
    %max3A_306 = vector.broadcast %max3A_305 : f32 to vector<208x1664xf32>
    %max3A_307 = arith.maximumf %sub3A_304, %max3A_306 : vector<208x1664xf32>
    %sub3A_308 = arith.constant 4.000000e+00 : f32
    %sub3A_309 = vector.broadcast %sub3A_308 : f32 to vector<208x1664xf32>
    %sub3A_310 = arith.subf %sub3A_309, %abs3A_301 : vector<208x1664xf32>
    %max3A_311 = arith.constant 0.000000e+00 : f32
    %max3A_312 = vector.broadcast %max3A_311 : f32 to vector<208x1664xf32>
    %max3A_313 = arith.maximumf %sub3A_310, %max3A_312 : vector<208x1664xf32>
    %mul3A_314 = arith.mulf %max3A_307, %max3A_313 : vector<208x1664xf32>
    %ge3A_315 = arith.constant 3.000000e+00 : f32
    %ge3A_316 = vector.broadcast %ge3A_315 : f32 to vector<208x1664xf32>
    %ge3A_317 = arith.cmpf oge, %mul3A_314, %ge3A_316 : vector<208x1664xf32>
    %gt3A_318 = vector.broadcast %get3A_283 : vector<208x1xf32> to vector<208x1664xf32>
    %gt3A_319 = vector.broadcast %get3A_3 : vector<1x1664xf32> to vector<208x1664xf32>
    %gt3A_320 = arith.cmpf ogt, %gt3A_318, %gt3A_319 : vector<208x1664xf32>
    %eq3A_321 = vector.broadcast %get3A_283 : vector<208x1xf32> to vector<208x1664xf32>
    %eq3A_322 = vector.broadcast %get3A_3 : vector<1x1664xf32> to vector<208x1664xf32>
    %eq3A_323 = arith.cmpf oeq, %eq3A_321, %eq3A_322 : vector<208x1664xf32>
    %get3A_324 = arith.constant 0 : index
    %get3A_325 = arith.constant 832 : index
    %get3A_326 = arith.constant 0 : index
    %get3A_327 = vector.load %arg8[%get3A_324, %get3A_325, %get3A_326] : memref<1x1664x1xi32, #tpu.memory_space<vmem>>, vector<1x208x1xi32>
    %get3A_328 = vector.shape_cast %get3A_327 : vector<1x208x1xi32> to vector<208x1xi32>
    %lt3A_329 = vector.broadcast %get3A_328 : vector<208x1xi32> to vector<208x1664xi32>
    %lt3A_330 = vector.broadcast %get3A_18 : vector<1x1664xi32> to vector<208x1664xi32>
    %lt3A_331 = arith.cmpi slt, %lt3A_329, %lt3A_330 : vector<208x1664xi32>
    %and3A_332 = arith.andi %eq3A_323, %lt3A_331 : vector<208x1664xi1>
    %or3A_333 = arith.ori %gt3A_320, %and3A_332 : vector<208x1664xi1>
    %convert_element_type3A_334 = arith.extui %or3A_333 : vector<208x1664xi1> to vector<208x1664xi32>
    %convert_element_type3A_335 = arith.sitofp %convert_element_type3A_334 : vector<208x1664xi32> to vector<208x1664xf32>
    %convert_element_type3A_336 = arith.truncf %convert_element_type3A_335 : vector<208x1664xf32> to vector<208x1664xbf16>
    %swap3A_337 = arith.constant 832 : index
    %swap3A_338 = arith.constant 0 : index
    %swap3A_339 = vector.load %arg11[%swap3A_337, %swap3A_338] : memref<1664x1664xbf16, #tpu.memory_space<vmem>>, vector<208x1664xbf16>
    tpu.vector_store %arg11[%swap3A_337, %swap3A_338], %convert_element_type3A_336 {strides = array<i32>} : memref<1664x1664xbf16, #tpu.memory_space<vmem>>, vector<208x1664xbf16>,
    %and3A_340 = arith.andi %ge3A_317, %or3A_333 : vector<208x1664xi1>
    %convert_element_type3A_341 = arith.extui %and3A_340 : vector<208x1664xi1> to vector<208x1664xi32>
    %convert_element_type3A_342 = arith.sitofp %convert_element_type3A_341 : vector<208x1664xi32> to vector<208x1664xf32>
    %convert_element_type3A_343 = arith.truncf %convert_element_type3A_342 : vector<208x1664xf32> to vector<208x1664xbf16>
    %swap3A_344 = arith.constant 832 : index
    %swap3A_345 = arith.constant 0 : index
    %swap3A_346 = vector.load %arg10[%swap3A_344, %swap3A_345] : memref<1664x1664xbf16, #tpu.memory_space<vmem>>, vector<208x1664xbf16>
    tpu.vector_store %arg10[%swap3A_344, %swap3A_345], %convert_element_type3A_343 {strides = array<i32>} : memref<1664x1664xbf16, #tpu.memory_space<vmem>>, vector<208x1664xbf16>,
    %get3A_347 = arith.constant 0 : index
    %get3A_348 = arith.constant 1040 : index
    %get3A_349 = arith.constant 0 : index
    %get3A_350 = vector.load %arg2[%get3A_347, %get3A_348, %get3A_349] : memref<1x1664x1xf32, #tpu.memory_space<vmem>>, vector<1x208x1xf32>
    %get3A_351 = vector.shape_cast %get3A_350 : vector<1x208x1xf32> to vector<208x1xf32>
    %get3A_352 = arith.constant 0 : index
    %get3A_353 = arith.constant 1040 : index
    %get3A_354 = arith.constant 0 : index
    %get3A_355 = vector.load %arg4[%get3A_352, %get3A_353, %get3A_354] : memref<1x1664x1xf32, #tpu.memory_space<vmem>>, vector<1x208x1xf32>
    %get3A_356 = vector.shape_cast %get3A_355 : vector<1x208x1xf32> to vector<208x1xf32>
    %sub3A_357 = vector.broadcast %get3A_356 : vector<208x1xf32> to vector<208x1664xf32>
    %sub3A_358 = vector.broadcast %get3A_8 : vector<1x1664xf32> to vector<208x1664xf32>
    %sub3A_359 = arith.subf %sub3A_357, %sub3A_358 : vector<208x1664xf32>
    %abs3A_360 = math.absf %sub3A_359 : vector<208x1664xf32>
    %get3A_361 = arith.constant 0 : index
    %get3A_362 = arith.constant 1040 : index
    %get3A_363 = arith.constant 0 : index
    %get3A_364 = vector.load %arg6[%get3A_361, %get3A_362, %get3A_363] : memref<1x1664x1xf32, #tpu.memory_space<vmem>>, vector<1x208x1xf32>
    %get3A_365 = vector.shape_cast %get3A_364 : vector<1x208x1xf32> to vector<208x1xf32>
    %sub3A_366 = vector.broadcast %get3A_365 : vector<208x1xf32> to vector<208x1664xf32>
    %sub3A_367 = vector.broadcast %get3A_13 : vector<1x1664xf32> to vector<208x1664xf32>
    %sub3A_368 = arith.subf %sub3A_366, %sub3A_367 : vector<208x1664xf32>
    %abs3A_369 = math.absf %sub3A_368 : vector<208x1664xf32>
    %sub3A_370 = arith.constant 4.000000e+00 : f32
    %sub3A_371 = vector.broadcast %sub3A_370 : f32 to vector<208x1664xf32>
    %sub3A_372 = arith.subf %sub3A_371, %abs3A_360 : vector<208x1664xf32>
    %max3A_373 = arith.constant 0.000000e+00 : f32
    %max3A_374 = vector.broadcast %max3A_373 : f32 to vector<208x1664xf32>
    %max3A_375 = arith.maximumf %sub3A_372, %max3A_374 : vector<208x1664xf32>
    %sub3A_376 = arith.constant 4.000000e+00 : f32
    %sub3A_377 = vector.broadcast %sub3A_376 : f32 to vector<208x1664xf32>
    %sub3A_378 = arith.subf %sub3A_377, %abs3A_369 : vector<208x1664xf32>
    %max3A_379 = arith.constant 0.000000e+00 : f32
    %max3A_380 = vector.broadcast %max3A_379 : f32 to vector<208x1664xf32>
    %max3A_381 = arith.maximumf %sub3A_378, %max3A_380 : vector<208x1664xf32>
    %mul3A_382 = arith.mulf %max3A_375, %max3A_381 : vector<208x1664xf32>
    %ge3A_383 = arith.constant 3.000000e+00 : f32
    %ge3A_384 = vector.broadcast %ge3A_383 : f32 to vector<208x1664xf32>
    %ge3A_385 = arith.cmpf oge, %mul3A_382, %ge3A_384 : vector<208x1664xf32>
    %gt3A_386 = vector.broadcast %get3A_351 : vector<208x1xf32> to vector<208x1664xf32>
    %gt3A_387 = vector.broadcast %get3A_3 : vector<1x1664xf32> to vector<208x1664xf32>
    %gt3A_388 = arith.cmpf ogt, %gt3A_386, %gt3A_387 : vector<208x1664xf32>
    %eq3A_389 = vector.broadcast %get3A_351 : vector<208x1xf32> to vector<208x1664xf32>
    %eq3A_390 = vector.broadcast %get3A_3 : vector<1x1664xf32> to vector<208x1664xf32>
    %eq3A_391 = arith.cmpf oeq, %eq3A_389, %eq3A_390 : vector<208x1664xf32>
    %get3A_392 = arith.constant 0 : index
    %get3A_393 = arith.constant 1040 : index
    %get3A_394 = arith.constant 0 : index
    %get3A_395 = vector.load %arg8[%get3A_392, %get3A_393, %get3A_394] : memref<1x1664x1xi32, #tpu.memory_space<vmem>>, vector<1x208x1xi32>
    %get3A_396 = vector.shape_cast %get3A_395 : vector<1x208x1xi32> to vector<208x1xi32>
    %lt3A_397 = vector.broadcast %get3A_396 : vector<208x1xi32> to vector<208x1664xi32>
    %lt3A_398 = vector.broadcast %get3A_18 : vector<1x1664xi32> to vector<208x1664xi32>
    %lt3A_399 = arith.cmpi slt, %lt3A_397, %lt3A_398 : vector<208x1664xi32>
    %and3A_400 = arith.andi %eq3A_391, %lt3A_399 : vector<208x1664xi1>
    %or3A_401 = arith.ori %gt3A_388, %and3A_400 : vector<208x1664xi1>
    %convert_element_type3A_402 = arith.extui %or3A_401 : vector<208x1664xi1> to vector<208x1664xi32>
    %convert_element_type3A_403 = arith.sitofp %convert_element_type3A_402 : vector<208x1664xi32> to vector<208x1664xf32>
    %convert_element_type3A_404 = arith.truncf %convert_element_type3A_403 : vector<208x1664xf32> to vector<208x1664xbf16>
    %swap3A_405 = arith.constant 1040 : index
    %swap3A_406 = arith.constant 0 : index
    %swap3A_407 = vector.load %arg11[%swap3A_405, %swap3A_406] : memref<1664x1664xbf16, #tpu.memory_space<vmem>>, vector<208x1664xbf16>
    tpu.vector_store %arg11[%swap3A_405, %swap3A_406], %convert_element_type3A_404 {strides = array<i32>} : memref<1664x1664xbf16, #tpu.memory_space<vmem>>, vector<208x1664xbf16>,
    %and3A_408 = arith.andi %ge3A_385, %or3A_401 : vector<208x1664xi1>
    %convert_element_type3A_409 = arith.extui %and3A_408 : vector<208x1664xi1> to vector<208x1664xi32>
    %convert_element_type3A_410 = arith.sitofp %convert_element_type3A_409 : vector<208x1664xi32> to vector<208x1664xf32>
    %convert_element_type3A_411 = arith.truncf %convert_element_type3A_410 : vector<208x1664xf32> to vector<208x1664xbf16>
    %swap3A_412 = arith.constant 1040 : index
    %swap3A_413 = arith.constant 0 : index
    %swap3A_414 = vector.load %arg10[%swap3A_412, %swap3A_413] : memref<1664x1664xbf16, #tpu.memory_space<vmem>>, vector<208x1664xbf16>
    tpu.vector_store %arg10[%swap3A_412, %swap3A_413], %convert_element_type3A_411 {strides = array<i32>} : memref<1664x1664xbf16, #tpu.memory_space<vmem>>, vector<208x1664xbf16>,
    %get3A_415 = arith.constant 0 : index
    %get3A_416 = arith.constant 1248 : index
    %get3A_417 = arith.constant 0 : index
    %get3A_418 = vector.load %arg2[%get3A_415, %get3A_416, %get3A_417] : memref<1x1664x1xf32, #tpu.memory_space<vmem>>, vector<1x208x1xf32>
    %get3A_419 = vector.shape_cast %get3A_418 : vector<1x208x1xf32> to vector<208x1xf32>
    %get3A_420 = arith.constant 0 : index
    %get3A_421 = arith.constant 1248 : index
    %get3A_422 = arith.constant 0 : index
    %get3A_423 = vector.load %arg4[%get3A_420, %get3A_421, %get3A_422] : memref<1x1664x1xf32, #tpu.memory_space<vmem>>, vector<1x208x1xf32>
    %get3A_424 = vector.shape_cast %get3A_423 : vector<1x208x1xf32> to vector<208x1xf32>
    %sub3A_425 = vector.broadcast %get3A_424 : vector<208x1xf32> to vector<208x1664xf32>
    %sub3A_426 = vector.broadcast %get3A_8 : vector<1x1664xf32> to vector<208x1664xf32>
    %sub3A_427 = arith.subf %sub3A_425, %sub3A_426 : vector<208x1664xf32>
    %abs3A_428 = math.absf %sub3A_427 : vector<208x1664xf32>
    %get3A_429 = arith.constant 0 : index
    %get3A_430 = arith.constant 1248 : index
    %get3A_431 = arith.constant 0 : index
    %get3A_432 = vector.load %arg6[%get3A_429, %get3A_430, %get3A_431] : memref<1x1664x1xf32, #tpu.memory_space<vmem>>, vector<1x208x1xf32>
    %get3A_433 = vector.shape_cast %get3A_432 : vector<1x208x1xf32> to vector<208x1xf32>
    %sub3A_434 = vector.broadcast %get3A_433 : vector<208x1xf32> to vector<208x1664xf32>
    %sub3A_435 = vector.broadcast %get3A_13 : vector<1x1664xf32> to vector<208x1664xf32>
    %sub3A_436 = arith.subf %sub3A_434, %sub3A_435 : vector<208x1664xf32>
    %abs3A_437 = math.absf %sub3A_436 : vector<208x1664xf32>
    %sub3A_438 = arith.constant 4.000000e+00 : f32
    %sub3A_439 = vector.broadcast %sub3A_438 : f32 to vector<208x1664xf32>
    %sub3A_440 = arith.subf %sub3A_439, %abs3A_428 : vector<208x1664xf32>
    %max3A_441 = arith.constant 0.000000e+00 : f32
    %max3A_442 = vector.broadcast %max3A_441 : f32 to vector<208x1664xf32>
    %max3A_443 = arith.maximumf %sub3A_440, %max3A_442 : vector<208x1664xf32>
    %sub3A_444 = arith.constant 4.000000e+00 : f32
    %sub3A_445 = vector.broadcast %sub3A_444 : f32 to vector<208x1664xf32>
    %sub3A_446 = arith.subf %sub3A_445, %abs3A_437 : vector<208x1664xf32>
    %max3A_447 = arith.constant 0.000000e+00 : f32
    %max3A_448 = vector.broadcast %max3A_447 : f32 to vector<208x1664xf32>
    %max3A_449 = arith.maximumf %sub3A_446, %max3A_448 : vector<208x1664xf32>
    %mul3A_450 = arith.mulf %max3A_443, %max3A_449 : vector<208x1664xf32>
    %ge3A_451 = arith.constant 3.000000e+00 : f32
    %ge3A_452 = vector.broadcast %ge3A_451 : f32 to vector<208x1664xf32>
    %ge3A_453 = arith.cmpf oge, %mul3A_450, %ge3A_452 : vector<208x1664xf32>
    %gt3A_454 = vector.broadcast %get3A_419 : vector<208x1xf32> to vector<208x1664xf32>
    %gt3A_455 = vector.broadcast %get3A_3 : vector<1x1664xf32> to vector<208x1664xf32>
    %gt3A_456 = arith.cmpf ogt, %gt3A_454, %gt3A_455 : vector<208x1664xf32>
    %eq3A_457 = vector.broadcast %get3A_419 : vector<208x1xf32> to vector<208x1664xf32>
    %eq3A_458 = vector.broadcast %get3A_3 : vector<1x1664xf32> to vector<208x1664xf32>
    %eq3A_459 = arith.cmpf oeq, %eq3A_457, %eq3A_458 : vector<208x1664xf32>
    %get3A_460 = arith.constant 0 : index
    %get3A_461 = arith.constant 1248 : index
    %get3A_462 = arith.constant 0 : index
    %get3A_463 = vector.load %arg8[%get3A_460, %get3A_461, %get3A_462] : memref<1x1664x1xi32, #tpu.memory_space<vmem>>, vector<1x208x1xi32>
    %get3A_464 = vector.shape_cast %get3A_463 : vector<1x208x1xi32> to vector<208x1xi32>
    %lt3A_465 = vector.broadcast %get3A_464 : vector<208x1xi32> to vector<208x1664xi32>
    %lt3A_466 = vector.broadcast %get3A_18 : vector<1x1664xi32> to vector<208x1664xi32>
    %lt3A_467 = arith.cmpi slt, %lt3A_465, %lt3A_466 : vector<208x1664xi32>
    %and3A_468 = arith.andi %eq3A_459, %lt3A_467 : vector<208x1664xi1>
    %or3A_469 = arith.ori %gt3A_456, %and3A_468 : vector<208x1664xi1>
    %convert_element_type3A_470 = arith.extui %or3A_469 : vector<208x1664xi1> to vector<208x1664xi32>
    %convert_element_type3A_471 = arith.sitofp %convert_element_type3A_470 : vector<208x1664xi32> to vector<208x1664xf32>
    %convert_element_type3A_472 = arith.truncf %convert_element_type3A_471 : vector<208x1664xf32> to vector<208x1664xbf16>
    %swap3A_473 = arith.constant 1248 : index
    %swap3A_474 = arith.constant 0 : index
    %swap3A_475 = vector.load %arg11[%swap3A_473, %swap3A_474] : memref<1664x1664xbf16, #tpu.memory_space<vmem>>, vector<208x1664xbf16>
    tpu.vector_store %arg11[%swap3A_473, %swap3A_474], %convert_element_type3A_472 {strides = array<i32>} : memref<1664x1664xbf16, #tpu.memory_space<vmem>>, vector<208x1664xbf16>,
    %and3A_476 = arith.andi %ge3A_453, %or3A_469 : vector<208x1664xi1>
    %convert_element_type3A_477 = arith.extui %and3A_476 : vector<208x1664xi1> to vector<208x1664xi32>
    %convert_element_type3A_478 = arith.sitofp %convert_element_type3A_477 : vector<208x1664xi32> to vector<208x1664xf32>
    %convert_element_type3A_479 = arith.truncf %convert_element_type3A_478 : vector<208x1664xf32> to vector<208x1664xbf16>
    %swap3A_480 = arith.constant 1248 : index
    %swap3A_481 = arith.constant 0 : index
    %swap3A_482 = vector.load %arg10[%swap3A_480, %swap3A_481] : memref<1664x1664xbf16, #tpu.memory_space<vmem>>, vector<208x1664xbf16>
    tpu.vector_store %arg10[%swap3A_480, %swap3A_481], %convert_element_type3A_479 {strides = array<i32>} : memref<1664x1664xbf16, #tpu.memory_space<vmem>>, vector<208x1664xbf16>,
    %get3A_483 = arith.constant 0 : index
    %get3A_484 = arith.constant 1456 : index
    %get3A_485 = arith.constant 0 : index
    %get3A_486 = vector.load %arg2[%get3A_483, %get3A_484, %get3A_485] : memref<1x1664x1xf32, #tpu.memory_space<vmem>>, vector<1x208x1xf32>
    %get3A_487 = vector.shape_cast %get3A_486 : vector<1x208x1xf32> to vector<208x1xf32>
    %get3A_488 = arith.constant 0 : index
    %get3A_489 = arith.constant 1456 : index
    %get3A_490 = arith.constant 0 : index
    %get3A_491 = vector.load %arg4[%get3A_488, %get3A_489, %get3A_490] : memref<1x1664x1xf32, #tpu.memory_space<vmem>>, vector<1x208x1xf32>
    %get3A_492 = vector.shape_cast %get3A_491 : vector<1x208x1xf32> to vector<208x1xf32>
    %sub3A_493 = vector.broadcast %get3A_492 : vector<208x1xf32> to vector<208x1664xf32>
    %sub3A_494 = vector.broadcast %get3A_8 : vector<1x1664xf32> to vector<208x1664xf32>
    %sub3A_495 = arith.subf %sub3A_493, %sub3A_494 : vector<208x1664xf32>
    %abs3A_496 = math.absf %sub3A_495 : vector<208x1664xf32>
    %get3A_497 = arith.constant 0 : index
    %get3A_498 = arith.constant 1456 : index
    %get3A_499 = arith.constant 0 : index
    %get3A_500 = vector.load %arg6[%get3A_497, %get3A_498, %get3A_499] : memref<1x1664x1xf32, #tpu.memory_space<vmem>>, vector<1x208x1xf32>
    %get3A_501 = vector.shape_cast %get3A_500 : vector<1x208x1xf32> to vector<208x1xf32>
    %sub3A_502 = vector.broadcast %get3A_501 : vector<208x1xf32> to vector<208x1664xf32>
    %sub3A_503 = vector.broadcast %get3A_13 : vector<1x1664xf32> to vector<208x1664xf32>
    %sub3A_504 = arith.subf %sub3A_502, %sub3A_503 : vector<208x1664xf32>
    %abs3A_505 = math.absf %sub3A_504 : vector<208x1664xf32>
    %sub3A_506 = arith.constant 4.000000e+00 : f32
    %sub3A_507 = vector.broadcast %sub3A_506 : f32 to vector<208x1664xf32>
    %sub3A_508 = arith.subf %sub3A_507, %abs3A_496 : vector<208x1664xf32>
    %max3A_509 = arith.constant 0.000000e+00 : f32
    %max3A_510 = vector.broadcast %max3A_509 : f32 to vector<208x1664xf32>
    %max3A_511 = arith.maximumf %sub3A_508, %max3A_510 : vector<208x1664xf32>
    %sub3A_512 = arith.constant 4.000000e+00 : f32
    %sub3A_513 = vector.broadcast %sub3A_512 : f32 to vector<208x1664xf32>
    %sub3A_514 = arith.subf %sub3A_513, %abs3A_505 : vector<208x1664xf32>
    %max3A_515 = arith.constant 0.000000e+00 : f32
    %max3A_516 = vector.broadcast %max3A_515 : f32 to vector<208x1664xf32>
    %max3A_517 = arith.maximumf %sub3A_514, %max3A_516 : vector<208x1664xf32>
    %mul3A_518 = arith.mulf %max3A_511, %max3A_517 : vector<208x1664xf32>
    %ge3A_519 = arith.constant 3.000000e+00 : f32
    %ge3A_520 = vector.broadcast %ge3A_519 : f32 to vector<208x1664xf32>
    %ge3A_521 = arith.cmpf oge, %mul3A_518, %ge3A_520 : vector<208x1664xf32>
    %gt3A_522 = vector.broadcast %get3A_487 : vector<208x1xf32> to vector<208x1664xf32>
    %gt3A_523 = vector.broadcast %get3A_3 : vector<1x1664xf32> to vector<208x1664xf32>
    %gt3A_524 = arith.cmpf ogt, %gt3A_522, %gt3A_523 : vector<208x1664xf32>
    %eq3A_525 = vector.broadcast %get3A_487 : vector<208x1xf32> to vector<208x1664xf32>
    %eq3A_526 = vector.broadcast %get3A_3 : vector<1x1664xf32> to vector<208x1664xf32>
    %eq3A_527 = arith.cmpf oeq, %eq3A_525, %eq3A_526 : vector<208x1664xf32>
    %get3A_528 = arith.constant 0 : index
    %get3A_529 = arith.constant 1456 : index
    %get3A_530 = arith.constant 0 : index
    %get3A_531 = vector.load %arg8[%get3A_528, %get3A_529, %get3A_530] : memref<1x1664x1xi32, #tpu.memory_space<vmem>>, vector<1x208x1xi32>
    %get3A_532 = vector.shape_cast %get3A_531 : vector<1x208x1xi32> to vector<208x1xi32>
    %lt3A_533 = vector.broadcast %get3A_532 : vector<208x1xi32> to vector<208x1664xi32>
    %lt3A_534 = vector.broadcast %get3A_18 : vector<1x1664xi32> to vector<208x1664xi32>
    %lt3A_535 = arith.cmpi slt, %lt3A_533, %lt3A_534 : vector<208x1664xi32>
    %and3A_536 = arith.andi %eq3A_527, %lt3A_535 : vector<208x1664xi1>
    %or3A_537 = arith.ori %gt3A_524, %and3A_536 : vector<208x1664xi1>
    %convert_element_type3A_538 = arith.extui %or3A_537 : vector<208x1664xi1> to vector<208x1664xi32>
    %convert_element_type3A_539 = arith.sitofp %convert_element_type3A_538 : vector<208x1664xi32> to vector<208x1664xf32>
    %convert_element_type3A_540 = arith.truncf %convert_element_type3A_539 : vector<208x1664xf32> to vector<208x1664xbf16>
    %swap3A_541 = arith.constant 1456 : index
    %swap3A_542 = arith.constant 0 : index
    %swap3A_543 = vector.load %arg11[%swap3A_541, %swap3A_542] : memref<1664x1664xbf16, #tpu.memory_space<vmem>>, vector<208x1664xbf16>
    tpu.vector_store %arg11[%swap3A_541, %swap3A_542], %convert_element_type3A_540 {strides = array<i32>} : memref<1664x1664xbf16, #tpu.memory_space<vmem>>, vector<208x1664xbf16>,
    %and3A_544 = arith.andi %ge3A_521, %or3A_537 : vector<208x1664xi1>
    %convert_element_type3A_545 = arith.extui %and3A_544 : vector<208x1664xi1> to vector<208x1664xi32>
    %convert_element_type3A_546 = arith.sitofp %convert_element_type3A_545 : vector<208x1664xi32> to vector<208x1664xf32>
    %convert_element_type3A_547 = arith.truncf %convert_element_type3A_546 : vector<208x1664xf32> to vector<208x1664xbf16>
    %swap3A_548 = arith.constant 1456 : index
    %swap3A_549 = arith.constant 0 : index
    %swap3A_550 = vector.load %arg10[%swap3A_548, %swap3A_549] : memref<1664x1664xbf16, #tpu.memory_space<vmem>>, vector<208x1664xbf16>
    tpu.vector_store %arg10[%swap3A_548, %swap3A_549], %convert_element_type3A_547 {strides = array<i32>} : memref<1664x1664xbf16, #tpu.memory_space<vmem>>, vector<208x1664xbf16>,
    %get3A_551 = arith.constant 0 : index
    %get3A_552 = arith.constant 0 : index
    %get3A_553 = vector.load %arg11[%get3A_551, %get3A_552] : memref<1664x1664xbf16, #tpu.memory_space<vmem>>, vector<1664x1664xbf16>
    %convert_element_type3A_554 = arith.extf %get3A_553 : vector<1664x1664xbf16> to vector<1664x1664xf32>
    %reduce_sum3A = arith.constant dense<0.000000e+00> : vector<1664xf32>
    %reduce_sum3A_555 = vector.multi_reduction <add>, %convert_element_type3A_554, %reduce_sum3A [0] : vector<1664x1664xf32> to vector<1664xf32>
    %broadcast_in_dim3A = vector.shape_cast %reduce_sum3A_555 : vector<1664xf32> to vector<1x1664xf32>
    %lt3A_556 = arith.constant 1.024000e+03 : f32
    %lt3A_557 = vector.broadcast %lt3A_556 : f32 to vector<1x1664xf32>
    %lt3A_558 = arith.cmpf olt, %broadcast_in_dim3A, %lt3A_557 : vector<1x1664xf32>
    %ge3A_559 = arith.constant 1.500000e-02 : f32
    %ge3A_560 = vector.broadcast %ge3A_559 : f32 to vector<1x1664xf32>
    %ge3A_561 = arith.cmpf oge, %get3A_3, %ge3A_560 : vector<1x1664xf32>
    %and3A_562 = arith.andi %lt3A_558, %ge3A_561 : vector<1x1664xi1>
    %convert_element_type3A_563 = arith.extui %and3A_562 : vector<1x1664xi1> to vector<1x1664xi32>
    %convert_element_type3A_564 = arith.sitofp %convert_element_type3A_563 : vector<1x1664xi32> to vector<1x1664xf32>
    %get3A_565 = arith.constant 0 : index
    %get3A_566 = arith.constant 0 : index
    %get3A_567 = vector.load %arg10[%get3A_565, %get3A_566] : memref<1664x1664xbf16, #tpu.memory_space<vmem>>, vector<1664x1664xbf16>
    %broadcast_in_dim3A_568 = arith.constant 0.000000e+00 : f32
    %broadcast_in_dim3A_569 = vector.broadcast %broadcast_in_dim3A_568 : f32 to vector<1x1664xf32>
    %reduce_sum3A_570 = vector.shape_cast %convert_element_type3A_564 : vector<1x1664xf32> to vector<1x1x1664xf32>
    %reduce_sum3A_571 = arith.constant dense<0.000000e+00> : vector<1xf32>
    %reduce_sum3A_572 = vector.multi_reduction <add>, %reduce_sum3A_570, %reduce_sum3A_571 [1, 2] : vector<1x1x1664xf32> to vector<1xf32>
    %reduce_sum3A_573 = vector.shape_cast %reduce_sum3A_572 : vector<1xf32> to vector<1x1x1xf32>
    %reduce_sum3A_574 = vector.extract %reduce_sum3A_573[0, 0, 0] : f32 from vector<1x1x1xf32>
    %while3A:3 = scf.while (%while3A_593 = %broadcast_in_dim3A_569, %while3A_594 = %convert_element_type3A_564, %while3A_595 = %reduce_sum3A_574) : (vector<1x1664xf32>, vector<1x1664xf32>, f32) -> (vector<1x1664xf32>, vector<1x1664xf32>, f32) {
      %gt3A_596 = arith.constant 0.000000e+00 : f32
      %gt3A_597 = arith.cmpf ogt, %while3A_595, %gt3A_596 : f32
      scf.condition(%gt3A_597) %while3A_593, %while3A_594, %while3A_595 : vector<1x1664xf32>, vector<1x1664xf32>, f32
    } do {
    ^bb0(%while3A_593: vector<1x1664xf32>, %while3A_594: vector<1x1664xf32>, %while3A_595: f32):
      %concatenate3A = tpu.concatenate %while3A_593, %while3A_594 in 0 : vector<1x1664xf32>, vector<1x1664xf32> -> vector<2x1664xf32>
      %convert_element_type3A_596 = arith.truncf %concatenate3A : vector<2x1664xf32> to vector<2x1664xbf16>
      %dot_general3A_597 = arith.constant dense<0.000000e+00> : vector<2x1664xf32>
      %dot_general3A_598 = tpu.matmul %convert_element_type3A_596, %get3A_567, %dot_general3A_597 {dimension_numbers = #tpu.dot_dimension_numbers<[1], [0], [0], [1], [0, 0, 1, 1], [], []>, transpose_lhs_hint = false} : vector<2x1664xbf16>, vector<1664x1664xbf16>, vector<2x1664xf32> -> vector<2x1664xf32>
      %slice3A = vector.extract_strided_slice %dot_general3A_598 {offsets = [0, 0], sizes = [1, 1664], strides = [1, 1]} : vector<2x1664xf32> to vector<1x1664xf32>
      %slice3A_599 = vector.extract_strided_slice %dot_general3A_598 {offsets = [1, 0], sizes = [1, 1664], strides = [1, 1]} : vector<2x1664xf32> to vector<1x1664xf32>
      %gt3A_600 = arith.constant 0.000000e+00 : f32
      %gt3A_601 = vector.broadcast %gt3A_600 : f32 to vector<1x1664xf32>
      %gt3A_602 = arith.cmpf ogt, %slice3A, %gt3A_601 : vector<1x1664xf32>
      %convert_element_type3A_603 = arith.extui %gt3A_602 : vector<1x1664xi1> to vector<1x1664xi32>
      %convert_element_type3A_604 = arith.sitofp %convert_element_type3A_603 : vector<1x1664xi32> to vector<1x1664xf32>
      %mul3A_605 = arith.mulf %while3A_594, %convert_element_type3A_604 : vector<1x1664xf32>
      %eq3A_606 = arith.constant 0.000000e+00 : f32
      %eq3A_607 = vector.broadcast %eq3A_606 : f32 to vector<1x1664xf32>
      %eq3A_608 = arith.cmpf oeq, %slice3A, %eq3A_607 : vector<1x1664xf32>
      %convert_element_type3A_609 = arith.extui %eq3A_608 : vector<1x1664xi1> to vector<1x1664xi32>
      %convert_element_type3A_610 = arith.sitofp %convert_element_type3A_609 : vector<1x1664xi32> to vector<1x1664xf32>
      %mul3A_611 = arith.mulf %while3A_594, %convert_element_type3A_610 : vector<1x1664xf32>
      %eq3A_612 = arith.constant 0.000000e+00 : f32
      %eq3A_613 = vector.broadcast %eq3A_612 : f32 to vector<1x1664xf32>
      %eq3A_614 = arith.cmpf oeq, %slice3A_599, %eq3A_613 : vector<1x1664xf32>
      %convert_element_type3A_615 = arith.extui %eq3A_614 : vector<1x1664xi1> to vector<1x1664xi32>
      %convert_element_type3A_616 = arith.sitofp %convert_element_type3A_615 : vector<1x1664xi32> to vector<1x1664xf32>
      %mul3A_617 = arith.mulf %mul3A_611, %convert_element_type3A_616 : vector<1x1664xf32>
      %add3A = arith.addf %while3A_593, %mul3A_617 : vector<1x1664xf32>
      %sub3A_618 = arith.subf %while3A_594, %mul3A_605 : vector<1x1664xf32>
      %sub3A_619 = arith.subf %sub3A_618, %mul3A_617 : vector<1x1664xf32>
      %reduce_sum3A_620 = vector.shape_cast %sub3A_619 : vector<1x1664xf32> to vector<1x1x1664xf32>
      %reduce_sum3A_621 = arith.constant dense<0.000000e+00> : vector<1xf32>
      %reduce_sum3A_622 = vector.multi_reduction <add>, %reduce_sum3A_620, %reduce_sum3A_621 [1, 2] : vector<1x1x1664xf32> to vector<1xf32>
      %reduce_sum3A_623 = vector.shape_cast %reduce_sum3A_622 : vector<1xf32> to vector<1x1x1xf32>
      %reduce_sum3A_624 = vector.extract %reduce_sum3A_623[0, 0, 0] : f32 from vector<1x1x1xf32>
      scf.yield %add3A, %sub3A_619, %reduce_sum3A_624 : vector<1x1664xf32>, vector<1x1664xf32>, f32
    }
    %convert_element_type3A_575 = arith.truncf %while3A#0 : vector<1x1664xf32> to vector<1x1664xbf16>
    %dot_general3A = arith.constant dense<0.000000e+00> : vector<1x1664xf32>
    %dot_general3A_576 = tpu.matmul %convert_element_type3A_575, %get3A_553, %dot_general3A {dimension_numbers = #tpu.dot_dimension_numbers<[1], [0], [0], [1], [0, 0, 1, 1], [], []>, transpose_lhs_hint = false} : vector<1x1664xbf16>, vector<1664x1664xbf16>, vector<1x1664xf32> -> vector<1x1664xf32>
    %lt3A_577 = arith.constant 3.000000e+02 : f32
    %lt3A_578 = vector.broadcast %lt3A_577 : f32 to vector<1x1664xf32>
    %lt3A_579 = arith.cmpf olt, %dot_general3A_576, %lt3A_578 : vector<1x1664xf32>
    %convert_element_type3A_580 = arith.extui %lt3A_579 : vector<1x1664xi1> to vector<1x1664xi32>
    %convert_element_type3A_581 = arith.sitofp %convert_element_type3A_580 : vector<1x1664xi32> to vector<1x1664xf32>
    %mul3A_582 = arith.mulf %while3A#0, %convert_element_type3A_581 : vector<1x1664xf32>
    %gt3A_583 = arith.constant 0.000000e+00 : f32
    %gt3A_584 = vector.broadcast %gt3A_583 : f32 to vector<1x1664xf32>
    %gt3A_585 = arith.cmpf ogt, %mul3A_582, %gt3A_584 : vector<1x1664xf32>
    %jit3A = arith.constant 0.000000e+00 : f32
    %broadcast_in_dim3A_586 = vector.broadcast %jit3A : f32 to vector<1x1664xf32>
    %select_n3A = arith.select %gt3A_585, %get3A_3, %broadcast_in_dim3A_586 : vector<1x1664xi1>, vector<1x1664xf32>
    %swap3A_587 = arith.constant 0 : index
    %swap3A_588 = arith.constant 0 : index
    %swap3A_589 = arith.constant 0 : index
    %swap3A_590 = vector.load %arg9[%swap3A_587, %swap3A_588, %swap3A_589] : memref<1x1x1664xf32, #tpu.memory_space<vmem>>, vector<1x1x1664xf32>
    %swap3A_591 = vector.shape_cast %swap3A_590 : vector<1x1x1664xf32> to vector<1x1664xf32>
    %swap3A_592 = vector.shape_cast %select_n3A : vector<1x1664xf32> to vector<1x1x1664xf32>
    tpu.vector_store %arg9[%swap3A_587, %swap3A_588, %swap3A_589], %swap3A_592 {strides = array<i32>} : memref<1x1x1664xf32, #tpu.memory_space<vmem>>, vector<1x1x1664xf32>,
    return
  }
  func.func @transform_0(%arg0: i32) -> (i32, i32, i32) {
    %c0_i32 = arith.constant 0 : i32
    %c0_i32_0 = arith.constant 0 : i32
    %c0_i32_1 = arith.constant 0 : i32
    return %arg0, %c0_i32, %c0_i32_0 : i32, i32, i32
  }
  func.func @transform_1(%arg0: i32) -> (i32, i32, i32) {
    %c0_i32 = arith.constant 0 : i32
    %c0_i32_0 = arith.constant 0 : i32
    %c0_i32_1 = arith.constant 0 : i32
    return %arg0, %c0_i32, %c0_i32_0 : i32, i32, i32
  }
  func.func @transform_2(%arg0: i32) -> (i32, i32, i32) {
    %c0_i32 = arith.constant 0 : i32
    %c0_i32_0 = arith.constant 0 : i32
    %c0_i32_1 = arith.constant 0 : i32
    return %arg0, %c0_i32, %c0_i32_0 : i32, i32, i32
  }
  func.func @transform_3(%arg0: i32) -> (i32, i32, i32) {
    %c0_i32 = arith.constant 0 : i32
    %c0_i32_0 = arith.constant 0 : i32
    %c0_i32_1 = arith.constant 0 : i32
    return %arg0, %c0_i32, %c0_i32_0 : i32, i32, i32
  }
  func.func @transform_4(%arg0: i32) -> (i32, i32, i32) {
    %c0_i32 = arith.constant 0 : i32
    %c0_i32_0 = arith.constant 0 : i32
    %c0_i32_1 = arith.constant 0 : i32
    return %arg0, %c0_i32, %c0_i32_0 : i32, i32, i32
  }
  func.func @transform_5(%arg0: i32) -> (i32, i32, i32) {
    %c0_i32 = arith.constant 0 : i32
    %c0_i32_0 = arith.constant 0 : i32
    %c0_i32_1 = arith.constant 0 : i32
    return %arg0, %c0_i32, %c0_i32_0 : i32, i32, i32
  }
  func.func @transform_6(%arg0: i32) -> (i32, i32, i32) {
    %c0_i32 = arith.constant 0 : i32
    %c0_i32_0 = arith.constant 0 : i32
    %c0_i32_1 = arith.constant 0 : i32
    return %arg0, %c0_i32, %c0_i32_0 : i32, i32, i32
  }
  func.func @transform_7(%arg0: i32) -> (i32, i32, i32) {
    %c0_i32 = arith.constant 0 : i32
    %c0_i32_0 = arith.constant 0 : i32
    %c0_i32_1 = arith.constant 0 : i32
    return %arg0, %c0_i32, %c0_i32_0 : i32, i32, i32
  }
  func.func @transform_8(%arg0: i32) -> (i32, i32, i32) {
    %c0_i32 = arith.constant 0 : i32
    %c0_i32_0 = arith.constant 0 : i32
    %c0_i32_1 = arith.constant 0 : i32
    return %arg0, %c0_i32, %c0_i32_0 : i32, i32, i32
  }
}

</mosaic_0001>

<sc_bundles>
// kernel: kernel.6.cloned.1.call-start
scs
__scs_entry_jumppad:
0x0: {  	(pc) =	sbr.rel $0x88, $3  }
0x1: {  	(tag) =	ssettag $0x0;
	lr =	simm.s32 $0x1  }
0x2: {  	[smem:$0x3F9C] =	sst lr;
	_ =	strace $0xD0000000  }
0x3: {  	_ = 	snop  }
0x4: {  	_ = 	snop  }
0x5: {  	_ = 	snop  }
0x6: {  	_ = 	snop  }
0x7: {  	_ = 	snop  }
__scs_overlays_trampoline_lowered:
0x8: {  	[smem:$0x3FAB] =	sst s0  }
0x9: {  	[smem:$0x3FAC] =	sst s1  }
0xa: {  	[smem:$0x3FAD] =	sst s2  }
0xb: {  	[smem:$0x3FAE] =	sst s3  }
0xc: {  	[smem:$0x3FAF] =	sst s4  }
0xd: {  	[smem:$0x3FB0] =	sst s5  }
0xe: {  	[smem:$0x3FB1] =	sst s6  }
0xf: {  	[smem:$0x3FB2] =	sst s7  }
0x10: {  	[smem:$0x3FB3] =	sst s8  }
0x11: {  	[smem:$0x3FB4] =	sst s9;
	s0 =	simm.s32 @!p0 $0x0  }
0x12: {  	s1 =	sld [smem:$0x3F9A];
	s0 =	simm.s32 @p0 $0x1  }
0x13: {  	[smem:$0x3FB5] =	sst s0;
	s0 =	simm.s32 @!p1 $0x0  }
0x14: {  	s2 =	sld [smem:$0x3F99];
	s0 =	simm.s32 @p1 $0x1  }
0x15: {  	[smem:$0x3FB6] =	sst s0;
	s0 =	simm.s32 @!p2 $0x0  }
0x16: {  	s3 =	sld [smem:$0x3FDB];
	s0 =	simm.s32 @p2 $0x1  }
0x17: {  	s4 =	simm.s32 $0x1BF5;
	[smem:$0x3FB8] =	sst s0  }
0x18: {  	s0 =	sld [smem:$0x3F9B];
	_ =	swait.ge [sflag:s4], $0x0  }
0x19: {  	s7 =	sld [smem:$0x3F9C]  }
0x1a: {  	s8 =	sadd.s32 $0xFFFFE003, lr  }
0x1b: {  	s9 =	sadd.s32 $0xFFFFFEF7, lr;
	s5 =	simm.s32 $0xFFFFFFFF;
	p2 =	slt.u32 s8, $0xFFFFF086  }
0x1c: {  	p1 =	slt.u32 s9, $0xF7A;
	s5 =	simm.s32 @!p2 $0x0  }
0x1d: {  	s5 =	simm.s32 @p1 $0x1;
	p0 =	seq.s32 s7, s2  }
0x1e: {  	s7 =	smul.u32 @!p0 $0xF7A, s2;
	p2 =	seq.s32 @!p0 s5, $0x0  }
0x1f: {  	s9 =	smul.u32 $0xF7A, s1;
	s8 =	simm.s32 @!p0 $0x1BF5;
	p2 =	por !p2, p0  }
0x20: {  	[sflag:s8] =	ssyncset.s32 @!p0 $0xFFFFF086;
	s6 =	sadd.s32 @!p0 s3, s7;
	s7 =	simm.s32 @!p0 $0x108  }
0x21: {  	s3 =	sadd.s32 s3, s9;
	s6 =	sadd.s32 @!p0 $0x88, s6;
	s7 =	simm.s32 @p2 $0x1082  }
0x22: {  	[simem:s7], [sflag:s8] =	dma.local @!p0 [hbm:s6], $0xF7A  }
0x23: {  	s9 =	sor.u32 $0xD0000000, s2;
	s6 =	simm.s32 $0x108;
	_ =	swait.ge @!p0 [sflag:s8], $0x0  }
0x24: {  	s3 =	sadd.s32 $0x88, s3;
	s6 =	simm.s32 @!p1 $0x1082;
	[sflag:s4] =	ssyncset.s32 $0xFFFFF086  }
0x25: {  	[simem:s6], [sflag:s4] =	dma.local [hbm:s3], $0xF7A  }
0x26: {  	[smem:$0x3F9C] =	sst s1;
	(tag) =	ssettag s2;
	_ =	strace s9  }
0x27: {  	s1 =	sld [smem:$0x3FAC]  }
0x28: {  	s2 =	sld [smem:$0x3FAD]  }
0x29: {  	s4 =	sld [smem:$0x3FAF]  }
0x2a: {  	p0 =	seq.s32 s5, $0x0;
	s5 =	sld [smem:$0x3FB0]  }
0x2b: {  	s6 =	sld [smem:$0x3FB1]  }
0x2c: {  	s7 =	sld [smem:$0x3FB2]  }
0x2d: {  	s3 =	simm.s32 $0x108;
	s8 =	sld [smem:$0x3FB3]  }
0x2e: {  	s3 =	simm.s32 @!p0 $0x1082;
	s9 =	sld [smem:$0x3FB4]  }
0x2f: {  	lr =	sadd.s32 s0, s3;
	s0 =	sld [smem:$0x3FAB]  }
0x30: {  	s3 =	sld [smem:$0x3FAE]  }
0x31: {  	[smem:$0x3FB7] =	sst s10  }
0x32: {  	s10 =	sld [smem:$0x3FB5];
	_ =	sdelay $0x3  }
0x33: {  	p0 =	seq.s32 s10, $0x1;
	s10 =	sld [smem:$0x3FB7];
	_ =	sdelay $0x3  }
0x34: {  	[smem:$0x3FB7] =	sst s10  }
0x35: {  	s10 =	sld [smem:$0x3FB6];
	_ =	sdelay $0x3  }
0x36: {  	p1 =	seq.s32 s10, $0x1;
	s10 =	sld [smem:$0x3FB7];
	_ =	sdelay $0x3  }
0x37: {  	[smem:$0x3FB7] =	sst s10  }
0x38: {  	s10 =	sld [smem:$0x3FB8]  }
0x39: {  	_ = 	snop;
	(pc) =	sbr.ind lr, $3  }
0x3a: {  	_ = 	snop  }
0x3b: {  	_ = 	snop  }
0x3c: {  	p2 =	seq.s32 s10, $0x1;
	s10 =	sld [smem:$0x3FB7]  }
0x3d: {  	_ =	shalt  }
0x3e: {  	_ =	shalt  }
0x3f: {  	_ =	shalt  }
0x40: {  	_ =	shalt  }
0x41: {  	_ =	shalt  }
0x42: {  	_ =	shalt  }
0x43: {  	_ =	shalt  }
0x44: {  	_ =	shalt  }
0x45: {  	_ =	shalt  }
0x46: {  	_ =	shalt  }
0x47: {  	_ =	shalt  }
0x48: {  	_ =	shalt  }
0x49: {  	_ =	shalt  }
0x4a: {  	_ =	shalt  }
0x4b: {  	_ =	shalt  }
0x4c: {  	_ =	shalt  }
0x4d: {  	_ =	shalt  }
0x4e: {  	_ =	shalt  }
0x4f: {  	_ =	shalt  }
0x50: {  	_ =	shalt  }
0x51: {  	_ =	shalt  }
0x52: {  	_ =	shalt  }
0x53: {  	_ =	shalt  }
0x54: {  	_ =	shalt  }
0x55: {  	_ =	shalt  }
0x56: {  	_ =	shalt  }
0x57: {  	_ =	shalt  }
0x58: {  	_ =	shalt  }
0x59: {  	_ =	shalt  }
0x5a: {  	_ =	shalt  }
0x5b: {  	_ =	shalt  }
0x5c: {  	_ =	shalt  }
0x5d: {  	_ =	shalt  }
0x5e: {  	_ =	shalt  }
0x5f: {  	_ =	shalt  }
0x60: {  	_ =	shalt  }
0x61: {  	_ =	shalt  }
0x62: {  	_ =	shalt  }
0x63: {  	_ =	shalt  }
0x64: {  	_ =	shalt  }
0x65: {  	_ =	shalt  }
0x66: {  	_ =	shalt  }
0x67: {  	_ =	shalt  }
0x68: {  	_ =	shalt  }
0x69: {  	_ =	shalt  }
0x6a: {  	_ =	shalt  }
0x6b: {  	_ =	shalt  }
0x6c: {  	_ =	shalt  }
0x6d: {  	_ =	shalt  }
0x6e: {  	_ =	shalt  }
0x6f: {  	_ =	shalt  }
0x70: {  	_ =	shalt  }
0x71: {  	_ =	shalt  }
0x72: {  	_ =	shalt  }
0x73: {  	_ =	shalt  }
0x74: {  	_ =	shalt  }
0x75: {  	_ =	shalt  }
0x76: {  	_ =	shalt  }
0x77: {  	_ =	shalt  }
0x78: {  	_ =	shalt  }
0x79: {  	_ =	shalt  }
0x7a: {  	_ =	shalt  }
0x7b: {  	_ =	shalt  }
0x7c: {  	_ =	shalt  }
0x7d: {  	_ =	shalt  }
0x7e: {  	_ =	shalt  }
0x7f: {  	_ =	shalt  }
0x80: {  	_ =	shalt  }
0x81: {  	_ =	shalt  }
0x82: {  	_ =	shalt  }
0x83: {  	_ =	shalt  }
0x84: {  	_ =	shalt  }
0x85: {  	_ =	shalt  }
0x86: {  	_ =	shalt  }
0x87: {  	_ =	shalt  }
.Lfunc_end0:
.L_simem_size_0:
called_computation.1_lowered:
.L_overlay_start_0:
0x88: {  	s2 =	sld [smem:$0x3FD9]  }
0x89: {  	s3 =	sld [smem:$0x3FFE];
	_ =	sdelay $0x1  }
0x8a: {  	s1 =	srdreg.scid  }
0x8b: {  	s0 =	sand.u32 $0x1, s1  }
0x8c: {  	s15 =	sshll.u32 s0, $0xA;
	s2 =	sadd.s32 s3, s2  }
0x8d: {  	s2 =	sadd.s32 s2, s15  }
0x8e: {  	[smem:$0x3FC3] =	sst s2  }
0x8f: {  	_ = 	snop  }
0x90: {  	s2 =	sld [smem:$0x3FD0];
	_ =	sdelay $0x2  }
0x91: {  	s16 =	simm.s32 $0xA;
	s4 =	simm.s32 $0x10  }
0x92: {  	[smem:s4], [sflag:s16] =	dma.local [hbm:s2], $0x1  }
0x93: {  	_ =	swait.eq [sflag:s16], $0x1  }
0x94: {  	[sflag:s16] =	ssyncset.done $0x0  }
0x95: {  	s17 =	sld [smem:$0x12];
	[sflag:s16] =	ssyncadd.s32 $0xFFFFFFFF  }
0x96: {  	s18 =	sld [smem:$0x13];
	(tm) =	ssettm $0x1  }
0x97: {  	s19 =	sld [smem:$0x3FFB];
	_ =	sdelay $0x3  }
0x98: {  	_ =	strace s19  }
0x99: {  	s4 =	sld [smem:$0x3FFC];
	_ =	sdelay $0x3  }
0x9a: {  	_ =	strace s4  }
0x9b: {  	s4 =	sld [smem:$0x3FFD];
	_ =	sdelay $0x3  }
0x9c: {  	_ =	strace s4  }
0x9d: {  	_ =	strace $0x8FFFFFFF  }
0x9e: {  	s20 =	sld [smem:$0x3FDB];
	_ =	sdelay $0x1  }
0x9f: {  	s5 =	simm.s32 $_scs_section_size  }
0xa0: {  	s6 =	simm.s32 $_size__tile_overlayer_lowered;
	s7 =	simm.s32 $_tile_overlayer_lowered  }
0xa1: {  	s23 =	simm.s32 $0x1BFF;
	s22 =	sshll.u32 s7, $0x1;
	s4 =	sadd.s32 s5, s20  }
0xa2: {  	s8 =	simm.s32 $0x0;
	s21 =	sshll.u32 s6, $0x1;
	s6 =	sadd.s32 s22, s4  }
0xa3: {  	[timem:s8], [sflag:s23] =	dma.local [hbm:s6], s21  }
0xa4: {  	_ =	swait.ge [sflag:s23], s21  }
0xa5: {  	s5 =	ssub.s32 $0x0, s21;
	[sflag:s23] =	ssyncset.done $0x0  }
0xa6: {  	[sflag:s23] =	ssyncadd.s32 s5;
	_ =	sdelay $0x1  }
0xa7: {  	s24 =	simm.s32 $0x1B8B  }
0xa8: {  	_ =	swait.ge [sflag:s24], $0x1  }
0xa9: {  	[sflag:s24] =	ssyncset.done $0x0  }
0xaa: {  	s25 =	simm.s32 $0x1B8E;
	[sflag:s24] =	ssyncadd.s32 $0xFFFFFFFF  }
0xab: {  	s26 =	simm.s32 $execute0_lowered;
	[smem:$0x3FD2] =	sst s25  }
0xac: {  	s5 =	sshll.u32 s26, $0x1;
	_ =	strace $0x80000046;
	[dreg:$0x1] =	wrdreg $0xFFFFFFFF  }
0xad: {  	s28 =	simm.s32 $_size_execute0_lowered;
	s4 =	sadd.s32 s4, s5;
	[dreg:$0x0] =	wrdreg $0x0  }
0xae: {  	s5 =	sshll.u32 s28, $0x1;
	[dreg:$0x2] =	wrdreg s4  }
0xaf: {  	[dreg:$0x3] =	wrdreg s5  }
0xb0: {  	[dreg:$0x4] =	wrdreg $0xC0  }
0xb1: {  	_ =	task [dreg:s8], $0x5FFFF  }
0xb2: {  	[dreg:$0x1] =	wrdreg $0xFFFFFFFF  }
0xb3: {  	[dreg:$0x0] =	wrdreg $0x60  }
0xb4: {  	[dreg:$0x2] =	wrdreg s18  }
0xb5: {  	[dreg:$0x3] =	wrdreg s17  }
0xb6: {  	[dreg:$0x4] =	wrdreg $0x9  }
0xb7: {  	_ =	task.clear_ibuf [dreg:s8], $0x5FFFF;
	_ =	strace $0x90000046  }
0xb8: {  	s29 =	simm.s32 $0x9;
	_ =	strace $0x80000048  }
0xb9: {  	_ =	swait.ge [sflag:s29], $0x1  }
0xba: {  	[sflag:s29] =	ssyncadd.s32 $0xFFFFFFFF  }
0xbb: {  	_ =	strace $0x90000048  }
0xbc: {  	_ =	sfence  }
0xbd: {  	s30 =	sld [smem:$0x0];
	_ =	sdelay $0x2  }
0xbe: {  	s31 =	sshll.u32 s1, $0xD;
	s1 =	sshrl.u32 s1, $0x2  }
0xbf: {  	s3 =	sand.u32 $0x4000, s31;
	s1 =	sadd.s32 s1, s30  }
0xc0: {  	s0 =	sor.u32 s3, s0;
	s1 =	sshll.u32 s1, $0x11  }
0xc1: {  	s0 =	sor.u32 s1, s0  }
0xc2: {  	s0 =	sadd.s32 $0x8F2B, s0  }
0xc3: {  	[sflag:s0] =	ssyncadd.remote.s32 $0x1  }
0xc4: {  	_ =	sfence.sel $0xFFFF  }
0xc5: {  	[dreg:$0x0] =	wrdreg $0xFFFFFFFF;
	(pc) =	sbr.abs _section_cstart, $3  }
0xc6: {  	[dreg:$0x1] =	wrdreg $0xFFFFFFFF  }
0xc7: {  	_ =	task.clear_ibuf [dreg:s8], $0x2FFFF;
	_ =	strace $0x9FFFFFFF  }
0xc8: {  	(tm) =	ssettm $0x7FFFFFFF  }
0xc9: {  	_ =	shalt  }
tec
execute0_lowered:
.L_overlay_start_1:
0x0: {  	(tag) =	ssettag $0x1  }
0x1: {  	s0 =	srdreg.scid  }
0x2: {  	s4 =	rddreg [dreg:$0x0];
	s3 =	sand.u32 $0x1, s0  }
0x3: {  	s7 =	rddreg [dreg:$0x1];
	s0 =	stileid.u32;
	s1 =	sshll.u32 s3, $0x4  }
0x4: {  	s2 =	simm.s32 $0x0;
	s6 =	sand.u32 $0x7, s0;
	s5 =	sor.u32 s0, s1  }
0x5: {  	s8 =	simm.s32 $0x1;
	p1 =	sne.s32 s6, $0x0;
	p0 =	seq.s32 s5, $0x0  }
0x6: {  	[smem:$0x7FF] =	sst s2;
	s3 =	ssub.s32 $0x2, s3;
	p0 =	por !p1, !p0  }
0x7: {  	s1 =	rddreg [dreg:$0x2];
	_ =	strace $0x80000047;
	p0 =	por !p0, !p0  }
0x8: {  	s31 =	sshrl.u32 s3, $0x1;
	s5 =	sshrl.u32 s5, $0x3;
	s8 =	simm.s32 @!p0 $0x0  }
0x9: {  	s10 =	sshll.u32 s6, $0xF;
	s6 =	sshll.u32 s6, $0x7;
	s5 =	ssub.s32 s5, s8  }
0xa: {  	s8 =	ssub.s32 s3, s31;
	s9 =	sshll.u32 s5, $0x12;
	s5 =	sshll.u32 s5, $0xF  }
0xb: {  	s3 =	simm.s32 $0x1;
	s9 =	sor.u32 s10, s9;
	s5 =	sor.u32 s6, s5  }
0xc: {  	s6 =	smax.u32 s8, $0x1;
	s8 =	simm.s32 $0x80;
	s9 =	sshrl.u32 s9, $0x3  }
0xd: {  	s10 =	simm.s32 $0x0;
	s5 =	sshrl.u32 s5, $0x3;
	s4 =	sadd.s32 s4, s9  }
0xe: {  	v0 =	vimm.s32 $0x0;
	v1 =	vimm.s32 $0x1;
	s5 =	sadd.s32 s7, s5;
	s7 =	simm.s32 $0x8000;
	s9 =	simm.s32 $0x400  }
.LBB2_1:
0xf: {  	[tilespmem:s2], [sflag:$0x1] =	stream.linear.gather [hbm4b:s4+s2], $0x8000, $0x38;
	[tilespmem:$0x9000] =	vst v63  }
0x10: {  	_ =	swait.ge [sflag:s3], $0x8000  }
0x11: {  	[sflag:s3] =	ssyncset.done $0x0  }
0x12: {  	s11 =	simm.s32 $0x0;
	[sflag:s3] =	ssyncadd.s32 $0xFFFF8000  }
.LBB2_2:
0x13: {  	p0 =	sne.s32 s11, $0x3FC0  }
.Ltmp0:
0x14: {  	_ = 	snop;
	(pc) =	sbr.rel @p0 .LBB2_2-.Ltmp0, $3  }
0x15: {  	_ =	sdelay $0x1  }
0x16: {  	s12 =	sshra.s32 s11, $0x2  }
0x17: {  	s11 =	sadd.s32 $0x40, s11;
	[tilespmem:s12+$0x8000] =	vst v0  }
0x18: {  	s12 =	simm.s32 $0x0;
	s11 =	simm.s32 $0x40  }
.LBB2_4:
0x19: {  	p0 =	sne.s32 s11, $0x1FFC0;
	v2 =	vld [tilespmem:s12+$0x0];
	_ =	sdelay $0x4  }
0x1a: {  	v2 =	vmul.f32 $4.096000000e+03, v2;
	_ =	sdelay $0x1  }
0x1b: {  	v2 =	vtrunc.f32 v2  }
0x1c: {  	v2 =	vcvt.f32.s32 v2;
	_ =	sdelay $0x1  }
0x1d: {  	vm0 =	vlt.s32 v2, $0xFFF  }
0x1e: {  	v2 =	vnsel vm0, $0xFFF, v2  }
.Ltmp1:
0x1f: {  	(pc) =	sbr.rel @p0 .LBB2_4-.Ltmp1, $2  }
0x20: {  	_ =	sdelay $0x2  }
0x21: {  	s12 =	sshra.s32 s11, $0x2;
	s11 =	sadd.s32 $0x40, s11;
	[tilespmem:v2+s7+$0x0] =	vst.idx.add.s32.msk $0xffff, v1  }
0x22: {  	v2 =	vld [tilespmem:s12+$0x0];
	_ =	sdelay $0x4  }
0x23: {  	v2 =	vmul.f32 $4.096000000e+03, v2;
	_ =	sdelay $0x1  }
0x24: {  	v2 =	vtrunc.f32 v2  }
0x25: {  	v2 =	vcvt.f32.s32 v2;
	_ =	sdelay $0x1  }
0x26: {  	vm0 =	vlt.s32 v2, $0xFFF  }
0x27: {  	v2 =	vnsel vm0, $0xFFF, v2;
	_ =	sdelay $0x2  }
0x28: {  	s10 =	sadd.s32 $0x1, s10  }
0x29: {  	p0 =	sne.s32 s10, s6  }
.Ltmp2:
0x2a: {  	[tilespmem:v2+s7+$0x0] =	vst.idx.add.s32.msk $0xffff, v1;
	(pc) =	sbr.rel @p0 .LBB2_1-.Ltmp2, $4  }
0x2b: {  	[hbm4b:s5+s8] =	stream.strided.scatter [tilespmem:s7], [sflag:$0x1], $0x1000, s9, s8, $0x38;
	[tilespmem:$0x9000] =	vst v63  }
0x2c: {  	_ =	swait.ge [sflag:s3], $0x1000  }
0x2d: {  	[sflag:s3] =	ssyncset.done $0x0  }
0x2e: {  	[sflag:s3] =	ssyncadd.s32 $0xFFFFF000  }
0x2f: {  	_ =	sfence.sel $0x180000  }
0x30: {  	[bflag:$0x0] =	sbarrier.arrive $0xFFFF  }
0x31: {  	p0 =	sne.s32 s0, $0x0;
	_ =	strace $0x90000047  }
0x32: {  	s0 =	sadd.s32 @!p0 $0x100000, s1;
	[bflag:$0x2] =	sbarrier.arrive $0xFFFF  }
0x33: {  	[sflag:s0] =	ssyncadd.tile.s32 @!p0 $0x1;
	_ =	shalt  }
.Lfunc_end2:
_tile_overlayer_lowered:
.L_overlay_start_2:
0x34: {  	(tag) =	ssettag $0x2  }
0x35: {  	s0 =	rddreg [dreg:$0x0];
	s2 =	stileid.u32  }
0x36: {  	s1 =	rddreg [dreg:$0x1];
	p0 =	sne.s32 s2, $0x0  }
0x37: {  	s3 =	rddreg [dreg:$0x2];
	[bflag:$0x3] =	sbarrier.arrive $0xFFFF;
	s2 =	simm.s32 @!p0 $0x1C01  }
0x38: {  	[timem:s3], [sflag:s2] =	dma.local @!p0 [hbm:s0], s1  }
0x39: {  	s0 =	simm.s32 @!p0 $0x1  }
0x3a: {  	_ =	swait.ge @!p0 [sflag:s0], s1  }
0x3b: {  	s1 =	ssub.s32 @!p0 $0x0, s1;
	[sflag:s0] =	ssyncset.done @!p0 $0x0  }
0x3c: {  	[sflag:s0] =	ssyncadd.s32 @!p0 s1  }
0x3d: {  	[bflag:$0x3] =	sbarrier.arrive $0xFFFF  }
0x3e: {  	_ =	shalt  }

// kernel: kernel.9.cloned.1.call-start
scs
__scs_entry_jumppad:
0x0: {  	(pc) =	sbr.rel $0x88, $3  }
0x1: {  	(tag) =	ssettag $0x0;
	lr =	simm.s32 $0x1  }
0x2: {  	[smem:$0x3F9C] =	sst lr;
	_ =	strace $0xD0000000  }
0x3: {  	_ = 	snop  }
0x4: {  	_ = 	snop  }
0x5: {  	_ = 	snop  }
0x6: {  	_ = 	snop  }
0x7: {  	_ = 	snop  }
__scs_overlays_trampoline_lowered:
0x8: {  	[smem:$0x3FAB] =	sst s0  }
0x9: {  	[smem:$0x3FAC] =	sst s1  }
0xa: {  	[smem:$0x3FAD] =	sst s2  }
0xb: {  	[smem:$0x3FAE] =	sst s3  }
0xc: {  	[smem:$0x3FAF] =	sst s4  }
0xd: {  	[smem:$0x3FB0] =	sst s5  }
0xe: {  	[smem:$0x3FB1] =	sst s6  }
0xf: {  	[smem:$0x3FB2] =	sst s7  }
0x10: {  	[smem:$0x3FB3] =	sst s8  }
0x11: {  	[smem:$0x3FB4] =	sst s9;
	s0 =	simm.s32 @!p0 $0x0  }
0x12: {  	s1 =	sld [smem:$0x3F9A];
	s0 =	simm.s32 @p0 $0x1  }
0x13: {  	[smem:$0x3FB5] =	sst s0;
	s0 =	simm.s32 @!p1 $0x0  }
0x14: {  	s2 =	sld [smem:$0x3F99];
	s0 =	simm.s32 @p1 $0x1  }
0x15: {  	[smem:$0x3FB6] =	sst s0;
	s0 =	simm.s32 @!p2 $0x0  }
0x16: {  	s3 =	sld [smem:$0x3FDB];
	s0 =	simm.s32 @p2 $0x1  }
0x17: {  	s4 =	simm.s32 $0x1BF5;
	[smem:$0x3FB8] =	sst s0  }
0x18: {  	s0 =	sld [smem:$0x3F9B];
	_ =	swait.ge [sflag:s4], $0x0  }
0x19: {  	s7 =	sld [smem:$0x3F9C]  }
0x1a: {  	s8 =	sadd.s32 $0xFFFFE003, lr  }
0x1b: {  	s9 =	sadd.s32 $0xFFFFFEF7, lr;
	s5 =	simm.s32 $0xFFFFFFFF;
	p2 =	slt.u32 s8, $0xFFFFF086  }
0x1c: {  	p1 =	slt.u32 s9, $0xF7A;
	s5 =	simm.s32 @!p2 $0x0  }
0x1d: {  	s5 =	simm.s32 @p1 $0x1;
	p0 =	seq.s32 s7, s2  }
0x1e: {  	s7 =	smul.u32 @!p0 $0xF7A, s2;
	p2 =	seq.s32 @!p0 s5, $0x0  }
0x1f: {  	s9 =	smul.u32 $0xF7A, s1;
	s8 =	simm.s32 @!p0 $0x1BF5;
	p2 =	por !p2, p0  }
0x20: {  	[sflag:s8] =	ssyncset.s32 @!p0 $0xFFFFF086;
	s6 =	sadd.s32 @!p0 s3, s7;
	s7 =	simm.s32 @!p0 $0x108  }
0x21: {  	s3 =	sadd.s32 s3, s9;
	s6 =	sadd.s32 @!p0 $0x88, s6;
	s7 =	simm.s32 @p2 $0x1082  }
0x22: {  	[simem:s7], [sflag:s8] =	dma.local @!p0 [hbm:s6], $0xF7A  }
0x23: {  	s9 =	sor.u32 $0xD0000000, s2;
	s6 =	simm.s32 $0x108;
	_ =	swait.ge @!p0 [sflag:s8], $0x0  }
0x24: {  	s3 =	sadd.s32 $0x88, s3;
	s6 =	simm.s32 @!p1 $0x1082;
	[sflag:s4] =	ssyncset.s32 $0xFFFFF086  }
0x25: {  	[simem:s6], [sflag:s4] =	dma.local [hbm:s3], $0xF7A  }
0x26: {  	[smem:$0x3F9C] =	sst s1;
	(tag) =	ssettag s2;
	_ =	strace s9  }
0x27: {  	s1 =	sld [smem:$0x3FAC]  }
0x28: {  	s2 =	sld [smem:$0x3FAD]  }
0x29: {  	s4 =	sld [smem:$0x3FAF]  }
0x2a: {  	p0 =	seq.s32 s5, $0x0;
	s5 =	sld [smem:$0x3FB0]  }
0x2b: {  	s6 =	sld [smem:$0x3FB1]  }
0x2c: {  	s7 =	sld [smem:$0x3FB2]  }
0x2d: {  	s3 =	simm.s32 $0x108;
	s8 =	sld [smem:$0x3FB3]  }
0x2e: {  	s3 =	simm.s32 @!p0 $0x1082;
	s9 =	sld [smem:$0x3FB4]  }
0x2f: {  	lr =	sadd.s32 s0, s3;
	s0 =	sld [smem:$0x3FAB]  }
0x30: {  	s3 =	sld [smem:$0x3FAE]  }
0x31: {  	[smem:$0x3FB7] =	sst s10  }
0x32: {  	s10 =	sld [smem:$0x3FB5];
	_ =	sdelay $0x3  }
0x33: {  	p0 =	seq.s32 s10, $0x1;
	s10 =	sld [smem:$0x3FB7];
	_ =	sdelay $0x3  }
0x34: {  	[smem:$0x3FB7] =	sst s10  }
0x35: {  	s10 =	sld [smem:$0x3FB6];
	_ =	sdelay $0x3  }
0x36: {  	p1 =	seq.s32 s10, $0x1;
	s10 =	sld [smem:$0x3FB7];
	_ =	sdelay $0x3  }
0x37: {  	[smem:$0x3FB7] =	sst s10  }
0x38: {  	s10 =	sld [smem:$0x3FB8]  }
0x39: {  	_ = 	snop;
	(pc) =	sbr.ind lr, $3  }
0x3a: {  	_ = 	snop  }
0x3b: {  	_ = 	snop  }
0x3c: {  	p2 =	seq.s32 s10, $0x1;
	s10 =	sld [smem:$0x3FB7]  }
0x3d: {  	_ =	shalt  }
0x3e: {  	_ =	shalt  }
0x3f: {  	_ =	shalt  }
0x40: {  	_ =	shalt  }
0x41: {  	_ =	shalt  }
0x42: {  	_ =	shalt  }
0x43: {  	_ =	shalt  }
0x44: {  	_ =	shalt  }
0x45: {  	_ =	shalt  }
0x46: {  	_ =	shalt  }
0x47: {  	_ =	shalt  }
0x48: {  	_ =	shalt  }
0x49: {  	_ =	shalt  }
0x4a: {  	_ =	shalt  }
0x4b: {  	_ =	shalt  }
0x4c: {  	_ =	shalt  }
0x4d: {  	_ =	shalt  }
0x4e: {  	_ =	shalt  }
0x4f: {  	_ =	shalt  }
0x50: {  	_ =	shalt  }
0x51: {  	_ =	shalt  }
0x52: {  	_ =	shalt  }
0x53: {  	_ =	shalt  }
0x54: {  	_ =	shalt  }
0x55: {  	_ =	shalt  }
0x56: {  	_ =	shalt  }
0x57: {  	_ =	shalt  }
0x58: {  	_ =	shalt  }
0x59: {  	_ =	shalt  }
0x5a: {  	_ =	shalt  }
0x5b: {  	_ =	shalt  }
0x5c: {  	_ =	shalt  }
0x5d: {  	_ =	shalt  }
0x5e: {  	_ =	shalt  }
0x5f: {  	_ =	shalt  }
0x60: {  	_ =	shalt  }
0x61: {  	_ =	shalt  }
0x62: {  	_ =	shalt  }
0x63: {  	_ =	shalt  }
0x64: {  	_ =	shalt  }
0x65: {  	_ =	shalt  }
0x66: {  	_ =	shalt  }
0x67: {  	_ =	shalt  }
0x68: {  	_ =	shalt  }
0x69: {  	_ =	shalt  }
0x6a: {  	_ =	shalt  }
0x6b: {  	_ =	shalt  }
0x6c: {  	_ =	shalt  }
0x6d: {  	_ =	shalt  }
0x6e: {  	_ =	shalt  }
0x6f: {  	_ =	shalt  }
0x70: {  	_ =	shalt  }
0x71: {  	_ =	shalt  }
0x72: {  	_ =	shalt  }
0x73: {  	_ =	shalt  }
0x74: {  	_ =	shalt  }
0x75: {  	_ =	shalt  }
0x76: {  	_ =	shalt  }
0x77: {  	_ =	shalt  }
0x78: {  	_ =	shalt  }
0x79: {  	_ =	shalt  }
0x7a: {  	_ =	shalt  }
0x7b: {  	_ =	shalt  }
0x7c: {  	_ =	shalt  }
0x7d: {  	_ =	shalt  }
0x7e: {  	_ =	shalt  }
0x7f: {  	_ =	shalt  }
0x80: {  	_ =	shalt  }
0x81: {  	_ =	shalt  }
0x82: {  	_ =	shalt  }
0x83: {  	_ =	shalt  }
0x84: {  	_ =	shalt  }
0x85: {  	_ =	shalt  }
0x86: {  	_ =	shalt  }
0x87: {  	_ =	shalt  }
.Lfunc_end0:
.L_simem_size_0:
called_computation.2_lowered:
.L_overlay_start_0:
0x88: {  	s2 =	sld [smem:$0x3FD9]  }
0x89: {  	s3 =	sld [smem:$0x3FFE];
	_ =	sdelay $0x1  }
0x8a: {  	s1 =	srdreg.scid  }
0x8b: {  	s0 =	sand.u32 $0x1, s1  }
0x8c: {  	s14 =	sshll.u32 s0, $0xA;
	s2 =	sadd.s32 s3, s2  }
0x8d: {  	s2 =	sadd.s32 s2, s14  }
0x8e: {  	[smem:$0x3FC3] =	sst s2  }
0x8f: {  	_ = 	snop  }
0x90: {  	s2 =	sld [smem:$0x3FD0];
	_ =	sdelay $0x2  }
0x91: {  	s15 =	simm.s32 $0xA;
	s4 =	simm.s32 $0x10  }
0x92: {  	[smem:s4], [sflag:s15] =	dma.local [hbm:s2], $0x1  }
0x93: {  	_ =	swait.eq [sflag:s15], $0x1  }
0x94: {  	[sflag:s15] =	ssyncset.done $0x0  }
0x95: {  	s16 =	sld [smem:$0x12];
	[sflag:s15] =	ssyncadd.s32 $0xFFFFFFFF  }
0x96: {  	s17 =	sld [smem:$0x13];
	(tm) =	ssettm $0x1  }
0x97: {  	s18 =	sld [smem:$0x3FFB];
	_ =	sdelay $0x3  }
0x98: {  	_ =	strace s18  }
0x99: {  	s4 =	sld [smem:$0x3FFC];
	_ =	sdelay $0x3  }
0x9a: {  	_ =	strace s4  }
0x9b: {  	s4 =	sld [smem:$0x3FFD];
	_ =	sdelay $0x3  }
0x9c: {  	_ =	strace s4  }
0x9d: {  	_ =	strace $0x8FFFFFFF  }
0x9e: {  	s19 =	sld [smem:$0x3FDB];
	_ =	sdelay $0x1  }
0x9f: {  	s5 =	simm.s32 $_scs_section_size  }
0xa0: {  	s6 =	simm.s32 $_size__tile_overlayer_lowered;
	s7 =	simm.s32 $_tile_overlayer_lowered  }
0xa1: {  	s22 =	simm.s32 $0x1BFF;
	s21 =	sshll.u32 s7, $0x1;
	s4 =	sadd.s32 s5, s19  }
0xa2: {  	s8 =	simm.s32 $0x0;
	s20 =	sshll.u32 s6, $0x1;
	s6 =	sadd.s32 s21, s4  }
0xa3: {  	[timem:s8], [sflag:s22] =	dma.local [hbm:s6], s20  }
0xa4: {  	_ =	swait.ge [sflag:s22], s20  }
0xa5: {  	s5 =	ssub.s32 $0x0, s20;
	[sflag:s22] =	ssyncset.done $0x0  }
0xa6: {  	[sflag:s22] =	ssyncadd.s32 s5;
	_ =	sdelay $0x1  }
0xa7: {  	s23 =	simm.s32 $0x1B8B  }
0xa8: {  	_ =	swait.ge [sflag:s23], $0x1  }
0xa9: {  	[sflag:s23] =	ssyncset.done $0x0  }
0xaa: {  	s25 =	simm.s32 $0x1B8E;
	s24 =	sld [smem:$0x3FFE];
	[sflag:s23] =	ssyncadd.s32 $0xFFFFFFFF  }
0xab: {  	s26 =	simm.s32 $execute0_lowered;
	[smem:$0x3FD2] =	sst s25  }
0xac: {  	s6 =	sshll.u32 s26, $0x1;
	_ =	strace $0x80000049;
	[dreg:$0x1] =	wrdreg $0xFFFFFFFF  }
0xad: {  	s28 =	simm.s32 $_size_execute0_lowered;
	s4 =	sadd.s32 s4, s6;
	[dreg:$0x0] =	wrdreg $0x0  }
0xae: {  	s6 =	sshll.u32 s28, $0x1;
	[dreg:$0x2] =	wrdreg s4  }
0xaf: {  	[dreg:$0x3] =	wrdreg s6  }
0xb0: {  	[dreg:$0x4] =	wrdreg $0xC0  }
0xb1: {  	_ =	task [dreg:s8], $0x5FFFF  }
0xb2: {  	[dreg:$0x1] =	wrdreg $0xFFFFFFFF  }
0xb3: {  	[dreg:$0x0] =	wrdreg $0x60  }
0xb4: {  	[dreg:$0x2] =	wrdreg s17  }
0xb5: {  	[dreg:$0x3] =	wrdreg s16  }
0xb6: {  	[dreg:$0x4] =	wrdreg s24  }
0xb7: {  	[dreg:$0x5] =	wrdreg $0x9  }
0xb8: {  	_ =	task.clear_ibuf [dreg:s8], $0x6FFFF;
	_ =	strace $0x90000049  }
0xb9: {  	s29 =	simm.s32 $0x9;
	_ =	strace $0x8000004B  }
0xba: {  	_ =	swait.ge [sflag:s29], $0x1  }
0xbb: {  	[sflag:s29] =	ssyncadd.s32 $0xFFFFFFFF  }
0xbc: {  	_ =	strace $0x9000004B  }
0xbd: {  	_ =	sfence  }
0xbe: {  	s30 =	sld [smem:$0x0];
	_ =	sdelay $0x2  }
0xbf: {  	s31 =	sshll.u32 s1, $0xD;
	s1 =	sshrl.u32 s1, $0x2  }
0xc0: {  	s3 =	sand.u32 $0x4000, s31;
	s1 =	sadd.s32 s1, s30  }
0xc1: {  	s0 =	sor.u32 s3, s0;
	s1 =	sshll.u32 s1, $0x11  }
0xc2: {  	s0 =	sor.u32 s1, s0  }
0xc3: {  	s0 =	sadd.s32 $0x8F2B, s0  }
0xc4: {  	[sflag:s0] =	ssyncadd.remote.s32 $0x1  }
0xc5: {  	_ =	sfence.sel $0xFFFF  }
0xc6: {  	[dreg:$0x0] =	wrdreg $0xFFFFFFFF;
	(pc) =	sbr.abs _section_cstart, $3  }
0xc7: {  	[dreg:$0x1] =	wrdreg $0xFFFFFFFF  }
0xc8: {  	_ =	task.clear_ibuf [dreg:s8], $0x2FFFF;
	_ =	strace $0x9FFFFFFF  }
0xc9: {  	(tm) =	ssettm $0x7FFFFFFF  }
tec
execute0_lowered:
.L_overlay_start_1:
0x0: {  	(tag) =	ssettag $0x1  }
0x1: {  	s0 =	srdreg.scid;
	s1 =	rddreg [dreg:$0x0]  }
0x2: {  	s4 =	stileid.u32;
	s8 =	rddreg [dreg:$0x1]  }
0x3: {  	s5 =	rddreg [dreg:$0x2];
	s0 =	sand.u32 $0x1, s0;
	s11 =	sand.u32 $0x7, s4  }
0x4: {  	s2 =	sshll.u32 s0, $0x4;
	p1 =	sne.s32 s11, $0x0;
	s0 =	ssub.s32 $0x2, s0  }
0x5: {  	s3 =	sor.u32 s4, s2;
	s2 =	simm.s32 @!p1 $0x0;
	s4 =	simm.s32 $0x1  }
0x6: {  	s7 =	sshrl.u32 s0, $0x1;
	p0 =	seq.s32 s3, $0x0;
	s2 =	simm.s32 @p1 $0x1  }
0x7: {  	s0 =	ssub.s32 s0, s7;
	[smem:$0x7F3] =	sst s2;
	p0 =	por !p1, !p0  }
0x8: {  	s2 =	simm.s32 $0x0;
	s0 =	smax.u32 s0, $0x1;
	p0 =	por !p0, !p0  }
0x9: {  	[smem:$0x7FF] =	sst s2;
	s4 =	simm.s32 @!p0 $0x0;
	p0 =	seq.s32 s11, $0x6  }
0xa: {  	_ =	strace $0x8000004A;
	[dreg:$0x7] =	wrdreg s0;
	s0 =	simm.s32 @!p0 $0x0  }
0xb: {  	s12 =	simm.s32 $0x0;
	s0 =	simm.s32 @p0 $0x1;
	p0 =	seq.s32 s11, $0x5  }
0xc: {  	p2 =	seq.s32 s11, $0x7;
	[smem:$0x7F4] =	sst s0;
	s0 =	simm.s32 @!p0 $0x0  }
0xd: {  	p3 =	seq.s32 s11, $0x0;
	s0 =	simm.s32 @p0 $0x1;
	p0 =	seq.s32 s11, $0x4  }
0xe: {  	p4 =	sgt.u32 s11, $0x1;
	[smem:$0x7F5] =	sst s0;
	s0 =	simm.s32 @!p0 $0x0  }
0xf: {  	s6 =	sshrl.u32 s3, $0x3;
	s0 =	simm.s32 @p0 $0x1;
	p0 =	seq.s32 s11, $0x3  }
0x10: {  	s10 =	ssub.s32 s6, s4;
	[smem:$0x7F6] =	sst s0;
	s0 =	simm.s32 @!p0 $0x0  }
0x11: {  	s4 =	sshll.u32 s11, $0xF;
	s0 =	simm.s32 @p0 $0x1;
	p0 =	seq.s32 s11, $0x2  }
0x12: {  	s6 =	sshll.u32 s10, $0x12;
	[smem:$0x7F7] =	sst s0;
	s0 =	simm.s32 @!p0 $0x0  }
0x13: {  	s9 =	sshll.u32 s10, $0xC;
	s0 =	simm.s32 @p0 $0x1;
	p0 =	seq.s32 s11, $0x1  }
0x14: {  	s31 =	smul.u32 $0x680, s10;
	[smem:$0x7F8] =	sst s0;
	s0 =	simm.s32 @!p0 $0x0  }
0x15: {  	s6 =	sor.u32 s4, s6;
	s0 =	simm.s32 @p0 $0x1;
	p0 =	sgt.u32 s11, $0x5  }
0x16: {  	s30 =	sand.u32 $0x1FFFF000, s9;
	[smem:$0x7F9] =	sst s0;
	s0 =	simm.s32 @!p0 $0x0  }
0x17: {  	[dreg:$0x8] =	wrdreg s31;
	s0 =	simm.s32 @p0 $0x1;
	p0 =	sgt.u32 s11, $0x4  }
0x18: {  	s29 =	sshrl.u32 s6, $0x3;
	[smem:$0x7FA] =	sst s0;
	s0 =	simm.s32 @!p0 $0x0  }
0x19: {  	s1 =	sadd.s32 s1, s29;
	s0 =	simm.s32 @p0 $0x1;
	p0 =	sgt.u32 s11, $0x3  }
.Ltmp0:
0x1a: {  	[smem:$0x7FB] =	sst s0;
	s0 =	simm.s32 @!p0 $0x0;
	(pc) =	sbr.rel .LBB2_1-.Ltmp0, $4  }
0x1b: {  	v0 =	vlaneseq.u32;
	[dreg:$0x5] =	wrdreg s1;
	s0 =	simm.s32 @p0 $0x1;
	p0 =	sgt.u32 s11, $0x2  }
0x1c: {  	v1 =	vmul.u32 $0xFFFFFFFF, v0;
	s1 =	sadd.s32 s8, s30;
	[smem:$0x7FC] =	sst s0;
	s0 =	simm.s32 @!p0 $0x0  }
0x1d: {  	s3 =	sadd.s32 $0x201200, s5;
	[dreg:$0x6] =	wrdreg s1;
	s0 =	simm.s32 @p0 $0x1  }
0x1e: {  	v2 =	vimm.s32 $0x0;
	v3 =	vimm.f32 $-1.000000000e+00;
	v1 =	vadd.s32 $0xF, v1;
	s5 =	sadd.s32 $0x200E00, s5;
	s6 =	simm.s32 $0x1;
	[smem:$0x7FD] =	sst s0  }
.LBB2_12:
0x1f: {  	s0 =	sadd.s32 @!p5 s13, s1;
	p1 =	por p5, p5  }
0x20: {  	[sflag:s11] =	ssyncadd.s32 @!p0 $0xFFFFFFC0;
	s0 =	sshrl.u32 @!p1 s0, $0x3;
	s1 =	simm.s32 @!p1 $0x1  }
0x21: {  	s7 =	simm.s32 @!p1 $0x0;
	s8 =	simm.s32 @!p1 $0x10000;
	s0 =	sadd.s32 @!p1 s3, s0  }
0x22: {  	[hbm4b:s0+s7] =	stream.linear.scatter @!p1 [tilespmem:s8], [sflag:$0x1], $0x40, $0x38;
	[tilespmem:$0x10E00] =	vst v63  }
0x23: {  	_ =	swait.ge @!p1 [sflag:s1], $0x40  }
0x24: {  	[sflag:s1] =	ssyncset.done @!p1 $0x0  }
0x25: {  	[sflag:s1] =	ssyncadd.s32 @!p1 $0xFFFFFFC0  }
.LBB2_13:
0x26: {  	s12 =	sadd.s32 $0x1, s12;
	s0 =	rddreg [dreg:$0x7]  }
0x27: {  	p0 =	sne.s32 s12, s0  }
.Ltmp1:
0x28: {  	_ = 	snop;
	(pc) =	sbr.rel @!p0 .LBB2_14-.Ltmp1, $1  }
0x29: {  	_ =	sdelay $0x3  }
.LBB2_1:
0x2a: {  	s0 =	rddreg [dreg:$0x5]  }
0x2b: {  	[tilespmem:s2], [sflag:$0x1] =	stream.linear.gather [hbm4b:s0+s2], $0x8000, $0x38;
	[tilespmem:$0x10E00] =	vst v63  }
0x2c: {  	_ =	swait.ge [sflag:s6], $0x8000  }
0x2d: {  	[sflag:s6] =	ssyncset.done $0x0  }
0x2e: {  	s1 =	simm.s32 $0x8000;
	s28 =	rddreg [dreg:$0x6];
	[sflag:s6] =	ssyncadd.s32 $0xFFFF8000  }
0x2f: {  	[tilespmem:s1], [sflag:$0x1] =	stream.linear.gather [hbm4b:s28+s2], $0x8000, $0x38;
	[tilespmem:$0x10E00] =	vst v63  }
0x30: {  	s29 =	simm.s32 $0xFF0;
	s30 =	simm.s32 $0x7F80;
	_ =	swait.ge [sflag:s6], $0x8000  }
0x31: {  	s0 =	sand.u32 $0x70, s29;
	s1 =	sand.u32 $0x7C00, s30;
	[sflag:s6] =	ssyncset.done $0x0  }
0x32: {  	s0 =	sor.u32 s0, s1;
	[sflag:s6] =	ssyncadd.s32 $0xFFFF8000  }
0x33: {  	v4 =	vld [tilespmem:s0+$0x8100]  }
0x34: {  	v5 =	vld [tilespmem:s0+$0x8000]  }
0x35: {  	v6 =	vld [tilespmem:s0+$0x8080]  }
0x36: {  	s31 =	simm.s32 $0xFF0;
	v7 =	vld [tilespmem:s0+$0x8180]  }
0x37: {  	s11 =	simm.s32 $0xFE0;
	s13 =	simm.s32 $0x7F00;
	s1 =	sand.u32 $0x70, s31;
	v8 =	vld [tilespmem:s0+$0x8200]  }
0x38: {  	s9 =	simm.s32 $0xFD0;
	s10 =	simm.s32 $0x7E80;
	s1 =	sadd.s32 $0x7F80, s1;
	v9 =	vld [tilespmem:s0+$0x8280]  }
0x39: {  	s11 =	sand.u32 $0x70, s11;
	s13 =	sand.u32 $0x7C00, s13;
	s1 =	sor.u32 $0x380, s1;
	v10 =	vld [tilespmem:s0+$0x8300]  }
0x3a: {  	s7 =	sor.u32 s11, s13;
	s11 =	sand.u32 $0x70, s9;
	s13 =	sand.u32 $0x7C00, s10;
	v11 =	vld [tilespmem:s1+$0x8000]  }
0x3b: {  	s13 =	sor.u32 s11, s13;
	v12 =	vld [tilespmem:s7+$0x8100]  }
0x3c: {  	v13 =	vld [tilespmem:s13+$0x8000]  }
0x3d: {  	v56 =	vld [tilespmem:s13+$0x8100]  }
0x3e: {  	v5 =	vadd.s32 v5, v6;
	v6 =	vld [tilespmem:s7+$0x8000]  }
0x3f: {  	v4 =	vadd.s32 v4, v5;
	v5 =	vld [tilespmem:s7+$0x8080]  }
0x40: {  	v4 =	vadd.s32 v7, v4;
	v7 =	vld [tilespmem:s7+$0x8180]  }
0x41: {  	s8 =	simm.s32 $0xFE0;
	v4 =	vadd.s32 v8, v4;
	v8 =	vld [tilespmem:s7+$0x8200]  }
0x42: {  	s0 =	sand.u32 $0x70, s8;
	v4 =	vadd.s32 v9, v4;
	v9 =	vld [tilespmem:s7+$0x8280]  }
0x43: {  	s0 =	sadd.s32 $0x7F00, s0;
	v4 =	vadd.s32 v10, v4;
	v10 =	vld [tilespmem:s7+$0x8300]  }
0x44: {  	s0 =	sor.u32 $0x380, s0;
	v5 =	vadd.s32 v6, v5;
	v6 =	vld [tilespmem:s13+$0x8080]  }
0x45: {  	v4 =	vadd.s32 v11, v4;
	v11 =	vld [tilespmem:s0+$0x8000];
	v5 =	vadd.s32 v12, v5  }
0x46: {  	s14 =	simm.s32 $0xFD0;
	v5 =	vadd.s32 v7, v5;
	v7 =	vld [tilespmem:s13+$0x8180]  }
0x47: {  	s0 =	sand.u32 $0x70, s14;
	(xrf0) =	vadd.scan.msk.s32 $0xffff, v4;
	v5 =	vadd.s32 v8, v5;
	v8 =	vld [tilespmem:s13+$0x8200]  }
0x48: {  	v4 =	vperm.xlane v4, v1;
	s0 =	sadd.s32 $0x7E80, s0;
	v5 =	vadd.s32 v9, v5;
	v9 =	vld [tilespmem:s13+$0x8280]  }
0x49: {  	s0 =	sor.u32 $0x380, s0;
	v5 =	vadd.s32 v10, v5;
	v6 =	vadd.s32 v13, v6;
	v10 =	vld [tilespmem:s13+$0x8300]  }
0x4a: {  	(xrf0) =	vadd.scan.msk.s32 $0xffff, v4;
	v4 =	vadd.s32 v56, v6;
	v6 =	vld [tilespmem:s0+$0x8000]  }
0x4b: {  	s15 =	simm.s32 $0xFC0;
	s16 =	simm.s32 $0x7E00;
	v4 =	vadd.s32 v7, v4  }
0x4c: {  	s1 =	sand.u32 $0x7C00, s16;
	s0 =	sand.u32 $0x70, s15;
	v4 =	vadd.s32 v8, v4  }
0x4d: {  	v14, _, _ =	vpop (xrf0);
	s0 =	sor.u32 s0, s1;
	v4 =	vadd.s32 v9, v4  }
0x4e: {  	(v2sf) =	vpush v14, $0xF;
	v8 =	vld [tilespmem:s0+$0x8000];
	v4 =	vadd.s32 v10, v4  }
0x4f: {  	v5 =	vadd.s32 v11, v5;
	v4 =	vadd.s32 v6, v4;
	v6 =	vld [tilespmem:s0+$0x8080]  }
0x50: {  	(xrf0) =	vadd.scan.msk.s32 $0xffff, v5;
	v5 =	vperm.xlane v5, v1;
	v7 =	vld [tilespmem:s0+$0x8100]  }
0x51: {  	s18 =	simm.s32 $0xFB0;
	s19 =	simm.s32 $0x7D80  }
0x52: {  	s11 =	sand.u32 $0x70, s18;
	s13 =	sand.u32 $0x7C00, s19;
	v10 =	vld [tilespmem:s0+$0x8180]  }
0x53: {  	s21 =	sor.u32 s11, s13  }
0x54: {  	(xrf0) =	vadd.scan.msk.s32 $0xffff, v5;
	v5, _, _ =	vpop (xrf0);
	v6 =	vadd.s32 v8, v6;
	v8 =	vld [tilespmem:s21+$0x8000]  }
0x55: {  	v5 =	vadd.s32 s2, v5;
	v6 =	vadd.s32 v7, v6;
	v7 =	vld [tilespmem:s21+$0x8080]  }
0x56: {  	v15 =	vld [tilespmem:s21+$0x8100];
	vm0 =	vgt.s32 v5, $0x3FF  }
0x57: {  	s17 =	simm.s32 $0xFC0;
	v11 =	vld [tilespmem:s0+$0x8280];
	(xrf0) =	vadd.scan.msk.s32 $0xffff, v4;
	v9, _, _ =	vpop (xrf0);
	v5 =	vadd.s32 v10, v6;
	v10 =	vsel vm0, $0x1, v2  }
0x58: {  	s1 =	sand.u32 $0x70, s17;
	(v2sf) =	vpush v9, $0xF;
	v9 =	vld [tilespmem:s0+$0x8200];
	(xrf0) =	vadd.scan.msk.s32 $0xffff, v10  }
0x59: {  	s1 =	sadd.s32 $0x7E00, s1;
	v6 =	vld [tilespmem:s21+$0x8180]  }
0x5a: {  	v57 =	vld [tilespmem:s0+$0x8300];
	s20 =	sor.u32 $0x380, s1;
	v7 =	vadd.s32 v8, v7  }
0x5b: {  	v58 =	vld [tilespmem:s20+$0x8000];
	v7 =	vadd.s32 v15, v7  }
0x5c: {  	v59, _, _ =	vpop (xrf0)  }
0x5d: {  	v4 =	vperm.xlane v4, v1;
	v16, _, _ =	vpop (xrf0);
	v5 =	vadd.s32 v9, v5;
	s22 =	spop (v2sf)  }
0x5e: {  	(v2sf) =	vpush v16, $0xF;
	v5 =	vadd.s32 v11, v5;
	s0 =	sadd.s32 $0x0, s22;
	v6 =	vadd.s32 v6, v7;
	v7, _, _ =	vpop (xrf0)  }
0x5f: {  	s24 =	simm.s32 $0xFA0;
	s14 =	simm.s32 $0x7D00;
	v5 =	vadd.s32 v57, v5;
	v11 =	vadd.s32 s0, v59;
	(v2sf) =	vpush v7, $0xF  }
0x60: {  	s14 =	sand.u32 $0x7C00, s14;
	s13 =	sand.u32 $0x70, s24;
	(xrf0) =	vadd.scan.msk.s32 $0xffff, v4;
	v5 =	vadd.s32 v58, v5;
	vm14 =	vgt.s32 v11, $0x3FF  }
0x61: {  	s23 =	simm.s32 $0xFB0;
	s26 =	sor.u32 s13, s14;
	v9 =	vld [tilespmem:s21+$0x8200];
	(xrf0) =	vadd.scan.msk.s32 $0xffff, v5;
	v60 =	vsel vm14, $0x1, v2  }
0x62: {  	s11 =	sand.u32 $0x70, s23;
	v61 =	vld [tilespmem:s26+$0x8080];
	(xrf0) =	vadd.scan.msk.s32 $0xffff, v60  }
0x63: {  	s11 =	sadd.s32 $0x7D80, s11;
	v10 =	vld [tilespmem:s21+$0x8280];
	v5 =	vperm.xlane v5, v1  }
0x64: {  	s25 =	sor.u32 $0x380, s11;
	v4 =	vld [tilespmem:s21+$0x8300]  }
0x65: {  	v11 =	vld [tilespmem:s25+$0x8000]  }
0x66: {  	p5 =	por $0x0, $0x0;
	s18 =	simm.s32 $0xFCF;
	s30 =	simm.s32 $0xF90;
	v8 =	vld [tilespmem:s26+$0x8000];
	v6 =	vadd.s32 v9, v6;
	v9, _, _ =	vpop (xrf0)  }
0x67: {  	s31 =	simm.s32 $0x7C80;
	s16 =	simm.s32 $0xF9F;
	v62 =	vld [tilespmem:s26+$0x8100];
	s28 =	spop (v2sf);
	(xrf0) =	vadd.scan.msk.s32 $0xffff, v5;
	v5, _, _ =	vpop (xrf0)  }
0x68: {  	s19 =	simm.s32 $0xFEF;
	v63 =	vld [tilespmem:s26+$0x8180];
	s22 =	simm.s32 $0xFA0;
	v10 =	vadd.s32 v10, v6;
	s21 =	sadd.s32 s0, s28;
	(v2sf) =	vpush v5, $0xF;
	v5, _, _ =	vpop (xrf0)  }
0x69: {  	s15 =	simm.s32 $0xF8F;
	s23 =	sand.u32 $0x70, s30;
	s29 =	sand.u32 $0x70, s22;
	v6 =	vld [tilespmem:s26+$0x8200];
	v4 =	vadd.s32 v4, v10;
	v9 =	vadd.s32 s21, v9;
	(v2sf) =	vpush v5, $0xF  }
0x6a: {  	s17 =	simm.s32 $0xFBF;
	s13 =	simm.s32 $0xFAF;
	v7 =	vld [tilespmem:s26+$0x8280];
	s0 =	sadd.s32 $0x7D00, s29;
	v4 =	vadd.s32 v11, v4;
	vm15 =	vgt.s32 v9, $0x3FF  }
0x6b: {  	s14 =	sand.u32 $0x7C00, s31;
	s11 =	simm.s32 $0xF7F;
	s24 =	sor.u32 $0x380, s0;
	v9 =	vadd.s32 v8, v61;
	v8 =	vld [tilespmem:s26+$0x8300];
	v10 =	vsel vm15, $0x1, v2;
	(xrf0) =	vadd.scan.msk.s32 $0xffff, v4  }
0x6c: {  	s1 =	simm.s32 $0x7D00;
	s20 =	simm.s32 $0xFDF;
	s0 =	sor.u32 s23, s14;
	v11 =	vadd.s32 v62, v9;
	v9 =	vld [tilespmem:s24+$0x8000];
	(xrf0) =	vadd.scan.msk.s32 $0xffff, v10  }
0x6d: {  	s23 =	simm.s32 $0xFFFFFD00;
	s14 =	simm.s32 $0x0;
	s24 =	spop (v2sf);
	v5 =	vperm.xlane v4, v1;
	v4 =	vld [tilespmem:s0+$0x8100];
	v10 =	vadd.s32 v63, v11  }
.LBB2_2:
0x6e: {  	s21 =	sadd.s32 s21, s24;
	s24 =	spop (v2sf)  }
0x6f: {  	s25 =	smov.u32 s16;
	s16 =	smov.u32 s15;
	s15 =	smov.u32 s11  }
0x70: {  	v11 =	vld [tilespmem:s0+$0x8000];
	v6 =	vadd.s32 v6, v10;
	v10, _, _ =	vpop (xrf0);
	s26 =	sadd.s32 $0xFFFFFFF0, s11;
	s22 =	sadd.s32 $0xFFFFFFF0, s22;
	s1 =	sadd.s32 $0xFFFFFF80, s1  }
0x71: {  	p0 =	sne.s32 s11, $0xFFFFFFFF;
	v12 =	vld [tilespmem:s0+$0x8080];
	v6 =	vadd.s32 v7, v6;
	v7, _, _ =	vpop (xrf0);
	v10 =	vadd.s32 s21, v10;
	s19 =	sadd.s32 s19, s24;
	p6 =	sgt.s32 s24, $0x0  }
0x72: {  	s23 =	sadd.s32 $0xFFFFFF80, s23;
	v6 =	vadd.s32 v8, v6;
	(v2sf) =	vpush v7, $0xF;
	vm0 =	vgt.s32 v10, $0x3FF;
	v7, _, _ =	vpop (xrf0);
	s19 =	smov.u32 @p5 s14;
	p5 =	por p5, p6  }
0x73: {  	s11 =	sand.u32 $0x70, s22;
	v10 =	vld [tilespmem:s0+$0x8180];
	v8 =	vadd.s32 v9, v6;
	(xrf0) =	vadd.scan.msk.s32 $0xffff, v5;
	v9 =	vsel vm0, $0x1, v2;
	(v2sf) =	vpush v7, $0xF;
	s14 =	smov.u32 @p6 s19;
	s19 =	smov.u32 s20  }
.Ltmp2:
0x74: {  	s24 =	sadd.s32 $0x7F80, s23;
	s20 =	sadd.s32 $0x1, s15;
	v6 =	vld [tilespmem:s0+$0x8200];
	v5 =	vperm.xlane v8, v1;
	(xrf0) =	vadd.scan.msk.s32 $0xffff, v8;
	(pc) =	sbr.rel @p0 .LBB2_2-.Ltmp2, $4  }
0x75: {  	s11 =	sadd.s32 s11, s1;
	s24 =	sand.u32 $0x7C00, s24;
	s20 =	sand.u32 $0x70, s20;
	v7 =	vld [tilespmem:s0+$0x8280];
	(xrf0) =	vadd.scan.msk.s32 $0xffff, v9  }
0x76: {  	s11 =	sor.u32 $0x380, s11;
	v9 =	vadd.s32 v11, v12;
	v8 =	vld [tilespmem:s0+$0x8300];
	s0 =	sor.u32 s20, s24  }
0x77: {  	s20 =	smov.u32 s18;
	s18 =	smov.u32 s17;
	s17 =	smov.u32 s13;
	v11 =	vadd.s32 v4, v9;
	v9 =	vld [tilespmem:s11+$0x8000]  }
0x78: {  	s13 =	smov.u32 s25;
	s11 =	smov.u32 s26;
	v4 =	vld [tilespmem:s0+$0x8100];
	v10 =	vadd.s32 v10, v11;
	s24 =	spop (v2sf)  }
0x79: {  	v6 =	vadd.s32 v6, v10  }
0x7a: {  	v6 =	vadd.s32 v7, v6  }
0x7b: {  	v6 =	vadd.s32 v8, v6  }
0x7c: {  	(xrf0) =	vadd.scan.msk.s32 $0xffff, v5;
	v6 =	vadd.s32 v9, v6  }
0x7d: {  	v7, _, _ =	vpop (xrf0);
	(xrf0) =	vadd.scan.msk.s32 $0xffff, v6  }
0x7e: {  	v9, _, _ =	vpop (xrf0)  }
0x7f: {  	v5 =	vld [tilespmem:s0+$0x8000];
	(v2sf) =	vpush v9, $0xF  }
0x80: {  	v8 =	vld [tilespmem:s0+$0x8080]  }
0x81: {  	v9, _, _ =	vpop (xrf0)  }
0x82: {  	s11 =	sadd.s32 $0xFFFFFFF0, s22;
	v10 =	vld [tilespmem:s0+$0x8180];
	v11, _, _ =	vpop (xrf0)  }
0x83: {  	s1 =	sadd.s32 $0xFFFFFF80, s1;
	s11 =	sand.u32 $0x70, s11;
	(v2sf) =	vpush v9, $0xF;
	v9 =	vld [tilespmem:s0+$0x8200];
	v12, _, _ =	vpop (xrf0)  }
0x84: {  	v13 =	vld [tilespmem:s0+$0x8280];
	s24 =	sadd.s32 s21, s24;
	s1 =	sadd.s32 s11, s1;
	(v2sf) =	vpush v12, $0xF  }
0x85: {  	v7 =	vadd.s32 s24, v7;
	s23 =	sor.u32 $0x380, s1;
	v5 =	vadd.s32 v5, v8;
	v8 =	vld [tilespmem:s0+$0x8300]  }
0x86: {  	vm0 =	vgt.s32 v7, $0x3FF;
	v4 =	vadd.s32 v4, v5;
	v5 =	vld [tilespmem:s23+$0x8000]  }
0x87: {  	s25 =	spop (v2sf);
	v7 =	vsel vm0, $0x1, v2;
	v6 =	vperm.xlane v6, v1;
	v4 =	vadd.s32 v10, v4  }
0x88: {  	(xrf0) =	vadd.scan.msk.s32 $0xffff, v7;
	s26 =	spop (v2sf);
	v4 =	vadd.s32 v9, v4  }
0x89: {  	s1 =	sadd.s32 s24, s26;
	(xrf0) =	vadd.scan.msk.s32 $0xffff, v6;
	v4 =	vadd.s32 v13, v4  }
0x8a: {  	v7 =	vadd.s32 s1, v11;
	v4 =	vadd.s32 v8, v4  }
0x8b: {  	vm0 =	vgt.s32 v7, $0x3FF;
	v4 =	vadd.s32 v5, v4  }
0x8c: {  	v5 =	vsel vm0, $0x1, v2;
	v6 =	vperm.xlane v4, v1;
	(xrf0) =	vadd.scan.msk.s32 $0xffff, v4  }
0x8d: {  	s7 =	spop (v2sf);
	(xrf0) =	vadd.scan.msk.s32 $0xffff, v5  }
0x8e: {  	(xrf0) =	vadd.scan.msk.s32 $0xffff, v6;
	v4, _, _ =	vpop (xrf0);
	s8 =	spop (v2sf)  }
0x8f: {  	v5, _, _ =	vpop (xrf0);
	s1 =	sadd.s32 s1, s8  }
0x90: {  	v5 =	vadd.s32 s1, v5;
	_ =	sdelay $0x1  }
0x91: {  	s9 =	spop (v2sf);
	v6, _, _ =	vpop (xrf0)  }
0x92: {  	vm0 =	vgt.s32 v5, $0x3FF;
	v5, _, _ =	vpop (xrf0);
	s10 =	spop (v2sf)  }
0x93: {  	v7 =	vsel vm0, $0x1, v2;
	v8, _, _ =	vpop (xrf0);
	s1 =	sadd.s32 s1, s10  }
0x94: {  	(xrf0) =	vadd.scan.msk.s32 $0xffff, v7;
	v7 =	vadd.s32 s1, v8  }
0x95: {  	(v2sf) =	vpush v4, $0xF;
	vm0 =	vgt.s32 v7, $0x3FF  }
0x96: {  	v4 =	vsel vm0, $0x1, v2  }
0x97: {  	(v2sf) =	vpush v6, $0xF;
	(xrf0) =	vadd.scan.msk.s32 $0xffff, v4  }
0x98: {  	(v2sf) =	vpush v5, $0xF;
	_ =	sdelay $0x2  }
0x99: {  	v4, _, _ =	vpop (xrf0)  }
0x9a: {  	(v2sf) =	vpush v4, $0xF  }
0x9b: {  	v4, _, _ =	vpop (xrf0)  }
0x9c: {  	(v2sf) =	vpush v4, $0xF  }
0x9d: {  	s1 =	sadd.s32 s19, s25  }
0x9e: {  	p0 =	sgt.s32 s25, $0x0;
	s1 =	smov.u32 @p5 s14  }
0x9f: {  	s0 =	sadd.s32 s20, s7;
	p5 =	por p5, p0;
	s14 =	smov.u32 @p0 s1  }
0xa0: {  	p0 =	sgt.s32 s7, $0x0;
	s0 =	smov.u32 @p5 s14  }
0xa1: {  	p5 =	por p5, p0;
	s14 =	smov.u32 @p0 s0;
	s0 =	sadd.s32 s18, s9  }
0xa2: {  	p0 =	sgt.s32 s9, $0x0;
	s0 =	smov.u32 @p5 s14;
	s18 =	spop (v2sf)  }
0xa3: {  	p5 =	por p5, p0;
	s14 =	smov.u32 @p0 s0;
	s0 =	sadd.s32 s17, s18  }
0xa4: {  	p0 =	sgt.s32 s18, $0x0;
	s19 =	spop (v2sf);
	s0 =	smov.u32 @p5 s14  }
0xa5: {  	p5 =	por p5, p0;
	s14 =	smov.u32 @p0 s0;
	s20 =	spop (v2sf)  }
0xa6: {  	s0 =	sadd.s32 s13, s20;
	p0 =	sgt.s32 s20, $0x0;
	s13 =	simm.s32 $0x0  }
0xa7: {  	s0 =	smov.u32 @p5 s14;
	p5 =	por p5, p0;
	s11 =	sand.u32 $0x7, s13  }
0xa8: {  	s24 =	sand.u32 $0x7C00, s13;
	s25 =	sand.u32 $0x70, s13;
	s22 =	sshll.u32 s11, $0x4  }
0xa9: {  	s14 =	smov.u32 @p0 s0;
	s1 =	sadd.s32 $0x0, s22;
	s21 =	spop (v2sf)  }
0xaa: {  	s26 =	sor.u32 s25, s24;
	s1 =	sor.u32 $0x380, s1;
	s0 =	sadd.s32 s16, s21  }
0xab: {  	p0 =	sgt.s32 s21, $0x0;
	s0 =	smov.u32 @p5 s14;
	s23 =	spop (v2sf)  }
0xac: {  	v5 =	vld [tilespmem:s1+$0x8000];
	p5 =	por p5, p0;
	s14 =	smov.u32 @p0 s0;
	s0 =	sadd.s32 s15, s23  }
0xad: {  	v6 =	vld [tilespmem:s26+$0x8000];
	p0 =	sgt.s32 s23, $0x0;
	s0 =	smov.u32 @p5 s14  }
0xae: {  	s14 =	smov.u32 @p0 s0  }
0xaf: {  	v7 =	vor.u32 s13, v0;
	v4 =	vmov s14  }
0xb0: {  	vm0 =	vlt.s32 v7, v4;
	v7 =	vld [tilespmem:s26+$0x8100]  }
0xb1: {  	v8 =	vld [tilespmem:s26+$0x8080];
	v5 =	vsel vm0, $0x0, v5  }
0xb2: {  	(xrf0) =	vadd.scan.msk.s32 $0xffff, v5;
	v5 =	vsel vm0, $0x0, v6  }
0xb3: {  	(xrf0) =	vadd.scan.msk.s32 $0xffff, v5;
	_ =	sdelay $0x1  }
0xb4: {  	v6 =	vsel vm0, $0x0, v7  }
0xb5: {  	s16 =	simm.s32 $0x1;
	v5 =	vsel vm0, $0x0, v8  }
0xb6: {  	s7 =	sand.u32 $0x7, s16;
	(xrf0) =	vadd.scan.msk.s32 $0xffff, v5;
	v5 =	vld [tilespmem:s26+$0x8180]  }
0xb7: {  	s0 =	sshll.u32 s7, $0x4;
	v7 =	vld [tilespmem:s26+$0x8200];
	(xrf0) =	vadd.scan.msk.s32 $0xffff, v6;
	v6, _, _ =	vpop (xrf0)  }
0xb8: {  	s8 =	simm.s32 $0x80;
	s9 =	simm.s32 $0x10;
	s0 =	sadd.s32 $0x80, s0;
	v8 =	vld [tilespmem:s26+$0x8280];
	(v2sf) =	vpush v6, $0xF;
	v6, _, _ =	vpop (xrf0)  }
0xb9: {  	s10 =	sand.u32 $0x70, s9;
	s11 =	sand.u32 $0x7C00, s8;
	s0 =	sor.u32 $0x380, s0;
	(v2sf) =	vpush v6, $0xF;
	v6 =	vld [tilespmem:s26+$0x8300]  }
0xba: {  	s17 =	sor.u32 s10, s11;
	v10 =	vld [tilespmem:s0+$0x8000]  }
0xbb: {  	v11 =	vld [tilespmem:s17+$0x8000];
	v5 =	vsel vm0, $0x0, v5  }
0xbc: {  	v7 =	vsel vm0, $0x0, v7;
	(xrf0) =	vadd.scan.msk.s32 $0xffff, v5;
	v5 =	vld [tilespmem:s17+$0x8080]  }
0xbd: {  	v8 =	vsel vm0, $0x0, v8;
	(xrf0) =	vadd.scan.msk.s32 $0xffff, v7;
	v7 =	vor.u32 s9, v0  }
0xbe: {  	v9, _, _ =	vpop (xrf0);
	(xrf0) =	vadd.scan.msk.s32 $0xffff, v8;
	v6 =	vsel vm0, $0x0, v6;
	vm0 =	vlt.s32 v7, v4  }
0xbf: {  	(v2sf) =	vpush v9, $0xF;
	(xrf0) =	vadd.scan.msk.s32 $0xffff, v6;
	v6 =	vsel vm0, $0x0, v10  }
0xc0: {  	v9, _, _ =	vpop (xrf0);
	(xrf0) =	vadd.scan.msk.s32 $0xffff, v6;
	v6 =	vsel vm0, $0x0, v11  }
0xc1: {  	s18 =	sand.u32 $0xF, s14;
	(v2sf) =	vpush v9, $0xF;
	v9 =	vld [tilespmem:s17+$0x8100];
	v5 =	vsel vm0, $0x0, v5  }
0xc2: {  	s19 =	sshra.s32 s14, $0x1F;
	p0 =	slt.s32 s14, $0x1;
	p6 =	sne.s32 s18, $0x0;
	v7 =	vld [tilespmem:s17+$0x8180]  }
0xc3: {  	s20 =	sshrl.u32 s19, $0x1C;
	p0 =	por !p0, !p6;
	v8 =	vld [tilespmem:s17+$0x8200];
	(xrf0) =	vadd.scan.msk.s32 $0xffff, v6;
	v6, _, _ =	vpop (xrf0)  }
0xc4: {  	s11 =	simm.s32 $0x1;
	s1 =	sadd.s32 s20, s14;
	p0 =	por !p0, !p0;
	v10 =	vld [tilespmem:s17+$0x8280];
	(xrf0) =	vadd.scan.msk.s32 $0xffff, v5;
	v5, _, _ =	vpop (xrf0);
	(v2sf) =	vpush v6, $0xF  }
0xc5: {  	s14 =	simm.s32 $0x2;
	s1 =	sshra.s32 s1, $0x4;
	s11 =	simm.s32 @!p0 $0x0;
	v6, _, _ =	vpop (xrf0);
	(v2sf) =	vpush v5, $0xF  }
0xc6: {  	s21 =	sand.u32 $0x7, s14;
	s1 =	ssub.s32 s1, s11;
	v9 =	vsel vm0, $0x0, v9;
	v5, _, _ =	vpop (xrf0);
	(v2sf) =	vpush v6, $0xF  }
0xc7: {  	[dreg:$0x4] =	wrdreg s1;
	s1 =	sshll.u32 s21, $0x4;
	v7 =	vsel vm0, $0x0, v7;
	(xrf0) =	vadd.scan.msk.s32 $0xffff, v9;
	v6, _, _ =	vpop (xrf0);
	(v2sf) =	vpush v5, $0xF  }
0xc8: {  	s28 =	simm.s32 $0x100;
	s31 =	simm.s32 $0x4;
	s1 =	sadd.s32 $0x100, s1;
	v8 =	vsel vm0, $0x0, v8;
	(xrf0) =	vadd.scan.msk.s32 $0xffff, v7;
	v7 =	vld [tilespmem:s17+$0x8300];
	(v2sf) =	vpush v6, $0xF  }
0xc9: {  	s23 =	sand.u32 $0x7C00, s28;
	s24 =	sor.u32 $0x380, s1;
	s26 =	simm.s32 $0x20;
	v9 =	vsel vm0, $0x0, v10;
	(xrf0) =	vadd.scan.msk.s32 $0xffff, v8  }
0xca: {  	s15 =	simm.s32 $0x3;
	s19 =	simm.s32 $0x0;
	s25 =	sand.u32 $0x70, s26;
	v10 =	vld [tilespmem:s24+$0x8000];
	(xrf0) =	vadd.scan.msk.s32 $0xffff, v9  }
0xcb: {  	s18 =	simm.s32 $0x0;
	s20 =	simm.s32 $0x0;
	s1 =	sor.u32 s25, s23;
	v5, _, _ =	vpop (xrf0)  }
0xcc: {  	s11 =	sand.u32 $0x7, s15;
	s22 =	rddreg [dreg:$0x4];
	s0 =	spop (v2sf);
	v6 =	vld [tilespmem:s1+$0x8000];
	v8, _, _ =	vpop (xrf0)  }
0xcd: {  	s21 =	simm.s32 $0x0;
	p5 =	sgt.s32 s22, $0x0;
	v9 =	vor.u32 s26, v0;
	s29 =	spop (v2sf);
	(v2sf) =	vpush v5, $0xF;
	v5 =	vld [tilespmem:s1+$0x8080];
	v11, _, _ =	vpop (xrf0);
	v7 =	vsel vm0, $0x0, v7  }
0xce: {  	s22 =	simm.s32 $0x0;
	s0 =	simm.s32 @p5 $0x0;
	s30 =	spop (v2sf);
	vm0 =	vlt.s32 v9, v4;
	(v2sf) =	vpush v8, $0xF;
	v8 =	vld [tilespmem:s1+$0x8100];
	v63, _, _ =	vpop (xrf0);
	(xrf0) =	vadd.scan.msk.s32 $0xffff, v7  }
0xcf: {  	s23 =	simm.s32 $0x0;
	s24 =	simm.s32 $0x0;
	s17 =	sadd.s32 $0x0, s0;
	v9 =	vld [tilespmem:s1+$0x8180];
	v7 =	vsel vm0, $0x0, v10;
	(v2sf) =	vpush v11, $0xF;
	v11, _, _ =	vpop (xrf0)  }
0xd0: {  	s29 =	simm.s32 @p5 $0x0;
	s0 =	simm.s32 $0x3;
	s25 =	spop (v2sf);
	(xrf0) =	vadd.scan.msk.s32 $0xffff, v7;
	v7 =	vld [tilespmem:s1+$0x8200];
	(v2sf) =	vpush v63, $0xF;
	v10, _, _ =	vpop (xrf0)  }
.LBB2_4:
0xd1: {  	p0 =	seq.s32 s31, $0xFF;
	s7 =	sshll.u32 s11, $0x4  }
0xd2: {  	s28 =	sadd.s32 $0x80, s28;
	s11 =	smov.u32 s14;
	s14 =	smov.u32 s15  }
0xd3: {  	v12 =	vld [tilespmem:s1+$0x8280];
	s15 =	smov.u32 s31;
	p6 =	por p5, p5;
	s9 =	spop (v2sf);
	v6 =	vsel vm0, $0x0, v6  }
0xd4: {  	(v2sf) =	vpush v11, $0xF;
	v13 =	vld [tilespmem:s1+$0x8300];
	s24 =	sadd.s32 s24, s29;
	s26 =	sadd.s32 $0x10, s26;
	s7 =	sadd.s32 s7, s28;
	v11, _, _ =	vpop (xrf0);
	v14 =	vsel vm0, $0x0, v5;
	(xrf0) =	vadd.scan.msk.s32 $0xffff, v6  }
0xd5: {  	s0 =	sadd.s32 $0x1, s0;
	s31 =	sadd.s32 $0x1, s31;
	(v2sf) =	vpush v10, $0xF;
	s1 =	sor.u32 $0x380, s7;
	v6 =	vsel vm0, $0x0, v8;
	(xrf0) =	vadd.scan.msk.s32 $0xffff, v14  }
0xd6: {  	s8 =	sand.u32 $0x7C00, s28;
	s30 =	simm.s32 @p6 $0x0;
	s25 =	simm.s32 @p6 $0x0;
	(v2sf) =	vpush v11, $0xF;
	v9 =	vsel vm0, $0x0, v9;
	v5, _, _ =	vpop (xrf0);
	v8 =	vld [tilespmem:s1+$0x8000];
	(xrf0) =	vadd.scan.msk.s32 $0xffff, v6  }
0xd7: {  	s9 =	simm.s32 @p6 $0x0;
	s7 =	rddreg [dreg:$0x4];
	s10 =	spop (v2sf);
	(v2sf) =	vpush v5, $0xF;
	v5 =	vsel vm0, $0x0, v7;
	(xrf0) =	vadd.scan.msk.s32 $0xffff, v9  }
0xd8: {  	s23 =	sadd.s32 s23, s30;
	s22 =	sadd.s32 s22, s25;
	s19 =	sadd.s32 s19, s9;
	v6 =	vsel vm0, $0x0, v12;
	(xrf0) =	vadd.scan.msk.s32 $0xffff, v5  }
0xd9: {  	p5 =	slt.s32 s16, s7;
	s16 =	sand.u32 $0x70, s26;
	s29 =	spop (v2sf);
	v7 =	vsel vm0, $0x0, v13;
	v9 =	vor.u32 s26, v0;
	(xrf0) =	vadd.scan.msk.s32 $0xffff, v6  }
0xda: {  	s10 =	simm.s32 @p6 $0x0;
	s30 =	spop (v2sf);
	s1 =	sor.u32 s16, s8;
	vm0 =	vlt.s32 v9, v4;
	v5, _, _ =	vpop (xrf0)  }
.Ltmp3:
0xdb: {  	s29 =	simm.s32 @p6 $0x0;
	s20 =	sadd.s32 s20, s10;
	v6 =	vld [tilespmem:s1+$0x8000];
	v9 =	vsel vm0, $0x0, v8;
	v8, _, _ =	vpop (xrf0);
	(pc) =	sbr.rel @!p0 .LBB2_4-.Ltmp3, $4  }
0xdc: {  	s16 =	smov.u32 s11;
	s11 =	sand.u32 $0x7, s0;
	s7 =	spop (v2sf);
	(xrf0) =	vadd.scan.msk.s32 $0xffff, v7;
	(v2sf) =	vpush v5, $0xF;
	v5 =	vld [tilespmem:s1+$0x8080];
	v7, _, _ =	vpop (xrf0)  }
0xdd: {  	s30 =	simm.s32 @p6 $0x0;
	s21 =	sadd.s32 s21, s29;
	s29 =	spop (v2sf);
	(xrf0) =	vadd.scan.msk.s32 $0xffff, v9;
	v9 =	vld [tilespmem:s1+$0x8180];
	(v2sf) =	vpush v8, $0xF;
	v10, _, _ =	vpop (xrf0)  }
0xde: {  	s7 =	simm.s32 @p5 $0x0;
	s18 =	sadd.s32 s18, s30;
	s30 =	spop (v2sf);
	v8 =	vld [tilespmem:s1+$0x8100];
	(v2sf) =	vpush v7, $0xF;
	v11, _, _ =	vpop (xrf0)  }
0xdf: {  	s17 =	sadd.s32 s17, s7;
	s29 =	simm.s32 @p5 $0x0;
	s25 =	spop (v2sf);
	v7 =	vld [tilespmem:s1+$0x8200];
	(v2sf) =	vpush v10, $0xF;
	v10, _, _ =	vpop (xrf0)  }
0xe0: {  	v6 =	vsel vm0, $0x0, v6  }
0xe1: {  	s0 =	sshll.u32 s11, $0x4;
	s7 =	sadd.s32 $0x80, s28;
	(xrf0) =	vadd.scan.msk.s32 $0xffff, v6;
	v6 =	vld [tilespmem:s1+$0x8280]  }
0xe2: {  	v5 =	vsel vm0, $0x0, v5;
	s0 =	sadd.s32 s0, s7  }
0xe3: {  	(xrf0) =	vadd.scan.msk.s32 $0xffff, v5;
	v5 =	vld [tilespmem:s1+$0x8300];
	s0 =	sor.u32 $0x380, s0  }
0xe4: {  	v8 =	vsel vm0, $0x0, v8;
	v55 =	vld [tilespmem:s0+$0x8000]  }
0xe5: {  	s11 =	sadd.s32 $0x10, s26;
	v9 =	vsel vm0, $0x0, v9;
	(xrf0) =	vadd.scan.msk.s32 $0xffff, v8  }
0xe6: {  	(v2sf) =	vpush v11, $0xF;
	s26 =	sand.u32 $0x7C00, s7;
	s28 =	sand.u32 $0x70, s11;
	v56, _, _ =	vpop (xrf0);
	v7 =	vsel vm0, $0x0, v7;
	(xrf0) =	vadd.scan.msk.s32 $0xffff, v9;
	v6 =	vsel vm0, $0x0, v6  }
0xe7: {  	(v2sf) =	vpush v10, $0xF;
	s7 =	sor.u32 s28, s26;
	v57, _, _ =	vpop (xrf0);
	(xrf0) =	vadd.scan.msk.s32 $0xffff, v7;
	v7 =	vor.u32 s11, v0  }
0xe8: {  	(v2sf) =	vpush v56, $0xF;
	v59 =	vld [tilespmem:s7+$0x8000];
	v58, _, _ =	vpop (xrf0);
	v5 =	vsel vm0, $0x0, v5;
	(xrf0) =	vadd.scan.msk.s32 $0xffff, v6;
	vm0 =	vlt.s32 v7, v4  }
0xe9: {  	(v2sf) =	vpush v57, $0xF;
	v7 =	vld [tilespmem:s7+$0x8080];
	v6, _, _ =	vpop (xrf0);
	(xrf0) =	vadd.scan.msk.s32 $0xffff, v5;
	v5 =	vsel vm0, $0x0, v55  }
0xea: {  	s0 =	spop (v2sf);
	v60 =	vld [tilespmem:s7+$0x8100];
	(v2sf) =	vpush v58, $0xF  }
0xeb: {  	v61 =	vld [tilespmem:s7+$0x8200];
	s8 =	spop (v2sf);
	(v2sf) =	vpush v6, $0xF;
	v6, _, _ =	vpop (xrf0)  }
0xec: {  	s9 =	spop (v2sf);
	(xrf0) =	vadd.scan.msk.s32 $0xffff, v5;
	(v2sf) =	vpush v6, $0xF;
	v6 =	vld [tilespmem:s7+$0x8180];
	v5, _, _ =	vpop (xrf0)  }
0xed: {  	v62 =	vld [tilespmem:s7+$0x8280];
	s26 =	spop (v2sf);
	(v2sf) =	vpush v5, $0xF;
	v5 =	vsel vm0, $0x0, v59  }
0xee: {  	v7 =	vsel vm0, $0x0, v7  }
0xef: {  	v12 =	vld [tilespmem:s7+$0x8300];
	v63, _, _ =	vpop (xrf0);
	(xrf0) =	vadd.scan.msk.s32 $0xffff, v5  }
0xf0: {  	s10 =	spop (v2sf);
	v8 =	vsel vm0, $0x0, v60;
	(v2sf) =	vpush v63, $0xF;
	(xrf0) =	vadd.scan.msk.s32 $0xffff, v7;
	v5, _, _ =	vpop (xrf0)  }
0xf1: {  	s31 =	rddreg [dreg:$0x4];
	p5 =	por p5, p5;
	s1 =	spop (v2sf);
	(xrf0) =	vadd.scan.msk.s32 $0xffff, v8;
	v7, _, _ =	vpop (xrf0);
	(v2sf) =	vpush v5, $0xF;
	v5 =	vsel vm0, $0x0, v6  }
0xf2: {  	p0 =	slt.s32 s16, s31;
	s25 =	simm.s32 @p5 $0x0;
	s11 =	spop (v2sf);
	(v2sf) =	vpush v7, $0xF;
	v7 =	vsel vm0, $0x0, v61;
	(xrf0) =	vadd.scan.msk.s32 $0xffff, v5;
	v5 =	vsel vm0, $0x0, v62  }
0xf3: {  	s30 =	simm.s32 @p5 $0x0;
	s31 =	sadd.s32 s22, s25;
	s16 =	spop (v2sf);
	v6, _, _ =	vpop (xrf0);
	(xrf0) =	vadd.scan.msk.s32 $0xffff, v7  }
0xf4: {  	s0 =	simm.s32 @p5 $0x0;
	s7 =	sadd.s32 s24, s29;
	s24 =	spop (v2sf);
	(v2sf) =	vpush v6, $0xF;
	v6 =	vsel vm0, $0x0, v12;
	(xrf0) =	vadd.scan.msk.s32 $0xffff, v5  }
0xf5: {  	s8 =	simm.s32 @p5 $0x0;
	s0 =	sadd.s32 s19, s0;
	s28 =	spop (v2sf);
	v5, _, _ =	vpop (xrf0);
	(xrf0) =	vadd.scan.msk.s32 $0xffff, v6  }
0xf6: {  	s9 =	simm.s32 @p5 $0x0;
	s26 =	simm.s32 @p5 $0x0;
	s19 =	spop (v2sf);
	(v2sf) =	vpush v5, $0xF;
	v5, _, _ =	vpop (xrf0)  }
0xf7: {  	s9 =	sadd.s32 s21, s9;
	s10 =	simm.s32 @p0 $0x0;
	s21 =	spop (v2sf);
	(v2sf) =	vpush v5, $0xF;
	v5, _, _ =	vpop (xrf0)  }
0xf8: {  	s29 =	rddreg [dreg:$0x4];
	s1 =	simm.s32 @p0 $0x0;
	s22 =	spop (v2sf);
	(v2sf) =	vpush v5, $0xF;
	v5, _, _ =	vpop (xrf0)  }
0xf9: {  	p0 =	por p0, p0;
	p5 =	slt.s32 s14, s29;
	s25 =	spop (v2sf);
	v6, _, _ =	vpop (xrf0);
	(v2sf) =	vpush v5, $0xF  }
0xfa: {  	s1 =	sadd.s32 s7, s1;
	s16 =	simm.s32 @p0 $0x0;
	s14 =	spop (v2sf);
	v5, _, _ =	vpop (xrf0);
	(v2sf) =	vpush v6, $0xF  }
0xfb: {  	s16 =	sadd.s32 s31, s16;
	s31 =	simm.s32 $0x0;
	s7 =	spop (v2sf);
	v6, _, _ =	vpop (xrf0);
	(v2sf) =	vpush v5, $0xF  }
0xfc: {  	s8 =	sadd.s32 s20, s8;
	s20 =	spop (v2sf);
	(v2sf) =	vpush v6, $0xF;
	v6 =	vld [tilespmem:s31+$0x0];
	_ =	sdelay $0x4  }
0xfd: {  	v5 =	vmul.f32 $4.096000000e+03, v6;
	_ =	sdelay $0x1  }
0xfe: {  	v5 =	vtrunc.f32 v5  }
0xff: {  	v5 =	vcvt.f32.s32 v5;
	_ =	sdelay $0x1  }
0x100: {  	s23 =	sadd.s32 s23, s30;
	s30 =	rddreg [dreg:$0x4];
	vm0 =	vlt.s32 v5, $0xFFF  }
0x101: {  	s18 =	sadd.s32 s18, s26;
	s10 =	sadd.s32 s17, s10;
	s11 =	simm.s32 @p0 $0x0;
	v5 =	vnsel vm0, $0xFFF, v5  }
0x102: {  	s24 =	simm.s32 @p0 $0x0;
	s28 =	simm.s32 @p0 $0x0;
	s22 =	simm.s32 @p5 $0x0;
	vm0 =	vge.s32 v5, v4  }
0x103: {  	s19 =	simm.s32 @p0 $0x0;
	s10 =	sadd.s32 s10, s22;
	s22 =	spop (v2sf);
	v7 =	vsel vm0, $0x1, v2  }
0x104: {  	s9 =	sadd.s32 s9, s19;
	s21 =	simm.s32 @p0 $0x0;
	s19 =	spop (v2sf);
	(xrf0) =	vadd.scan.msk.s32 $0xffff, v7  }
0x105: {  	p0 =	slt.s32 s15, s30;
	s18 =	sadd.s32 s18, s21;
	s21 =	spop (v2sf)  }
0x106: {  	s25 =	simm.s32 @p5 $0x0;
	p5 =	por p5, p5;
	s15 =	spop (v2sf)  }
0x107: {  	s11 =	sadd.s32 s23, s11;
	s14 =	simm.s32 @p5 $0x0;
	s15 =	simm.s32 @p0 $0x0  }
0x108: {  	s11 =	sadd.s32 s11, s14;
	s14 =	sadd.s32 s10, s15;
	s10 =	spop (v2sf)  }
0x109: {  	s15 =	spop (v2sf)  }
0x10a: {  	s21 =	simm.s32 @p5 $0x0;
	s17 =	spop (v2sf);
	v7, _, _ =	vpop (xrf0)  }
0x10b: {  	s21 =	sadd.s32 s18, s21;
	s18 =	spop (v2sf);
	(v2sf) =	vpush v7, $0xF;
	_ =	sdelay $0x6  }
0x10c: {  	s0 =	sadd.s32 s0, s24;
	s8 =	sadd.s32 s8, s28;
	s1 =	sadd.s32 s1, s25  }
0x10d: {  	s7 =	simm.s32 @p5 $0x0;
	s20 =	simm.s32 @p5 $0x0;
	s22 =	simm.s32 @p5 $0x0  }
0x10e: {  	s7 =	sadd.s32 s16, s7;
	s0 =	sadd.s32 s0, s20;
	s8 =	sadd.s32 s8, s22  }
0x10f: {  	s19 =	simm.s32 @p5 $0x0;
	s10 =	simm.s32 @p0 $0x0;
	p0 =	por p0, p0  }
0x110: {  	s9 =	sadd.s32 s9, s19;
	s16 =	sadd.s32 s1, s10;
	s15 =	simm.s32 @p0 $0x0  }
0x111: {  	s22 =	sadd.s32 s11, s15;
	s17 =	simm.s32 @p0 $0x0;
	s23 =	spop (v2sf)  }
0x112: {  	s18 =	simm.s32 @p0 $0x0;
	s1 =	spop (v2sf);
	s23 =	simm.s32 @p0 $0x0  }
0x113: {  	s19 =	sadd.s32 s0, s18;
	s10 =	spop (v2sf);
	s1 =	simm.s32 @p0 $0x0  }
0x114: {  	s10 =	simm.s32 @p0 $0x0;
	p0 =	por $0x0, $0x0;
	s0 =	spop (v2sf)  }
0x115: {  	s20 =	sadd.s32 s7, s17;
	s18 =	sadd.s32 s8, s23;
	p5 =	slt.s32 @!p0 s0, $0x1  }
0x116: {  	s17 =	sadd.s32 s9, s1;
	s1 =	sadd.s32 $0x0, s0;
	p5 =	por p5, p0  }
0x117: {  	s23 =	simm.s32 $0x40;
	s15 =	sadd.s32 s21, s10;
	p0 =	slt.s32 s1, $0x6C0;
	vm0 =	vge.s32 @!p5 v5, v4;
	v5 =	vlaneseq.u32 @!p5  }
0x118: {  	s21 =	simm.s32 $0x80;
	s0 =	smov.u32 s4;
	s1 =	simm.s32 @!p0 $0x6C0;
	v5 =	vor.u32 @!p5 s4, v5;
	[tilespmem:s13+$0x10000] =	vst.msk @!p5 vm0, v6  }
.LBB2_6:
0x119: {  	s7 =	sshra.s32 s23, $0x2;
	s0 =	sadd.s32 $0x10, s0  }
0x11a: {  	[tilespmem:s13+$0x10700] =	vst.msk @!p5 vm0, v5;
	s23 =	smov.u32 s21;
	s21 =	sadd.s32 $0x40, s21;
	s13 =	smov.u32 s1  }
0x11b: {  	p0 =	seq.s32 s21, $0x20000;
	v6 =	vld [tilespmem:s7+$0x0];
	_ =	sdelay $0x4  }
0x11c: {  	v5 =	vmul.f32 $4.096000000e+03, v6;
	_ =	sdelay $0x1  }
0x11d: {  	v5 =	vtrunc.f32 v5  }
0x11e: {  	v5 =	vcvt.f32.s32 v5;
	_ =	sdelay $0x1  }
0x11f: {  	vm0 =	vlt.s32 v5, $0xFFF  }
0x120: {  	v5 =	vnsel vm0, $0xFFF, v5  }
0x121: {  	vm0 =	vge.s32 v5, v4  }
0x122: {  	v7 =	vsel vm0, $0x1, v2  }
0x123: {  	(xrf0) =	vadd.scan.msk.s32 $0xffff, v7;
	_ =	sdelay $0x5  }
0x124: {  	v7, _, _ =	vpop (xrf0)  }
0x125: {  	(v2sf) =	vpush v7, $0xF;
	_ =	sdelay $0xe  }
.Ltmp4:
0x126: {  	p5 =	sgt.s32 s1, $0x6B0;
	s7 =	spop (v2sf);
	(pc) =	sbr.rel @!p0 .LBB2_6-.Ltmp4, $4  }
0x127: {  	p6 =	slt.s32 @!p5 s7, $0x1;
	s1 =	sadd.s32 s1, s7  }
0x128: {  	p5 =	por p6, p5;
	p6 =	slt.s32 s1, $0x6C0  }
0x129: {  	vm0 =	vge.s32 @!p5 v5, v4;
	v5 =	vlaneseq.u32 @!p5;
	s1 =	simm.s32 @!p6 $0x6C0  }
0x12a: {  	v5 =	vor.u32 @!p5 s0, v5;
	[tilespmem:s13+$0x10000] =	vst.msk @!p5 vm0, v6  }
0x12b: {  	s7 =	sshra.s32 s23, $0x2;
	[tilespmem:s13+$0x10700] =	vst.msk @!p5 vm0, v5  }
0x12c: {  	v5 =	vld [tilespmem:s7+$0x0];
	_ =	sdelay $0x4  }
0x12d: {  	v6 =	vmul.f32 $4.096000000e+03, v5;
	_ =	sdelay $0x1  }
0x12e: {  	v6 =	vtrunc.f32 v6  }
0x12f: {  	v6 =	vcvt.f32.s32 v6;
	_ =	sdelay $0x1  }
0x130: {  	vm15 =	vlt.s32 v6, $0xFFF  }
0x131: {  	v6 =	vnsel vm15, $0xFFF, v6  }
0x132: {  	vm0 =	vge.s32 v6, v4  }
0x133: {  	v7 =	vsel vm0, $0x1, v2  }
0x134: {  	(xrf0) =	vadd.scan.msk.s32 $0xffff, v7;
	_ =	sdelay $0x5  }
0x135: {  	v7, _, _ =	vpop (xrf0)  }
0x136: {  	(v2sf) =	vpush v7, $0xF;
	_ =	sdelay $0xe  }
0x137: {  	p0 =	sgt.s32 s1, $0x6B0;
	s29 =	sld [smem:$0x7F9];
	s7 =	spop (v2sf)  }
0x138: {  	s30 =	sld [smem:$0x7F8];
	p5 =	slt.s32 @!p0 s7, $0x1  }
0x139: {  	s31 =	sld [smem:$0x7F7];
	p0 =	por p5, p0  }
0x13a: {  	s8 =	sadd.s32 $0x10, s0;
	s9 =	sld [smem:$0x7F5];
	vm0 =	vge.s32 @!p0 v6, v4;
	v4 =	vlaneseq.u32 @!p0  }
0x13b: {  	s10 =	sld [smem:$0x7F4];
	s0 =	sadd.s32 $0x3F, s16;
	s24 =	sadd.s32 $0x3F, s20;
	v4 =	vor.u32 @!p0 s8, v4;
	[tilespmem:s1+$0x10000] =	vst.msk @!p0 vm0, v5  }
0x13c: {  	s25 =	sshra.s32 s24, $0x1F;
	s28 =	sadd.s32 s1, s7;
	[tilespmem:s1+$0x10700] =	vst.msk @!p0 vm0, v4;
	s1 =	smov.u32 s16  }
0x13d: {  	s8 =	sld [smem:$0x7F6];
	p0 =	seq.s32 s29, $0x1;
	s1 =	simm.s32 @!p3 $0x0  }
0x13e: {  	s26 =	sand.u32 $0x3F, s24;
	s1 =	smov.u32 @p0 s22;
	p0 =	seq.s32 s30, $0x1  }
0x13f: {  	p5 =	slt.s32 s28, $0x6C0;
	s1 =	smov.u32 @p0 s20;
	p0 =	seq.s32 s31, $0x1  }
0x140: {  	s21 =	smov.u32 s28;
	s1 =	smov.u32 @p0 s19;
	p0 =	seq.s32 s8, $0x1  }
0x141: {  	s21 =	simm.s32 @!p5 $0x6C0;
	s1 =	smov.u32 @p0 s18;
	p0 =	seq.s32 s9, $0x1  }
0x142: {  	s16 =	sadd.s32 $0x3F, s22;
	s1 =	smov.u32 @p0 s17;
	p0 =	seq.s32 s10, $0x1  }
0x143: {  	p1 =	slt.s32 s16, $0x1;
	s22 =	sand.u32 $0x3F, s0;
	s1 =	smov.u32 @p0 s15  }
0x144: {  	s31 =	sadd.s32 $0x3F, s18;
	s20 =	sadd.s32 $0x3F, s15;
	s1 =	smov.u32 @p2 s14  }
0x145: {  	s8 =	simm.s32 $0x1;
	s10 =	sshra.s32 s16, $0x1F;
	s1 =	sadd.s32 $0x3F, s1  }
0x146: {  	s9 =	sand.u32 $0x3F, s16;
	s23 =	sshrl.u32 s10, $0x1A;
	s11 =	sand.u32 $0x3F, s1  }
0x147: {  	s13 =	sshra.s32 s1, $0x1F;
	p6 =	slt.s32 s1, $0x1;
	p5 =	sne.s32 s11, $0x0  }
0x148: {  	s10 =	simm.s32 $0x1;
	s7 =	sshrl.u32 s13, $0x1A;
	p0 =	por !p6, !p5  }
0x149: {  	s1 =	sadd.s32 s7, s1;
	s7 =	simm.s32 $0x1;
	p6 =	sne.s32 s9, $0x0  }
0x14a: {  	s9 =	simm.s32 $0x1;
	p0 =	por !p0, !p0;
	s1 =	sshrl.u32 s1, $0x6  }
0x14b: {  	p5 =	por !p1, !p6;
	p1 =	sne.s32 s22, $0x0;
	p6 =	slt.s32 s24, $0x1  }
0x14c: {  	s22 =	sand.u32 $0x3F, s31;
	s7 =	simm.s32 @!p0 $0x0;
	p5 =	por !p5, !p5  }
0x14d: {  	s1 =	ssub.s32 s1, s7;
	s7 =	sadd.s32 s23, s16;
	s8 =	simm.s32 @!p5 $0x0  }
0x14e: {  	s13 =	sshll.u32 s1, $0x6;
	s1 =	sshra.s32 s0, $0x1F;
	s7 =	sshrl.u32 s7, $0x6  }
0x14f: {  	p0 =	slt.s32 s13, $0x6C0;
	s7 =	ssub.s32 s7, s8;
	s8 =	sshrl.u32 s25, $0x1A  }
0x150: {  	s1 =	sshrl.u32 s1, $0x1A;
	s25 =	sshra.s32 s31, $0x1F;
	s13 =	simm.s32 @!p0 $0x6C0  }
0x151: {  	s16 =	sshll.u32 s7, $0x6;
	s7 =	sadd.s32 s8, s24;
	p0 =	slt.s32 s28, s13  }
0x152: {  	s8 =	simm.s32 $0x1;
	s24 =	sand.u32 $0x3F, s20;
	s28 =	sadd.s32 $0x3F, s19;
	v4 =	vimm.f32 @p0 $-1.000000000e+00  }
0x153: {  	s7 =	sshrl.u32 s7, $0x6;
	s11 =	sand.u32 $0x3F, s28;
	s19 =	sshra.s32 s28, $0x1F;
	[tilespmem:s21+$0x10000] =	vst @p0 v4;
	v4 =	vimm.s32 @p0 $0x0  }
0x154: {  	s29 =	sshrl.u32 s19, $0x1A;
	[tilespmem:s21+$0x10700] =	vst @p0 v4;
	p0 =	slt.s32 s0, $0x1;
	s0 =	sadd.s32 s1, s0  }
0x155: {  	s1 =	sadd.s32 $0x20, s21;
	p0 =	por !p0, !p1;
	p1 =	sne.s32 s26, $0x0  }
0x156: {  	s0 =	sshrl.u32 s0, $0x6;
	s26 =	sld [smem:$0x7FD];
	p0 =	por !p0, !p0  }
0x157: {  	p5 =	por !p6, !p1;
	p6 =	slt.s32 s28, $0x1;
	p1 =	sne.s32 s11, $0x0  }
0x158: {  	s11 =	sadd.s32 $0x10, s21;
	s9 =	simm.s32 @!p0 $0x0;
	p0 =	slt.s32 s16, $0x6C0  }
0x159: {  	s16 =	simm.s32 @!p0 $0x6C0;
	p0 =	por !p5, !p5;
	s0 =	ssub.s32 s0, s9  }
0x15a: {  	s9 =	simm.s32 $0x1;
	s8 =	simm.s32 @!p0 $0x0;
	p0 =	por !p6, !p1  }
0x15b: {  	p6 =	slt.s32 s31, $0x1;
	p1 =	sne.s32 s22, $0x0;
	s15 =	sshll.u32 s0, $0x6  }
0x15c: {  	s0 =	smov.u32 s16;
	s7 =	ssub.s32 s7, s8;
	s8 =	sadd.s32 s29, s28  }
0x15d: {  	p0 =	por !p0, !p0;
	p5 =	por !p6, !p1;
	s0 =	simm.s32 @!p4 $0x0  }
0x15e: {  	s19 =	sshll.u32 s7, $0x6;
	s30 =	sshrl.u32 s8, $0x6;
	s10 =	simm.s32 @!p0 $0x0  }
0x15f: {  	s28 =	sld [smem:$0x7FC];
	p0 =	slt.s32 s19, $0x6C0;
	s7 =	ssub.s32 s30, s10  }
0x160: {  	s10 =	sadd.s32 $0x3F, s17;
	s17 =	sshrl.u32 s25, $0x1A;
	s30 =	sshra.s32 s20, $0x1F  }
0x161: {  	s19 =	simm.s32 @!p0 $0x6C0;
	s18 =	sshll.u32 s7, $0x6;
	s7 =	simm.s32 $0x1  }
0x162: {  	s23 =	sand.u32 $0x3F, s10;
	p6 =	slt.s32 s10, $0x1;
	s8 =	sadd.s32 s17, s31  }
0x163: {  	s29 =	sshra.s32 s10, $0x1F;
	s22 =	sshrl.u32 s30, $0x1A;
	p0 =	slt.s32 s18, $0x6C0  }
0x164: {  	p1 =	sne.s32 s23, $0x0;
	s23 =	smov.u32 s19;
	s8 =	sshrl.u32 s8, $0x6  }
0x165: {  	s31 =	sshrl.u32 s29, $0x1A;
	s29 =	sld [smem:$0x7FB];
	s18 =	simm.s32 @!p0 $0x6C0  }
0x166: {  	p0 =	por !p5, !p5;
	p6 =	por !p6, !p1;
	p5 =	slt.s32 s20, $0x1  }
0x167: {  	p1 =	sne.s32 s24, $0x0;
	s25 =	sadd.s32 s31, s10;
	s10 =	simm.s32 $0x1  }
0x168: {  	s31 =	rddreg [dreg:$0x8];
	s7 =	simm.s32 @!p0 $0x0;
	p5 =	por !p5, !p1  }
0x169: {  	p0 =	sge.s32 s11, s13;
	s24 =	smov.u32 s18;
	p1 =	seq.s32 s26, $0x1  }
0x16a: {  	s26 =	sadd.s32 s22, s20;
	p6 =	por !p6, !p6;
	p5 =	por !p5, !p5  }
0x16b: {  	s23 =	simm.s32 @!p1 $0x0;
	p1 =	seq.s32 s28, $0x1;
	s7 =	ssub.s32 s8, s7  }
0x16c: {  	s8 =	sshrl.u32 s26, $0x6;
	s10 =	simm.s32 @!p6 $0x0;
	s9 =	simm.s32 @!p5 $0x0  }
0x16d: {  	p5 =	slt.s32 s15, $0x6C0;
	s24 =	simm.s32 @!p1 $0x0;
	s17 =	sshll.u32 s7, $0x6  }
0x16e: {  	s7 =	sshrl.u32 s25, $0x6;
	s28 =	sadd.s32 s23, s0;
	p1 =	seq.s32 s29, $0x1  }
0x16f: {  	s25 =	sld [smem:$0x7FA];
	s8 =	ssub.s32 s8, s9;
	p6 =	slt.s32 s17, $0x6C0  }
0x170: {  	s7 =	ssub.s32 s7, s10;
	s30 =	sadd.s32 s24, s28;
	s15 =	simm.s32 @!p5 $0x6C0  }
0x171: {  	s24 =	sadd.s32 s24, s31;
	s20 =	sshll.u32 s8, $0x6;
	s17 =	simm.s32 @!p6 $0x6C0  }
0x172: {  	s22 =	sshll.u32 s7, $0x6;
	p6 =	slt.s32 s20, $0x6C0;
	s7 =	smov.u32 s17  }
0x173: {  	s20 =	simm.s32 @!p6 $0x6C0;
	p6 =	slt.s32 s22, $0x6C0;
	s7 =	simm.s32 @!p1 $0x0  }
0x174: {  	p1 =	seq.s32 s25, $0x1;
	s22 =	simm.s32 @!p6 $0x6C0;
	s9 =	smov.u32 s20  }
0x175: {  	s0 =	sadd.s32 s7, s30;
	s10 =	smov.u32 s22;
	s9 =	simm.s32 @!p2 $0x0  }
0x176: {  	s23 =	smov.u32 s15;
	s10 =	simm.s32 @!p1 $0x0;
	s0 =	sadd.s32 s9, s0  }
0x177: {  	s23 =	simm.s32 @p3 $0x0;
	s7 =	sadd.s32 s7, s24;
	s0 =	sadd.s32 s10, s0  }
0x178: {  	v4 =	vimm.f32 @!p0 $-1.000000000e+00;
	p5 =	sge.s32 s1, s13;
	s7 =	sadd.s32 s10, s7;
	s0 =	sadd.s32 s23, s0  }
0x179: {  	[tilespmem:s11+$0x10000] =	vst @!p0 v4;
	v4 =	vimm.s32 @!p0 $0x0;
	p6 =	sle.s32 s13, $0x0;
	s7 =	sadd.s32 s9, s7;
	s9 =	sadd.s32 $0x0, s0  }
0x17a: {  	[tilespmem:s11+$0x10700] =	vst @!p0 v4;
	v4 =	vimm.f32 @!p5 $-1.000000000e+00;
	s10 =	sadd.s32 $0x30, s21;
	s7 =	sadd.s32 s7, s28;
	p0 =	sgt.s32 @!p6 s9, $0x640  }
0x17b: {  	[tilespmem:s1+$0x10000] =	vst @!p5 v4;
	v4 =	vimm.s32 @!p5 $0x0;
	s11 =	sadd.s32 s23, s7;
	p0 =	por p0, p6;
	p6 =	sge.s32 s10, s13  }
0x17c: {  	[tilespmem:s1+$0x10700] =	vst @!p5 v4;
	v4 =	vimm.f32 @!p6 $-1.000000000e+00;
	s1 =	sadd.s32 @!p0 $0x0, s11;
	p0 =	por p0, p0  }
0x17d: {  	[tilespmem:s10+$0x10000] =	vst @!p6 v4;
	v4 =	vimm.s32 @!p6 $0x0;
	s1 =	sshrl.u32 @!p0 s1, $0x3  }
0x17e: {  	s7 =	simm.s32 $0x10000;
	s9 =	simm.s32 @!p0 $0x0;
	[tilespmem:s10+$0x10700] =	vst @!p6 v4;
	s8 =	sadd.s32 @!p0 s3, s1  }
0x17f: {  	[hbm4b:s8+s9] =	stream.linear.scatter @!p0 [tilespmem:s7], [sflag:$0x2], $0x40, $0x38;
	[tilespmem:$0x10E00] =	vst v63  }
0x180: {  	p5 =	sle.s32 s13, $0x40;
	s7 =	simm.s32 @!p0 $0x2  }
0x181: {  	s24 =	simm.s32 $0x80;
	s25 =	simm.s32 @!p0 $0x1;
	_ =	swait.ge @!p0 [sflag:s7], $0x40  }
0x182: {  	s1 =	sadd.s32 @!p0 s5, s1;
	s8 =	sadd.s32 $0x40, s0;
	[sflag:s7] =	ssyncset.done @!p0 $0x0  }
0x183: {  	p6 =	sgt.s32 @!p5 s8, $0x640;
	s8 =	simm.s32 $0x10700;
	[sflag:s7] =	ssyncadd.s32 @!p0 $0xFFFFFFC0  }
0x184: {  	[hbm4b:s1+s9] =	stream.linear.scatter @!p0 [tilespmem:s8], [sflag:$0x1], $0x40, $0x38;
	[tilespmem:$0x10E00] =	vst v63  }
0x185: {  	s21 =	simm.s32 $0x10040;
	s23 =	simm.s32 $0x40;
	_ =	swait.ge @!p0 [sflag:s25], $0x40  }
0x186: {  	p6 =	por p6, p5;
	s1 =	simm.s32 $0x10740;
	[sflag:s25] =	ssyncset.done @!p0 $0x0  }
.LBB2_8:
0x187: {  	s7 =	sadd.s32 @!p6 s23, s11;
	[sflag:s25] =	ssyncadd.s32 @!p0 $0xFFFFFFC0  }
0x188: {  	s23 =	smov.u32 s24;
	s24 =	sadd.s32 $0x40, s24;
	p0 =	por p6, p6  }
0x189: {  	p5 =	sne.s32 s24, $0x6C0;
	s7 =	sshrl.u32 @!p0 s7, $0x3  }
0x18a: {  	s9 =	simm.s32 @!p0 $0x0;
	s10 =	simm.s32 @!p0 $0x2;
	s8 =	sadd.s32 @!p0 s3, s7  }
0x18b: {  	[hbm4b:s8+s9] =	stream.linear.scatter @!p0 [tilespmem:s21], [sflag:$0x2], $0x40, $0x38;
	[tilespmem:$0x10E00] =	vst v63  }
0x18c: {  	s7 =	sadd.s32 @!p0 s5, s7;
	_ =	swait.ge @!p0 [sflag:s10], $0x40  }
.Ltmp5:
0x18d: {  	s25 =	simm.s32 @!p0 $0x1;
	[sflag:s10] =	ssyncset.done @!p0 $0x0;
	(pc) =	sbr.rel @p5 .LBB2_8-.Ltmp5, $4  }
0x18e: {  	p6 =	sge.s32 s23, s13;
	s8 =	sadd.s32 s23, s0;
	[sflag:s10] =	ssyncadd.s32 @!p0 $0xFFFFFFC0  }
0x18f: {  	[hbm4b:s7+s9] =	stream.linear.scatter @!p0 [tilespmem:s1], [sflag:$0x1], $0x40, $0x38;
	[tilespmem:$0x10E00] =	vst v63  }
0x190: {  	p1 =	sgt.s32 @!p6 s8, $0x640;
	s1 =	sadd.s32 $0x40, s1;
	_ =	swait.ge @!p0 [sflag:s25], $0x40  }
0x191: {  	s21 =	sadd.s32 $0x40, s21;
	p6 =	por p1, p6;
	[sflag:s25] =	ssyncset.done @!p0 $0x0  }
0x192: {  	s0 =	sadd.s32 @!p6 s23, s11;
	p5 =	por p6, p6  }
0x193: {  	[sflag:s25] =	ssyncadd.s32 @!p0 $0xFFFFFFC0;
	s0 =	sshrl.u32 @!p5 s0, $0x3  }
0x194: {  	s8 =	simm.s32 @!p5 $0x0;
	s9 =	simm.s32 @!p5 $0x2;
	s7 =	sadd.s32 @!p5 s3, s0  }
0x195: {  	[hbm4b:s7+s8] =	stream.linear.scatter @!p5 [tilespmem:s21], [sflag:$0x2], $0x40, $0x38;
	[tilespmem:$0x10E00] =	vst v63  }
0x196: {  	_ =	swait.ge @!p5 [sflag:s9], $0x40  }
0x197: {  	[sflag:s9] =	ssyncset.done @!p5 $0x0  }
0x198: {  	s0 =	sadd.s32 @!p5 s5, s0;
	s7 =	simm.s32 @!p5 $0x1;
	[sflag:s9] =	ssyncadd.s32 @!p5 $0xFFFFFFC0  }
0x199: {  	[hbm4b:s0+s8] =	stream.linear.scatter @!p5 [tilespmem:s1], [sflag:$0x1], $0x40, $0x38;
	[tilespmem:$0x10E00] =	vst v63  }
0x19a: {  	_ =	swait.ge @!p5 [sflag:s7], $0x40  }
0x19b: {  	s31 =	sld [smem:$0x7F3];
	_ =	sdelay $0x2  }
0x19c: {  	p0 =	seq.s32 s31, $0x1  }
.Ltmp6:
0x19d: {  	_ = 	snop;
	(pc) =	sbr.rel @p0 .LBB2_13-.Ltmp6, $3  }
0x19e: {  	_ =	sdelay $0x1  }
0x19f: {  	[sflag:s7] =	ssyncset.done @!p5 $0x0  }
0x1a0: {  	[sflag:s7] =	ssyncadd.s32 @!p5 $0xFFFFFFC0  }
0x1a1: {  	s0 =	sadd.s32 $0x3F, s14  }
0x1a2: {  	s23 =	sadd.s32 s15, s16;
	s7 =	sand.u32 $0x3F, s0  }
0x1a3: {  	s1 =	sshra.s32 s0, $0x1F;
	p1 =	slt.s32 s0, $0x1;
	p0 =	sne.s32 s7, $0x0  }
0x1a4: {  	s24 =	rddreg [dreg:$0x8];
	s1 =	sshrl.u32 s1, $0x1A;
	p0 =	por !p1, !p0  }
0x1a5: {  	s0 =	sadd.s32 s1, s0;
	s1 =	simm.s32 $0x1;
	p0 =	por !p0, !p0  }
0x1a6: {  	s8 =	sadd.s32 s19, s23;
	s0 =	sshrl.u32 s0, $0x6;
	s1 =	simm.s32 @!p0 $0x0  }
0x1a7: {  	s8 =	sadd.s32 s18, s8;
	s0 =	ssub.s32 s0, s1;
	s1 =	sadd.s32 s19, s24  }
0x1a8: {  	s26 =	sadd.s32 s17, s8;
	s9 =	sshll.u32 s0, $0x6;
	s25 =	sadd.s32 s18, s1  }
0x1a9: {  	s1 =	sadd.s32 s20, s26;
	p0 =	slt.s32 s9, $0x6C0;
	s0 =	sadd.s32 s17, s25  }
0x1aa: {  	s1 =	sadd.s32 s22, s1;
	s9 =	simm.s32 @!p0 $0x6C0;
	s0 =	sadd.s32 s22, s0  }
0x1ab: {  	s28 =	sadd.s32 s20, s0;
	s0 =	sadd.s32 s9, s1  }
0x1ac: {  	s29 =	sadd.s32 s9, s28;
	s30 =	sadd.s32 $0x0, s0  }
0x1ad: {  	[tilespmem:$0x10000] =	vst v3;
	s1 =	sadd.s32 s29, s23;
	p0 =	sgt.s32 s30, $0x640  }
0x1ae: {  	[tilespmem:$0x10010] =	vst v3;
	s7 =	sadd.s32 @!p0 $0x0, s1;
	p0 =	por p0, p0  }
0x1af: {  	[tilespmem:$0x10020] =	vst v3;
	s7 =	sshrl.u32 @!p0 s7, $0x3;
	s11 =	simm.s32 @!p0 $0x1  }
0x1b0: {  	[tilespmem:$0x10030] =	vst v3;
	s8 =	simm.s32 @!p0 $0x0;
	s9 =	simm.s32 @!p0 $0x10000;
	s7 =	sadd.s32 @!p0 s3, s7  }
0x1b1: {  	[hbm4b:s7+s8] =	stream.linear.scatter @!p0 [tilespmem:s9], [sflag:$0x1], $0x40, $0x38;
	[tilespmem:$0x10E00] =	vst v63  }
0x1b2: {  	s13 =	simm.s32 $0x40;
	s31 =	sadd.s32 $0x40, s0;
	_ =	swait.ge @!p0 [sflag:s11], $0x40  }
0x1b3: {  	s14 =	simm.s32 $0x80;
	p5 =	sgt.s32 s31, $0x640;
	[sflag:s11] =	ssyncset.done @!p0 $0x0  }
.LBB2_11:
0x1b4: {  	s7 =	sadd.s32 @!p5 s13, s1;
	s13 =	smov.u32 s14;
	s14 =	sadd.s32 $0x40, s14  }
0x1b5: {  	[sflag:s11] =	ssyncadd.s32 @!p0 $0xFFFFFFC0;
	p0 =	por p5, p5;
	p1 =	sne.s32 s14, $0x680  }
.Ltmp7:
0x1b6: {  	s7 =	sshrl.u32 @!p0 s7, $0x3;
	s11 =	simm.s32 @!p0 $0x1;
	(pc) =	sbr.rel @p1 .LBB2_11-.Ltmp7, $4  }
0x1b7: {  	s8 =	simm.s32 @!p0 $0x0;
	s9 =	simm.s32 @!p0 $0x10000;
	s7 =	sadd.s32 @!p0 s3, s7  }
0x1b8: {  	[hbm4b:s7+s8] =	stream.linear.scatter @!p0 [tilespmem:s9], [sflag:$0x1], $0x40, $0x38;
	[tilespmem:$0x10E00] =	vst v63  }
0x1b9: {  	s7 =	sadd.s32 s13, s0;
	_ =	swait.ge @!p0 [sflag:s11], $0x40  }
0x1ba: {  	p5 =	sgt.s32 s7, $0x640;
	[sflag:s11] =	ssyncset.done @!p0 $0x0  }
.Ltmp8:
0x1bb: {  	_ = 	snop;
	(pc) =	sbr.rel .LBB2_12-.Ltmp8, $1  }
0x1bc: {  	_ =	sdelay $0x3  }
.LBB2_14:
0x1bd: {  	_ =	sfence.sel $0x180000  }
0x1be: {  	[bflag:$0x0] =	sbarrier.arrive $0xFFFF  }
0x1bf: {  	_ =	strace $0x9000004A  }
0x1c0: {  	s0 =	stileid.u32;
	[bflag:$0x2] =	sbarrier.arrive $0xFFFF  }
0x1c1: {  	p0 =	sne.s32 s0, $0x0;
	s0 =	rddreg [dreg:$0x3]  }
0x1c2: {  	s0 =	sadd.s32 @!p0 $0x100000, s0  }
0x1c3: {  	[sflag:s0] =	ssyncadd.tile.s32 @!p0 $0x1;
	_ =	shalt  }
.Lfunc_end2:
_tile_overlayer_lowered:
.L_overlay_start_2:
0x1c4: {  	(tag) =	ssettag $0x2  }
0x1c5: {  	s0 =	rddreg [dreg:$0x0];
	s2 =	stileid.u32  }
0x1c6: {  	s1 =	rddreg [dreg:$0x1];
	p0 =	sne.s32 s2, $0x0  }
0x1c7: {  	s3 =	rddreg [dreg:$0x2];
	[bflag:$0x3] =	sbarrier.arrive $0xFFFF;
	s2 =	simm.s32 @!p0 $0x1C01  }
0x1c8: {  	[timem:s3], [sflag:s2] =	dma.local @!p0 [hbm:s0], s1  }
0x1c9: {  	s0 =	simm.s32 @!p0 $0x1  }
0x1ca: {  	_ =	swait.ge @!p0 [sflag:s0], s1  }
0x1cb: {  	s1 =	ssub.s32 @!p0 $0x0, s1;
	[sflag:s0] =	ssyncset.done @!p0 $0x0  }
0x1cc: {  	[sflag:s0] =	ssyncadd.s32 @!p0 s1  }
0x1cd: {  	[bflag:$0x3] =	sbarrier.arrive $0xFFFF  }
0x1ce: {  	_ =	shalt  }

// kernel: scatter_offload_async_start
scs
__scs_entry_jumppad:
0x0: {  	(pc) =	sbr.rel $0x88, $3  }
0x1: {  	(tag) =	ssettag $0x0;
	lr =	simm.s32 $0x1  }
0x2: {  	[smem:$0x3F9C] =	sst lr;
	_ =	strace $0xD0000000  }
0x3: {  	_ = 	snop  }
0x4: {  	_ = 	snop  }
0x5: {  	_ = 	snop  }
0x6: {  	_ = 	snop  }
0x7: {  	_ = 	snop  }
__scs_overlays_trampoline_lowered:
0x8: {  	[smem:$0x3FAB] =	sst s0  }
0x9: {  	[smem:$0x3FAC] =	sst s1  }
0xa: {  	[smem:$0x3FAD] =	sst s2  }
0xb: {  	[smem:$0x3FAE] =	sst s3  }
0xc: {  	[smem:$0x3FAF] =	sst s4  }
0xd: {  	[smem:$0x3FB0] =	sst s5  }
0xe: {  	[smem:$0x3FB1] =	sst s6  }
0xf: {  	[smem:$0x3FB2] =	sst s7  }
0x10: {  	[smem:$0x3FB3] =	sst s8  }
0x11: {  	[smem:$0x3FB4] =	sst s9;
	s0 =	simm.s32 @!p0 $0x0  }
0x12: {  	s1 =	sld [smem:$0x3F9A];
	s0 =	simm.s32 @p0 $0x1  }
0x13: {  	[smem:$0x3FB5] =	sst s0;
	s0 =	simm.s32 @!p1 $0x0  }
0x14: {  	s2 =	sld [smem:$0x3F99];
	s0 =	simm.s32 @p1 $0x1  }
0x15: {  	[smem:$0x3FB6] =	sst s0;
	s0 =	simm.s32 @!p2 $0x0  }
0x16: {  	s3 =	sld [smem:$0x3FDB];
	s0 =	simm.s32 @p2 $0x1  }
0x17: {  	s4 =	simm.s32 $0x1BF5;
	[smem:$0x3FB8] =	sst s0  }
0x18: {  	s0 =	sld [smem:$0x3F9B];
	_ =	swait.ge [sflag:s4], $0x0  }
0x19: {  	s7 =	sld [smem:$0x3F9C]  }
0x1a: {  	s8 =	sadd.s32 $0xFFFFE003, lr  }
0x1b: {  	s9 =	sadd.s32 $0xFFFFFEF7, lr;
	s5 =	simm.s32 $0xFFFFFFFF;
	p2 =	slt.u32 s8, $0xFFFFF086  }
0x1c: {  	p1 =	slt.u32 s9, $0xF7A;
	s5 =	simm.s32 @!p2 $0x0  }
0x1d: {  	s5 =	simm.s32 @p1 $0x1;
	p0 =	seq.s32 s7, s2  }
0x1e: {  	s7 =	smul.u32 @!p0 $0xF7A, s2;
	p2 =	seq.s32 @!p0 s5, $0x0  }
0x1f: {  	s9 =	smul.u32 $0xF7A, s1;
	s8 =	simm.s32 @!p0 $0x1BF5;
	p2 =	por !p2, p0  }
0x20: {  	[sflag:s8] =	ssyncset.s32 @!p0 $0xFFFFF086;
	s6 =	sadd.s32 @!p0 s3, s7;
	s7 =	simm.s32 @!p0 $0x108  }
0x21: {  	s3 =	sadd.s32 s3, s9;
	s6 =	sadd.s32 @!p0 $0x88, s6;
	s7 =	simm.s32 @p2 $0x1082  }
0x22: {  	[simem:s7], [sflag:s8] =	dma.local @!p0 [hbm:s6], $0xF7A  }
0x23: {  	s9 =	sor.u32 $0xD0000000, s2;
	s6 =	simm.s32 $0x108;
	_ =	swait.ge @!p0 [sflag:s8], $0x0  }
0x24: {  	s3 =	sadd.s32 $0x88, s3;
	s6 =	simm.s32 @!p1 $0x1082;
	[sflag:s4] =	ssyncset.s32 $0xFFFFF086  }
0x25: {  	[simem:s6], [sflag:s4] =	dma.local [hbm:s3], $0xF7A  }
0x26: {  	[smem:$0x3F9C] =	sst s1;
	(tag) =	ssettag s2;
	_ =	strace s9  }
0x27: {  	s1 =	sld [smem:$0x3FAC]  }
0x28: {  	s2 =	sld [smem:$0x3FAD]  }
0x29: {  	s4 =	sld [smem:$0x3FAF]  }
0x2a: {  	p0 =	seq.s32 s5, $0x0;
	s5 =	sld [smem:$0x3FB0]  }
0x2b: {  	s6 =	sld [smem:$0x3FB1]  }
0x2c: {  	s7 =	sld [smem:$0x3FB2]  }
0x2d: {  	s3 =	simm.s32 $0x108;
	s8 =	sld [smem:$0x3FB3]  }
0x2e: {  	s3 =	simm.s32 @!p0 $0x1082;
	s9 =	sld [smem:$0x3FB4]  }
0x2f: {  	lr =	sadd.s32 s0, s3;
	s0 =	sld [smem:$0x3FAB]  }
0x30: {  	s3 =	sld [smem:$0x3FAE]  }
0x31: {  	[smem:$0x3FB7] =	sst s10  }
0x32: {  	s10 =	sld [smem:$0x3FB5];
	_ =	sdelay $0x3  }
0x33: {  	p0 =	seq.s32 s10, $0x1;
	s10 =	sld [smem:$0x3FB7];
	_ =	sdelay $0x3  }
0x34: {  	[smem:$0x3FB7] =	sst s10  }
0x35: {  	s10 =	sld [smem:$0x3FB6];
	_ =	sdelay $0x3  }
0x36: {  	p1 =	seq.s32 s10, $0x1;
	s10 =	sld [smem:$0x3FB7];
	_ =	sdelay $0x3  }
0x37: {  	[smem:$0x3FB7] =	sst s10  }
0x38: {  	s10 =	sld [smem:$0x3FB8]  }
0x39: {  	_ = 	snop;
	(pc) =	sbr.ind lr, $3  }
0x3a: {  	_ = 	snop  }
0x3b: {  	_ = 	snop  }
0x3c: {  	p2 =	seq.s32 s10, $0x1;
	s10 =	sld [smem:$0x3FB7]  }
0x3d: {  	_ =	shalt  }
0x3e: {  	_ =	shalt  }
0x3f: {  	_ =	shalt  }
0x40: {  	_ =	shalt  }
0x41: {  	_ =	shalt  }
0x42: {  	_ =	shalt  }
0x43: {  	_ =	shalt  }
0x44: {  	_ =	shalt  }
0x45: {  	_ =	shalt  }
0x46: {  	_ =	shalt  }
0x47: {  	_ =	shalt  }
0x48: {  	_ =	shalt  }
0x49: {  	_ =	shalt  }
0x4a: {  	_ =	shalt  }
0x4b: {  	_ =	shalt  }
0x4c: {  	_ =	shalt  }
0x4d: {  	_ =	shalt  }
0x4e: {  	_ =	shalt  }
0x4f: {  	_ =	shalt  }
0x50: {  	_ =	shalt  }
0x51: {  	_ =	shalt  }
0x52: {  	_ =	shalt  }
0x53: {  	_ =	shalt  }
0x54: {  	_ =	shalt  }
0x55: {  	_ =	shalt  }
0x56: {  	_ =	shalt  }
0x57: {  	_ =	shalt  }
0x58: {  	_ =	shalt  }
0x59: {  	_ =	shalt  }
0x5a: {  	_ =	shalt  }
0x5b: {  	_ =	shalt  }
0x5c: {  	_ =	shalt  }
0x5d: {  	_ =	shalt  }
0x5e: {  	_ =	shalt  }
0x5f: {  	_ =	shalt  }
0x60: {  	_ =	shalt  }
0x61: {  	_ =	shalt  }
0x62: {  	_ =	shalt  }
0x63: {  	_ =	shalt  }
0x64: {  	_ =	shalt  }
0x65: {  	_ =	shalt  }
0x66: {  	_ =	shalt  }
0x67: {  	_ =	shalt  }
0x68: {  	_ =	shalt  }
0x69: {  	_ =	shalt  }
0x6a: {  	_ =	shalt  }
0x6b: {  	_ =	shalt  }
0x6c: {  	_ =	shalt  }
0x6d: {  	_ =	shalt  }
0x6e: {  	_ =	shalt  }
0x6f: {  	_ =	shalt  }
0x70: {  	_ =	shalt  }
0x71: {  	_ =	shalt  }
0x72: {  	_ =	shalt  }
0x73: {  	_ =	shalt  }
0x74: {  	_ =	shalt  }
0x75: {  	_ =	shalt  }
0x76: {  	_ =	shalt  }
0x77: {  	_ =	shalt  }
0x78: {  	_ =	shalt  }
0x79: {  	_ =	shalt  }
0x7a: {  	_ =	shalt  }
0x7b: {  	_ =	shalt  }
0x7c: {  	_ =	shalt  }
0x7d: {  	_ =	shalt  }
0x7e: {  	_ =	shalt  }
0x7f: {  	_ =	shalt  }
0x80: {  	_ =	shalt  }
0x81: {  	_ =	shalt  }
0x82: {  	_ =	shalt  }
0x83: {  	_ =	shalt  }
0x84: {  	_ =	shalt  }
0x85: {  	_ =	shalt  }
0x86: {  	_ =	shalt  }
0x87: {  	_ =	shalt  }
.Lfunc_end0:
.L_simem_size_0:
called_computation_lowered:
.L_overlay_start_0:
0x88: {  	s0 =	sld [smem:$0x3FD9]  }
0x89: {  	s1 =	sld [smem:$0x3FFE];
	_ =	sdelay $0x3  }
0x8a: {  	s0 =	sadd.s32 s1, s0  }
0x8b: {  	[smem:$0x3FC3] =	sst s0  }
0x8c: {  	_ = 	snop  }
0x8d: {  	s0 =	sld [smem:$0x3FD0];
	_ =	sdelay $0x2  }
0x8e: {  	s13 =	simm.s32 $0xA;
	s2 =	simm.s32 $0x10  }
0x8f: {  	[smem:s2], [sflag:s13] =	dma.local [hbm:s0], $0x1  }
0x90: {  	_ =	swait.eq [sflag:s13], $0x1  }
0x91: {  	[sflag:s13] =	ssyncset.done $0x0  }
0x92: {  	s14 =	sld [smem:$0x12];
	[sflag:s13] =	ssyncadd.s32 $0xFFFFFFFF  }
0x93: {  	s15 =	sld [smem:$0x13];
	(tm) =	ssettm $0x1  }
0x94: {  	s16 =	sld [smem:$0x3FFB];
	_ =	sdelay $0x3  }
0x95: {  	_ =	strace s16  }
0x96: {  	s2 =	sld [smem:$0x3FFC];
	_ =	sdelay $0x3  }
0x97: {  	_ =	strace s2  }
0x98: {  	s2 =	sld [smem:$0x3FFD];
	_ =	sdelay $0x3  }
0x99: {  	_ =	strace s2  }
0x9a: {  	_ =	strace $0x8FFFFFFF  }
0x9b: {  	s17 =	sld [smem:$0x3FDB];
	_ =	sdelay $0x1  }
0x9c: {  	s3 =	simm.s32 $_scs_section_size  }
0x9d: {  	s4 =	simm.s32 $_size__tile_overlayer_lowered;
	s5 =	simm.s32 $_tile_overlayer_lowered  }
0x9e: {  	s20 =	simm.s32 $0x1BFF;
	s19 =	sshll.u32 s5, $0x1;
	s2 =	sadd.s32 s3, s17  }
0x9f: {  	s6 =	simm.s32 $0x0;
	s18 =	sshll.u32 s4, $0x1;
	s4 =	sadd.s32 s19, s2  }
0xa0: {  	[timem:s6], [sflag:s20] =	dma.local [hbm:s4], s18  }
0xa1: {  	_ =	swait.ge [sflag:s20], s18  }
0xa2: {  	s3 =	ssub.s32 $0x0, s18;
	[sflag:s20] =	ssyncset.done $0x0  }
0xa3: {  	[sflag:s20] =	ssyncadd.s32 s3;
	_ =	sdelay $0x1  }
0xa4: {  	s21 =	simm.s32 $0x1B8B  }
0xa5: {  	_ =	swait.ge [sflag:s21], $0x1  }
0xa6: {  	[sflag:s21] =	ssyncset.done $0x0  }
0xa7: {  	s23 =	simm.s32 $0x1B8E;
	s22 =	sld [smem:$0x3FFE];
	[sflag:s21] =	ssyncadd.s32 $0xFFFFFFFF  }
0xa8: {  	s24 =	simm.s32 $execute0_lowered;
	[smem:$0x3FD2] =	sst s23  }
0xa9: {  	s4 =	sshll.u32 s24, $0x1;
	_ =	strace $0x8000004C;
	[dreg:$0x1] =	wrdreg $0xFFFFFFFF  }
0xaa: {  	s25 =	simm.s32 $_size_execute0_lowered;
	s2 =	sadd.s32 s2, s4;
	[dreg:$0x0] =	wrdreg $0x0  }
0xab: {  	s4 =	sshll.u32 s25, $0x1;
	[dreg:$0x2] =	wrdreg s2  }
0xac: {  	[dreg:$0x3] =	wrdreg s4  }
0xad: {  	[dreg:$0x4] =	wrdreg $0xC0  }
0xae: {  	_ =	task [dreg:s6], $0x5FFFF  }
0xaf: {  	[dreg:$0x1] =	wrdreg $0xFFFFFFFF  }
0xb0: {  	[dreg:$0x0] =	wrdreg $0x60  }
0xb1: {  	[dreg:$0x2] =	wrdreg s15  }
0xb2: {  	[dreg:$0x3] =	wrdreg s14  }
0xb3: {  	[dreg:$0x4] =	wrdreg s22  }
0xb4: {  	[dreg:$0x5] =	wrdreg $0x9  }
0xb5: {  	_ =	task.clear_ibuf [dreg:s6], $0x6FFFF;
	_ =	strace $0x9000004C  }
0xb6: {  	s26 =	simm.s32 $0x9;
	_ =	strace $0x8000004E  }
0xb7: {  	_ =	swait.ge [sflag:s26], $0x1  }
0xb8: {  	[sflag:s26] =	ssyncadd.s32 $0xFFFFFFFF  }
0xb9: {  	_ =	strace $0x9000004E  }
0xba: {  	_ =	sfence  }
0xbb: {  	s28 =	sld [smem:$0x0];
	_ =	sdelay $0x1  }
0xbc: {  	s29 =	srdreg.scid  }
0xbd: {  	s30 =	sshll.u32 s29, $0xD;
	s31 =	sshrl.u32 s29, $0x2  }
0xbe: {  	s1 =	sand.u32 $0x1, s29;
	s2 =	sand.u32 $0x4000, s30;
	s0 =	sadd.s32 s31, s28  }
0xbf: {  	s1 =	sor.u32 s2, s1;
	s0 =	sshll.u32 s0, $0x11  }
0xc0: {  	s0 =	sor.u32 s0, s1  }
0xc1: {  	s0 =	sadd.s32 $0x8F2B, s0  }
0xc2: {  	[sflag:s0] =	ssyncadd.remote.s32 $0x1  }
0xc3: {  	_ =	sfence.sel $0xFFFF  }
0xc4: {  	[dreg:$0x0] =	wrdreg $0xFFFFFFFF;
	(pc) =	sbr.abs _section_cstart, $3  }
0xc5: {  	[dreg:$0x1] =	wrdreg $0xFFFFFFFF  }
0xc6: {  	_ =	task.clear_ibuf [dreg:s6], $0x2FFFF;
	_ =	strace $0x9FFFFFFF  }
0xc7: {  	(tm) =	ssettm $0x7FFFFFFF  }
tec
execute0_lowered:
.L_overlay_start_1:
0x0: {  	(tag) =	ssettag $0x1  }
0x1: {  	s1 =	rddreg [dreg:$0x0]  }
0x2: {  	s0 =	rddreg [dreg:$0x2];
	_ =	strace $0x8000004D;
	s4 =	simm.s32 $0x1  }
0x3: {  	v1 =	vimm.s32 $0xFFFFFFFF;
	[sflag:s4] =	ssyncpa.u1 $0x0  }
0x4: {  	[tilespmem:$0x10] =	vst v1  }
0x5: {  	v0 =	vimm.f32 $0.0e+00;
	[tilespmem:$0x20] =	vst v1  }
0x6: {  	[tilespmem:$0x30] =	vst v0  }
0x7: {  	s2 =	simm.s32 $0x2;
	s26 =	stileid.u32;
	[tilespmem:$0x40] =	vst v0  }
0x8: {  	s5 =	simm.s32 $0x7;
	s7 =	simm.s32 $0x8;
	s31 =	simm.s32 $0x9;
	[tilespmem:$0x50] =	vst v0  }
0x9: {  	s14 =	simm.s32 $0x0;
	s15 =	simm.s32 $0x100;
	s17 =	simm.s32 $0x29F;
	[tilespmem:$0x60] =	vst v1  }
0xa: {  	s18 =	simm.s32 $0x10;
	s19 =	simm.s32 $0xFA0;
	s20 =	simm.s32 $0xF;
	[tilespmem:$0x70] =	vst v1  }
0xb: {  	s21 =	simm.s32 $0x50;
	s22 =	simm.s32 $0x77F;
	s23 =	simm.s32 $0x20;
	[tilespmem:$0x80] =	vst v1  }
0xc: {  	s24 =	simm.s32 $0x30;
	s25 =	simm.s32 $0xDFF;
	s6 =	smul.u32 $0x1A0, s26;
	v1 =	vimm.s32 $0x0;
	[tilespmem:$0xB0] =	vst v0  }
.Ltmp0:
0xd: {  	s30 =	simm.s32 $0x0;
	s29 =	simm.s32 $0x0;
	[tilespmem:$0x90] =	vst v1;
	(pc) =	sbr.rel .LBB2_1-.Ltmp0, $4  }
0xe: {  	s8 =	sadd.s32 $0xE00, s0;
	s10 =	sshll.u32 s26, $0x1;
	[tilespmem:$0xA0] =	vst v1;
	[sflag:s2] =	ssyncpa.u1 $0x0  }
0xf: {  	s12 =	sshllo.u32 s26, $0x1;
	s26 =	simm.s32 $0x80;
	[sflag:s5] =	ssyncpa.u1 $0x0  }
0x10: {  	vm0 =	vmmov $0xffff;
	v2 =	vlaneseq.u32;
	s11 =	sor.u32 $0x81, s10;
	s13 =	sor.u32 $0x80, s10;
	[sflag:s7] =	ssyncpa.u1 $0x0  }
0x11: {  	vm1 =	vmxor vm1, vm1;
	vm2 =	vmmov $0x1;
	vm3 =	vcmask $0x3F3C;
	s9 =	sadd.s32 $0x1A0, s6;
	s28 =	smov.u32 s6;
	[sflag:s31] =	ssyncpa.u1 $0x0  }
.LBB2_3:
0x12: {  	s0 =	sshrl.u32 s28, $0x3;
	s2 =	rddreg [dreg:$0x1]  }
0x13: {  	s31 =	sand.u32 $0x7, s28;
	s0 =	sadd.s32 s2, s0  }
0x14: {  	[tilespmem:s15], [sflag:$0x7] =	stream.linear.gather [hbm4b:s0+s31], $0x1A0, $0x38;
	[tilespmem:$0xFC0] =	vst v63  }
.LBB2_4:
0x15: {  	s0 =	sadd.s32 $0x1A0, s28  }
0x16: {  	s2 =	smov.u32 s6;
	s29 =	sadd.s32 $0x1, s29;
	p0 =	slt.s32 s0, s9  }
0x17: {  	s2 =	smov.u32 @p0 s0;
	p0 =	sne.s32 s29, $0x4  }
.Ltmp1:
0x18: {  	_ = 	snop;
	(pc) =	sbr.rel @!p0 .LBB2_13-.Ltmp1, $2  }
0x19: {  	_ =	sdelay $0x2  }
0x1a: {  	s30 =	smov.u32 s28;
	s28 =	smov.u32 s2  }
.LBB2_1:
0x1b: {  	p0 =	sgt.s32 s29, $0x1  }
.Ltmp2:
0x1c: {  	_ = 	snop;
	(pc) =	sbr.rel @p0 .LBB2_11-.Ltmp2, $1  }
0x1d: {  	_ =	sdelay $0x3  }
0x1e: {  	p0 =	seq.s32 s29, $0x0  }
.Ltmp3:
0x1f: {  	_ = 	snop;
	(pc) =	sbr.rel @p0 .LBB2_3-.Ltmp3, $1  }
0x20: {  	_ =	sdelay $0x3  }
0x21: {  	_ =	swait.ge [sflag:s5], $0x1A0  }
0x22: {  	[sflag:s5] =	ssyncset.done $0x0  }
0x23: {  	[sflag:s5] =	ssyncadd.s32 $0xFFFFFE60;
	(ifvalue) =	ssetifvalue $0xFFFFFFFF;
	v3 =	vld.msk [tilespmem:s15+$0x0 ss:$0x1], $0xffff;
	_ =	sdelay $0x4  }
0x24: {  	v4 =	vperm.xlane v3, v1  }
0x25: {  	vm4 =	vlt.u32 v3, $0x100000  }
0x26: {  	v3 =	vnsel vm4, $0xFFFFFFFE, v3;
	vm4 =	vlt.u32 v4, $0x100000  }
0x27: {  	[tilespmem:$0x70] =	vst v3;
	v3 =	vnsel vm4, $0xFFFFFFFE, v4  }
0x28: {  	s16 =	simm.s32 $0x290;
	[tilespmem:$0x80] =	vst v3  }
0x29: {  	v3 =	vld.msk [tilespmem:s16+$0x0 ss:$0x1], $0xffff;
	_ =	sdelay $0x4  }
0x2a: {  	(xrf1) =	vunique.msk.u32 $0xffff, v3;
	_ =	sdelay $0xd  }
0x2b: {  	v4 =	vimm.s32 $0xFFFFFFFF;
	v5, _, _ =	vpop (xrf1)  }
0x2c: {  	vm5 =	vne.s32 v3, v4;
	vm4 =	veq.s32 v5, v2  }
0x2d: {  	vm6 =	vlt.u32 v3, $0x100000;
	vm4 =	vmand vm5, vm4  }
0x2e: {  	vm4 =	vmand vm6, vm4  }
0x2f: {  	v4 =	vnsel vm4, $0xFFFFFFFF, v3;
	_ =	sdelay $0x3  }
0x30: {  	s0 =	simm.s32 $0x770;
	(ifvalue) =	ssetifvalue $0xFFFFFFFF  }
0x31: {  	v3 =	vperm.xlane v3, v1;
	[tilespmem:s0], [sflag:$0x8] =	stream.indirect_vreg.gather [hbm4b:s1+s14], $0x1, v4, vm0, $0x4038;
	v4 =	vnsel vm6, $0xFFFFFFFE, v4;
	[tilespmem:$0xFC0] =	vst v63  }
0x32: {  	s2 =	simm.s32 $0x0;
	s3 =	simm.s32 $0x280;
	[tilespmem:s16+$0x0] =	vst v4  }
.LBB2_6:
0x33: {  	v4 =	vld.msk [tilespmem:s3+$0x0 ss:$0x1], $0xffff;
	s2 =	sadd.s32 $0x10, s2;
	v5 =	vmov v3;
	s16 =	smov.u32 s3  }
0x34: {  	p0 =	slt.u32 s2, $0x190;
	_ =	sdelay $0x4  }
0x35: {  	v3 =	vperm.xlane v4, v1;
	(xrf1) =	vunique.msk.u32 $0xffff, v4;
	_ =	sdelay $0xd  }
0x36: {  	v6, _, _ =	vpop (xrf1)  }
0x37: {  	vm5 =	vne.s32 v4, v5;
	vm4 =	veq.s32 v6, v2  }
0x38: {  	vm6 =	vlt.u32 v4, $0x100000;
	vm4 =	vmand vm5, vm4  }
0x39: {  	vm4 =	vmand vm6, vm4  }
0x3a: {  	v4 =	vnsel vm4, $0xFFFFFFFF, v4  }
.Ltmp4:
0x3b: {  	v5 =	vnsel vm6, $0xFFFFFFFE, v4;
	(pc) =	sbr.rel @p0 .LBB2_6-.Ltmp4, $3  }
0x3c: {  	_ =	sdelay $0x1  }
0x3d: {  	s3 =	sadd.s32 $0xFFFFFFF0, s3;
	s0 =	sadd.s32 $0xFFFFFFF0, s0;
	(ifvalue) =	ssetifvalue $0xFFFFFFFF  }
0x3e: {  	[tilespmem:s0], [sflag:$0x8] =	stream.indirect_vreg.gather [hbm4b:s1+s14], $0x1, v4, vm0, $0x4038;
	[tilespmem:s16+$0x0] =	vst v5  }
.Ltmp5:
0x3f: {  	(pc) =	sbr.rel .LBB2_4-.Ltmp5, $4  }
0x40: {  	_ = 	snop  }
0x41: {  	s0 =	sshrl.u32 s30, $0x3  }
0x42: {  	s2 =	simm.s32 $0x920;
	s0 =	sadd.s32 s8, s0  }
0x43: {  	[tilespmem:s2], [sflag:$0x8] =	stream.linear.gather [hbm:s0], $0x1A0, $0x38;
	[tilespmem:$0xFC0] =	vst v63  }
.LBB2_11:
0x44: {  	p0 =	seq.s32 s29, $0x2  }
.Ltmp6:
0x45: {  	_ = 	snop;
	(pc) =	sbr.rel @!p0 .LBB2_12-.Ltmp6, $1  }
0x46: {  	_ =	sdelay $0x3  }
0x47: {  	_ =	swait.ge [sflag:s7], $0x340  }
0x48: {  	[sflag:s7] =	ssyncset.done $0x0  }
0x49: {  	[sflag:s7] =	ssyncadd.s32 $0xFFFFFCC0  }
0x4a: {  	[spmem:s11] =	stream.linear.scatter [tilespmem:s17], [sflag:$0x1], $0x1, $0x38;
	[tilespmem:$0xFC0] =	vst v63  }
0x4b: {  	_ =	swait.ge [sflag:s4], $0x1  }
0x4c: {  	[sflag:s4] =	ssyncset.done $0x0  }
0x4d: {  	[sflag:s4] =	ssyncadd.s32 $0xFFFFFFFF  }
0x4e: {  	v4 =	vld [tilespmem:$0x10]  }
0x4f: {  	v5 =	vld [tilespmem:$0x70]  }
0x50: {  	v3 =	vld [tilespmem:$0x80];
	_ =	sdelay $0x2  }
0x51: {  	(v2sf) =	vpush v4, $0x0  }
0x52: {  	(v2sf) =	vpush v5, $0x0  }
0x53: {  	(v2sf) =	vpush v3, $0x0;
	_ =	sdelay $0xc  }
0x54: {  	s0 =	spop (v2sf)  }
0x55: {  	s2 =	spop (v2sf)  }
0x56: {  	s30 =	spop (v2sf)  }
0x57: {  	p0 =	seq.s32 s0, s2;
	p1 =	seq.s32 s30, s0  }
0x58: {  	p1 =	por p0, p1  }
0x59: {  	v4 =	vpsel p1, $0xFFFFFFFF, v4  }
0x5a: {  	[tilespmem:s18+$0x0] =	vst.msk $0x1, v4  }
0x5b: {  	v4 =	vld [tilespmem:$0x30]  }
0x5c: {  	v5 =	vld [tilespmem:$0x920]  }
0x5d: {  	v6 =	vld [tilespmem:$0x40];
	_ =	sdelay $0x3  }
0x5e: {  	vm4 =	vmmov vm1;
	v5 =	vadd.f32 v5, v4  }
0x5f: {  	vm5 =	vmmov vm2;
	s31 =	simm.s32 $0x920;
	vm4 =	vmmov @p0 vm2;
	v4 =	vadd.f32 v6, v4  }
0x60: {  	vm5 =	vmmov @p1 vm1;
	[tilespmem:s31+$0x0] =	vst.msk vm4, v5  }
0x61: {  	[tilespmem:s19+$0x0] =	vst.msk vm5, v4  }
0x62: {  	v4 =	vld [tilespmem:$0x770];
	_ =	sdelay $0x3  }
0x63: {  	v5 =	vimm.f32 $0.0e+00  }
0x64: {  	v4 =	vshift.insert v4, v5, s20;
	_ =	sdelay $0x1  }
0x65: {  	[tilespmem:s21+$0x0] =	vst.msk $0x1, v4  }
0x66: {  	[tilespmem:s22+$0x0] =	vst.msk $0x1, v5  }
0x67: {  	v4 =	vld [tilespmem:$0x290];
	_ =	sdelay $0x4  }
0x68: {  	v4 =	vshift.insert v4, v1, s20;
	_ =	sdelay $0x1  }
0x69: {  	[tilespmem:s23+$0x0] =	vst.msk $0x1, v4  }
0x6a: {  	s16 =	simm.s32 $0x100;
	v6 =	vld [tilespmem:s31+$0x0]  }
0x6b: {  	v7 =	vld [tilespmem:s16+$0x0];
	_ =	sdelay $0x3  }
0x6c: {  	v5 =	vadd.f32 v6, v5  }
0x6d: {  	vm4 =	vne.s32 v7, $0xFFFFFFFF  }
0x6e: {  	(xrf2) =	vadd.seg.scan.f32 vm4, v5;
	_ =	sdelay $0x3  }
0x6f: {  	s0 =	simm.s32 $0x5E0;
	v5 =	vperm.xlane v4, v1  }
0x70: {  	v6 =	vld [tilespmem:s0+$0x0]  }
0x71: {  	vm5 =	veq.s32 v7, v3;
	vm6 =	veq.s32 v7, v5  }
0x72: {  	vm7 =	vgt.u32 v7, $0xFFFFFFFD;
	vm6 =	vmor vm6, vm5  }
0x73: {  	vm6 =	vmor vm6, vm7  }
0x74: {  	v9 =	vld [tilespmem:$0xA0];
	v7 =	vsel vm6, $0xFFFFFFFF, v7  }
0x75: {  	v10 =	vld [tilespmem:$0x90];
	v6 =	vsel vm5, $0x0, v6;
	v8, _, _ =	vpop (xrf2)  }
0x76: {  	v6 =	vadd.f32 v8, v6  }
0x77: {  	s2 =	simm.s32 $0xC60  }
0x78: {  	vm4 =	vmand vm4, vm3;
	[tilespmem:s2+$0x0] =	vst v6;
	(ifvalue) =	ssetifvalue $0xFFFFFFFF  }
0x79: {  	vm6 =	veq.s32 v9, $0x1;
	[hbm4b:s1+s14] =	stream.indirect_vreg.scatter [tilespmem:s2], [sflag:$0x2], $0x1, v7, vm0, $0x4038;
	v7 =	vsel vm4, $0x0, v8;
	[tilespmem:$0xFC0] =	vst v63  }
0x7a: {  	s3 =	simm.s32 $0x0;
	s16 =	simm.s32 $0x110;
	vm4 =	vmor vm6, vm5;
	v6 =	vsel vm5, v8, v10;
	v7 =	vshift.insert v7, v0, s20  }
.LBB2_9:
0x7b: {  	v8 =	vld [tilespmem:s16+$0x0];
	s31 =	sadd.s32 $0x10, s31  }
0x7c: {  	s0 =	sadd.s32 $0x10, s0;
	v9 =	vld [tilespmem:s31+$0x0]  }
0x7d: {  	s3 =	sadd.s32 $0x10, s3;
	v10 =	vld [tilespmem:s0+$0x0]  }
0x7e: {  	p0 =	slt.u32 s3, $0x190;
	_ =	sdelay $0x2  }
0x7f: {  	v7 =	vadd.f32 v9, v7  }
0x80: {  	vm5 =	vne.s32 v8, $0xFFFFFFFF  }
0x81: {  	vm6 =	vmand vm5, vm3;
	(xrf2) =	vadd.seg.scan.f32 vm5, v7;
	_ =	sdelay $0x5  }
0x82: {  	vm7 =	veq.s32 v8, v5;
	vm5 =	veq.s32 v8, v3  }
0x83: {  	vm8 =	vgt.u32 v8, $0xFFFFFFFD;
	vm4 =	vmor vm4, vm5;
	vm7 =	vmor vm7, vm5  }
0x84: {  	vm7 =	vmor vm7, vm8  }
0x85: {  	v8 =	vsel vm7, $0xFFFFFFFF, v8  }
.Ltmp7:
0x86: {  	v7 =	vsel vm5, $0x0, v10;
	v9, _, _ =	vpop (xrf2);
	(pc) =	sbr.rel @p0 .LBB2_9-.Ltmp7, $4  }
0x87: {  	v6 =	vsel vm5, v9, v6;
	v10 =	vadd.f32 v9, v7;
	v7 =	vsel vm6, $0x0, v9  }
0x88: {  	s2 =	sadd.s32 $0x10, s2;
	v7 =	vshift.insert v7, v0, s20  }
0x89: {  	s16 =	sadd.s32 $0x10, s16;
	[tilespmem:s2+$0x0] =	vst v10;
	(ifvalue) =	ssetifvalue $0xFFFFFFFF  }
0x8a: {  	[hbm4b:s1+s14] =	stream.indirect_vreg.scatter [tilespmem:s2], [sflag:$0x2], $0x1, v8, vm0, $0x4038;
	[tilespmem:$0xFC0] =	vst v63  }
0x8b: {  	v3 =	vld [tilespmem:$0xDF0];
	_ =	sdelay $0x4  }
0x8c: {  	v3 =	vshift.insert v3, v0, s20;
	_ =	sdelay $0x1  }
0x8d: {  	[tilespmem:s24+$0x0] =	vst.msk $0x1, v3  }
0x8e: {  	v3 =	vsel vm4, $0x1, v1;
	[tilespmem:$0x90] =	vst v6  }
0x8f: {  	[tilespmem:$0xA0] =	vst v3  }
0x90: {  	[spmem:s12] =	stream.linear.scatter [tilespmem:s25], [sflag:$0x1], $0x1, $0x38;
	[tilespmem:$0xFC0] =	vst v63  }
0x91: {  	v3 =	vmctz.xlane vm4;
	_ =	swait.ge [sflag:s4], $0x1  }
0x92: {  	(v2sf) =	vpush v4, $0x0  }
0x93: {  	(v2sf) =	vpush v3, $0x0;
	_ =	sdelay $0xd  }
0x94: {  	s0 =	spop (v2sf)  }
0x95: {  	s2 =	spop (v2sf)  }
0x96: {  	[sflag:s4] =	ssyncset.done $0x0;
	p0 =	sne.s32 s30, s0;
	p1 =	slt.s32 s2, $0xF  }
0x97: {  	[sflag:s4] =	ssyncadd.s32 $0xFFFFFFFF;
	v3 =	vimm.s32 @!p0 $0xFFFFFFFF;
	s2 =	simm.s32 @!p1 $0xF  }
0x98: {  	[tilespmem:$0x80] =	vst @!p0 v3;
	s31 =	sadd.s32 $0x90, s2  }
0x99: {  	[spmem:s10] =	stream.linear.scatter [tilespmem:s31], [sflag:$0x1], $0x1, $0x38;
	[tilespmem:$0xFC0] =	vst v63  }
0x9a: {  	_ =	swait.ge [sflag:s4], $0x1  }
0x9b: {  	[sflag:s4] =	ssyncset.done $0x0  }
0x9c: {  	[sflag:s4] =	ssyncadd.s32 $0xFFFFFFFF  }
0x9d: {  	[spmem:s13] =	stream.linear.scatter [tilespmem:s26], [sflag:$0x1], $0x1, $0x38;
	[tilespmem:$0xFC0] =	vst v63  }
0x9e: {  	_ =	swait.ge [sflag:s4], $0x1  }
0x9f: {  	[sflag:s4] =	ssyncset.done $0x0  }
0xa0: {  	[sflag:s4] =	ssyncadd.s32 $0xFFFFFFFF;
	(ifvalue) =	ssetifvalue $0xFFFFFFFF;
	v3 =	vld [tilespmem:$0x10];
	_ =	sdelay $0x3  }
.Ltmp8:
0xa1: {  	_ = 	snop;
	(pc) =	sbr.rel .LBB2_4-.Ltmp8, $3  }
0xa2: {  	_ =	sdelay $0x1  }
0xa3: {  	(ifvalue) =	ssetifvalue $0xFFFFFFFF  }
0xa4: {  	[hbm4b:s1+s14] =	stream.indirect_vreg.scatter [tilespmem:s19], [sflag:$0x9], $0x1, v3, vm0, $0x4038;
	[tilespmem:$0xFC0] =	vst v63  }
.LBB2_12:
0xa5: {  	s0 =	simm.s32 $0x2  }
0xa6: {  	_ =	swait.ge [sflag:s0], $0x1A0  }
0xa7: {  	[sflag:s0] =	ssyncset.done $0x0  }
0xa8: {  	s31 =	simm.s32 $0x9;
	[sflag:s0] =	ssyncadd.s32 $0xFFFFFE60  }
0xa9: {  	_ =	swait.ge [sflag:s31], $0x10  }
0xaa: {  	[sflag:s31] =	ssyncset.done $0x0  }
0xab: {  	[sflag:s31] =	ssyncadd.s32 $0xFFFFFFF0  }
.LBB2_13:
0xac: {  	_ =	sfence.sel $0x180000  }
0xad: {  	s0 =	simm.s32 $0x7;
	[bflag:$0x0] =	sbarrier.arrive $0xFFFF  }
0xae: {  	s26 =	simm.s32 $0x8;
	[sflag:s0] =	ssyncpa.u1 $0x1  }
0xaf: {  	s28 =	simm.s32 $0x9;
	[sflag:s26] =	ssyncpa.u1 $0x1  }
0xb0: {  	[sflag:s28] =	ssyncpa.u1 $0x1  }
0xb1: {  	_ =	sfence.stream.spmem  }
0xb2: {  	s29 =	simm.s32 $0x3;
	[bflag:$0x0] =	sbarrier.arrive $0xFFFF  }
0xb3: {  	s30 =	simm.s32 $0x4;
	[sflag:s29] =	ssyncpa.u1 $0x1  }
0xb4: {  	s31 =	simm.s32 $0x3C;
	s2 =	stileid.u32;
	[sflag:s30] =	ssyncpa.u1 $0x1  }
0xb5: {  	p0 =	sne.s32 s2, $0x0;
	[sflag:s31] =	ssyncpa.u1 $0x1  }
0xb6: {  	s0 =	simm.s32 @p0 $0x1;
	_ =	sfence @p0  }
0xb7: {  	[sflag:s0] =	ssyncpa.u1 @p0 $0x1;
	s0 =	simm.s32 @p0 $0x2  }
0xb8: {  	[sflag:s0] =	ssyncpa.u1 @p0 $0x1  }
0xb9: {  	_ =	strace @p0 $0x9000004D  }
0xba: {  	[bflag:$0x2] =	sbarrier.arrive @p0 $0xFFFF  }
0xbb: {  	_ =	shalt @p0  }
.LBB2_14:
0xbc: {  	_ =	sfence.stream.spmem;
	s0 =	simm.s32 $0x5  }
0xbd: {  	s2 =	simm.s32 $0x80;
	s3 =	simm.s32 $0xC0;
	[sflag:s0] =	ssyncpa.u1 $0x0  }
0xbe: {  	[tilespmem:s3], [sflag:$0x5] =	stream.linear.gather [spmem:s2], $0x20, $0x38;
	[tilespmem:$0xFC0] =	vst v63  }
0xbf: {  	s2 =	simm.s32 $0x0;
	s3 =	simm.s32 $0xE0  }
0xc0: {  	[tilespmem:s3], [sflag:$0x5] =	stream.linear.gather [spmem:s2], $0x20, $0x38;
	[tilespmem:$0xFC0] =	vst v63  }
.Ltmp9:
0xc1: {  	_ = 	snop;
	(pc) =	sbr.rel .LBB2_15-.Ltmp9, $4  }
0xc2: {  	_ =	swait.ge [sflag:s0], $0x40  }
0xc3: {  	[sflag:s0] =	ssyncset.done $0x0  }
0xc4: {  	s31 =	simm.s32 $0x6;
	[sflag:s0] =	ssyncadd.s32 $0xFFFFFFC0  }
0xc5: {  	s4 =	simm.s32 $0x0;
	[sflag:s31] =	ssyncpa.u1 $0x0  }
.LBB2_20:
0xc6: {  	p0 =	sgt.u32 s0, $0xFFFFF  }
0xc7: {  	s5 =	sshrl.u32 @!p0 s0, $0x3  }
0xc8: {  	s0 =	sand.u32 @!p0 $0x7, s0;
	s6 =	simm.s32 @!p0 $0xB0;
	s5 =	sadd.s32 @!p0 s1, s5  }
0xc9: {  	[tilespmem:s6], [sflag:$0x6] =	stream.linear.gather @!p0 [hbm4b:s5+s0], $0x1, $0x38;
	[tilespmem:$0xFC0] =	vst v63  }
0xca: {  	s0 =	simm.s32 @!p0 $0x6  }
0xcb: {  	_ =	swait.ge @!p0 [sflag:s0], $0x1  }
0xcc: {  	[sflag:s0] =	ssyncset.done @!p0 $0x0  }
0xcd: {  	[sflag:s0] =	ssyncadd.s32 @!p0 $0xFFFFFFFF  }
0xce: {  	v2 =	vmov @!p0 s4;
	v1 =	vld.msk @!p0 [tilespmem:$0xB0], $0x1;
	_ =	sdelay $0x3  }
0xcf: {  	s0 =	simm.s32 @!p0 $0xE0  }
0xd0: {  	[tilespmem:v2+s0+$0x0], v1 =	vst.idx.ret.add.f32.msk @!p0 $0x1, v1  }
0xd1: {  	[tilespmem:s2+$0xC0] =	vst.msk $0x1, v0  }
0xd2: {  	v0 =	vld.msk [tilespmem:s4+$0xE0], $0x1;
	_ =	sdelay $0x4  }
0xd3: {  	[tilespmem:s2+$0xE0] =	vst.msk $0x1, v0;
	s2 =	sadd.s32 $0x1, s2  }
.LBB2_22:
0xd4: {  	s4 =	sadd.s32 $0x1, s4  }
0xd5: {  	p0 =	sne.s32 s4, $0x20  }
.Ltmp10:
0xd6: {  	_ = 	snop;
	(pc) =	sbr.rel @!p0 .LBB2_23-.Ltmp10, $1  }
0xd7: {  	_ =	sdelay $0x3  }
.LBB2_15:
0xd8: {  	v0 =	vld.msk [tilespmem:s4+$0xC0], $0x1;
	_ =	sdelay $0x4  }
0xd9: {  	(v2sf) =	vpush v0, $0x0;
	_ =	sdelay $0xe  }
0xda: {  	s0 =	spop (v2sf)  }
0xdb: {  	p0 =	seq.s32 s0, $0xFFFFFFFF  }
.Ltmp11:
0xdc: {  	_ = 	snop;
	(pc) =	sbr.rel @p0 .LBB2_22-.Ltmp11, $1  }
0xdd: {  	_ =	sdelay $0x3  }
0xde: {  	p0 =	slt.s32 s2, $0x1  }
.Ltmp12:
0xdf: {  	_ = 	snop;
	(pc) =	sbr.rel @p0 .LBB2_20-.Ltmp12, $1  }
0xe0: {  	_ =	sdelay $0x3  }
0xe1: {  	s5 =	simm.s32 $0xC0;
	p0 =	por $0x0, $0x0  }
0xe2: {  	v1 =	vld.msk @!p0 [tilespmem:s5+$0x0], $0x1;
	_ =	sdelay $0x4  }
0xe3: {  	(v2sf) =	vpush @!p0 v1, $0x0;
	_ =	sdelay $0xd  }
0xe4: {  	p2 =	sne.s32 s2, $0x1  }
.Ltmp13:
0xe5: {  	s6 =	spop @!p0 (v2sf);
	(pc) =	sbr.rel @!p2 .LBB2_19-.Ltmp13, $4  }
0xe6: {  	p1 =	seq.s32 @!p0 s0, s6  }
0xe7: {  	s6 =	simm.s32 $0x0;
	p1 =	por !p1, p0  }
0xe8: {  	s8 =	simm.s32 $0xFFFFFFFF;
	s6 =	simm.s32 @p1 $0xFFFFFFFF  }
0xe9: {  	s7 =	simm.s32 $0x1;
	s6 =	smov.u32 @p0 s8  }
.LBB2_18:
0xea: {  	s8 =	smov.u32 s6;
	p0 =	sne.s32 s6, $0xFFFFFFFF  }
0xeb: {  	s5 =	sadd.s32 $0x1, s5;
	s6 =	smov.u32 s7;
	s7 =	sadd.s32 $0x1, s7  }
0xec: {  	p1 =	sne.s32 s2, s7;
	v1 =	vld.msk @!p0 [tilespmem:s5+$0x0], $0x1;
	_ =	sdelay $0x4  }
0xed: {  	(v2sf) =	vpush @!p0 v1, $0x0;
	_ =	sdelay $0xe  }
.Ltmp14:
0xee: {  	s9 =	spop @!p0 (v2sf);
	(pc) =	sbr.rel @p1 .LBB2_18-.Ltmp14, $4  }
0xef: {  	p2 =	seq.s32 @!p0 s0, s9  }
0xf0: {  	p2 =	por !p2, p0  }
0xf1: {  	s6 =	simm.s32 @p2 $0xFFFFFFFF  }
0xf2: {  	s6 =	smov.u32 @p0 s8  }
.LBB2_19:
0xf3: {  	p0 =	sne.s32 s6, $0xFFFFFFFF  }
.Ltmp15:
0xf4: {  	_ = 	snop;
	(pc) =	sbr.rel @!p0 .LBB2_20-.Ltmp15, $1  }
0xf5: {  	_ =	sdelay $0x3  }
0xf6: {  	v0 =	vld.msk [tilespmem:s4+$0xE0], $0x1;
	v1 =	vmov s6  }
.Ltmp16:
0xf7: {  	_ = 	snop;
	(pc) =	sbr.rel .LBB2_22-.Ltmp16, $2  }
0xf8: {  	_ =	sdelay $0x2  }
0xf9: {  	[tilespmem:v1+s3+$0x0], v0 =	vst.idx.ret.add.f32.msk $0x1, v0  }
.LBB2_23:
0xfa: {  	p0 =	slt.s32 s2, $0x1  }
.Ltmp17:
0xfb: {  	_ = 	snop;
	(pc) =	sbr.rel @p0 .LBB2_27-.Ltmp17, $3  }
0xfc: {  	_ =	sdelay $0x1  }
0xfd: {  	s0 =	simm.s32 $0x6  }
0xfe: {  	[sflag:s0] =	ssyncpa.u1 $0x1;
	s0 =	simm.s32 $0x0  }
0xff: {  	s3 =	simm.s32 $0xC0  }
0x100: {  	v0 =	vld.msk [tilespmem:s3+$0x0], $0x1;
	_ =	sdelay $0x4  }
0x101: {  	(v2sf) =	vpush v0, $0x0;
	_ =	sdelay $0xe  }
0x102: {  	s2 =	sadd.s32 $0xFFFFFFFF, s2;
	s4 =	spop (v2sf)  }
0x103: {  	p1 =	sne.s32 s2, $0x0;
	p0 =	sgt.u32 s4, $0xFFFFF  }
.Ltmp18:
0x104: {  	s5 =	sshrl.u32 @!p0 s4, $0x3;
	(pc) =	sbr.rel @!p1 .LBB2_26-.Ltmp18, $4  }
0x105: {  	s3 =	simm.s32 $0xE0;
	s4 =	sand.u32 @!p0 $0x7, s4;
	s5 =	sadd.s32 @!p0 s1, s5  }
0x106: {  	[hbm4b:s5+s4] =	stream.linear.scatter @!p0 [tilespmem:s3], [sflag:$0x5], $0x1, $0x38;
	[tilespmem:$0xFC0] =	vst v63  }
0x107: {  	s5 =	simm.s32 $0x0  }
0x108: {  	s4 =	simm.s32 $0xC1;
	s5 =	simm.s32 @!p0 $0x4  }
.LBB2_25:
0x109: {  	v0 =	vld.msk [tilespmem:s4+$0x0], $0x1;
	s2 =	sadd.s32 $0xFFFFFFFF, s2;
	s0 =	sadd.s32 s0, s5  }
0x10a: {  	p0 =	sne.s32 s2, $0x0;
	_ =	sdelay $0x3  }
0x10b: {  	(v2sf) =	vpush v0, $0x0;
	_ =	sdelay $0xe  }
.Ltmp19:
0x10c: {  	s6 =	spop (v2sf);
	(pc) =	sbr.rel @p0 .LBB2_25-.Ltmp19, $4  }
0x10d: {  	s5 =	simm.s32 $0x0;
	p1 =	sgt.u32 s6, $0xFFFFF  }
0x10e: {  	s3 =	sadd.s32 $0x1, s3;
	s5 =	simm.s32 @!p1 $0x4;
	s7 =	sshrl.u32 @!p1 s6, $0x3  }
0x10f: {  	s4 =	sadd.s32 $0x1, s4;
	s6 =	sand.u32 @!p1 $0x7, s6;
	s7 =	sadd.s32 @!p1 s1, s7  }
0x110: {  	[hbm4b:s7+s6] =	stream.linear.scatter @!p1 [tilespmem:s3], [sflag:$0x5], $0x1, $0x38;
	[tilespmem:$0xFC0] =	vst v63  }
.LBB2_26:
0x111: {  	s0 =	sadd.s32 s0, s5  }
0x112: {  	s0 =	sshrl.u32 s0, $0x2  }
.LBB2_27:
0x113: {  	s1 =	simm.s32 $0x5  }
0x114: {  	_ =	swait.ge [sflag:s1], s0  }
0x115: {  	s28 =	ssub.s32 $0x0, s0;
	[sflag:s1] =	ssyncset.done $0x0  }
0x116: {  	[sflag:s1] =	ssyncadd.s32 s28  }
0x117: {  	[sflag:s1] =	ssyncpa.u1 $0x1  }
0x118: {  	s29 =	simm.s32 $0x1;
	_ =	sfence  }
0x119: {  	s30 =	simm.s32 $0x2;
	[sflag:s29] =	ssyncpa.u1 $0x1  }
0x11a: {  	[sflag:s30] =	ssyncpa.u1 $0x1  }
0x11b: {  	_ =	strace $0x9000004D  }
0x11c: {  	[bflag:$0x2] =	sbarrier.arrive $0xFFFF  }
0x11d: {  	s31 =	rddreg [dreg:$0x3]  }
0x11e: {  	s0 =	sadd.s32 $0x100000, s31  }
0x11f: {  	[sflag:s0] =	ssyncadd.tile.s32 $0x1;
	_ =	shalt  }
.Lfunc_end2:
_tile_overlayer_lowered:
.L_overlay_start_2:
0x120: {  	(tag) =	ssettag $0x2  }
0x121: {  	s0 =	rddreg [dreg:$0x0];
	s2 =	stileid.u32  }
0x122: {  	s1 =	rddreg [dreg:$0x1];
	p0 =	sne.s32 s2, $0x0  }
0x123: {  	s3 =	rddreg [dreg:$0x2];
	[bflag:$0x3] =	sbarrier.arrive $0xFFFF;
	s2 =	simm.s32 @!p0 $0x1C01  }
0x124: {  	[timem:s3], [sflag:s2] =	dma.local @!p0 [hbm:s0], s1  }
0x125: {  	s0 =	simm.s32 @!p0 $0x1  }
0x126: {  	_ =	swait.ge @!p0 [sflag:s0], s1  }
0x127: {  	s1 =	ssub.s32 @!p0 $0x0, s1;
	[sflag:s0] =	ssyncset.done @!p0 $0x0  }
0x128: {  	[sflag:s0] =	ssyncadd.s32 @!p0 s1  }
0x129: {  	[bflag:$0x3] =	sbarrier.arrive $0xFFFF  }
0x12a: {  	_ =	shalt  }

</sc_bundles>
